<compile_context>
chip_gen: v7x
topology: tpu7x:2x2x1
jax: 0.10.2.dev20260603
libtpu: 0.0.44.dev20260713+nightly
codegen_flags: <defaults>
</compile_context>

<pallas_src>
import functools

import jax
import jax.numpy as jnp
from jax import lax
from jax.experimental import pallas as pl
from jax.experimental.pallas import tpu as pltpu
from jax.experimental.pallas import tpu_sc as plsc

_NC, _NS = 2, 16
_NW = _NC * _NS
_CH = 128


def _sc_gather(idx, table, start, nrows, d):
    rpw = nrows // _NW
    nchunk = rpw // _CH
    nvoc = table.shape[0]
    mesh = plsc.VectorSubcoreMesh(core_axis_name="c", subcore_axis_name="s")

    @functools.partial(
        pl.kernel,
        out_type=jax.ShapeDtypeStruct((nrows, d), jnp.float32),
        mesh=mesh,
        scratch_types=[
            pltpu.VMEM((_CH,), jnp.int32),
            pltpu.VMEM((_CH,), jnp.int32),
            pltpu.VMEM((_CH, d), jnp.float32),
            pltpu.VMEM((_CH, d), jnp.float32),
            pltpu.VMEM_SHARED((nvoc, d), jnp.float32),
            pltpu.SemaphoreType.DMA,
            pltpu.SemaphoreType.DMA,
            pltpu.SemaphoreType.DMA,
            pltpu.SemaphoreType.DMA,
        ],
    )
    def gather_kernel(idx_hbm, table_hbm, out_hbm, idx_v0, idx_v1,
                      rows_v0, rows_v1, tbl_sh, sg0, sg1, so0, so1):
        sid = lax.axis_index("s")

        @pl.when(sid == 0)
        def _():
            pltpu.sync_copy(table_hbm, tbl_sh)
        plsc.subcore_barrier()
        wid = lax.axis_index("s") * _NC + lax.axis_index("c")
        base = wid * rpw
        idx_bufs = (idx_v0, idx_v1)
        row_bufs = (rows_v0, rows_v1)
        g_sems = (sg0, sg1)
        o_sems = (so0, so1)
        g_descs = [None] * nchunk
        o_descs = [None] * nchunk
        for j in range(nchunk):
            bi = j % 2
            off = base + j * _CH
            if j >= 2:
                o_descs[j - 2].wait()
            pltpu.sync_copy(idx_hbm.at[pl.ds(start + off, _CH)], idx_bufs[bi])
            g_descs[j] = pltpu.async_copy(
                tbl_sh.at[idx_bufs[bi]], row_bufs[bi], g_sems[bi])
            if j >= 1:
                g_descs[j - 1].wait()
                poff = base + (j - 1) * _CH
                o_descs[j - 1] = pltpu.async_copy(
                    row_bufs[1 - bi], out_hbm.at[pl.ds(poff, _CH)],
                    o_sems[1 - bi])
        g_descs[nchunk - 1].wait()
        o_descs[nchunk - 1] = pltpu.async_copy(
            row_bufs[(nchunk - 1) % 2],
            out_hbm.at[pl.ds(base + (nchunk - 1) * _CH, _CH)],
            o_sems[(nchunk - 1) % 2])
        o_descs[nchunk - 2].wait()
        o_descs[nchunk - 1].wait()

    return gather_kernel(idx, table)


def _make_tc_body(lb, b, d, has_alias):
    tn = (((0,), (0,)), ((), ()))

    def _tc_body(s_ref, a_ref, r_ref, t_ref, ws_ref, bs_ref, wa_ref, ba_ref,
                 wr_ref, br_ref, *rest):
        o_ref = rest[1] if has_alias else rest[0]
        ws = ws_ref[...]
        wa = wa_ref[...]
        wr = wr_ref[...]
        bs_ = bs_ref[...][None, :]
        ba_ = ba_ref[...][None, :]
        br_ = br_ref[...][None, :]
        for jj in range(lb):
            t = t_ref[pl.ds(jj * b, b), :]
            se = lax.dot_general(s_ref[jj], ws, tn,
                                 preferred_element_type=jnp.float32) + bs_ + t
            ae = lax.dot_general(a_ref[jj], wa, tn,
                                 preferred_element_type=jnp.float32) + ba_ + t
            re = lax.dot_general(r_ref[jj], wr, tn,
                                 preferred_element_type=jnp.float32) + br_ + t
            o_ref[3 * jj + 0] = re
            o_ref[3 * jj + 1] = se
            o_ref[3 * jj + 2] = ae
    return _tc_body


def _tc_phase(st, at, rt, t_emb, Ws, bs, Wa, ba, Wr, br,
              l, b, d, sd, ad, t0, tc, lb, prev_out):
    grid = tc // lb
    o0 = t0 // lb
    in_specs = [
        pl.BlockSpec((lb, sd, b), lambda i, o0=o0: (i + o0, 0, 0)),
        pl.BlockSpec((lb, ad, b), lambda i, o0=o0: (i + o0, 0, 0)),
        pl.BlockSpec((lb, 1, b), lambda i, o0=o0: (i + o0, 0, 0)),
        pl.BlockSpec((lb * b, d), lambda i: (i, 0)),
        pl.BlockSpec((sd, d), lambda i: (0, 0)),
        pl.BlockSpec((d,), lambda i: (0,)),
        pl.BlockSpec((ad, d), lambda i: (0, 0)),
        pl.BlockSpec((d,), lambda i: (0,)),
        pl.BlockSpec((1, d), lambda i: (0, 0)),
        pl.BlockSpec((d,), lambda i: (0,)),
    ]
    inputs = [st, at, rt, t_emb, Ws, bs, Wa, ba, Wr, br]
    kwargs = {}
    if prev_out is not None:
        in_specs.append(pl.BlockSpec(memory_space=pltpu.MemorySpace.HBM))
        inputs.append(prev_out)
        kwargs['input_output_aliases'] = {10: 0}
    return pl.pallas_call(
        _make_tc_body(lb, b, d, prev_out is not None),
        grid=(grid,),
        in_specs=in_specs,
        out_specs=pl.BlockSpec((3 * lb, b, d), lambda i, o0=o0: (i + o0, 0, 0)),
        out_shape=jax.ShapeDtypeStruct((3 * l, b, d), jnp.float32),
        **kwargs,
    )(*inputs)


def kernel(states, actions, returns_to_go, time_steps, timestep_table,
           Ws, bs, Wa, ba, Wr, br):
    b, l, sd = states.shape
    ad = actions.shape[-1]
    d = timestep_table.shape[-1]
    rows = b * l

    st = states.transpose(1, 2, 0)
    at = actions.transpose(1, 2, 0)
    rt = returns_to_go.transpose(1, 2, 0)
    idx = time_steps.transpose(1, 0).reshape(rows).astype(jnp.int32)

    lb = 4
    phases = (24, 36, 40)
    t_embs = []
    t0 = 0
    for tc in phases:
        t_embs.append(_sc_gather(idx, timestep_table, t0 * b, tc * b, d))
        t0 += tc

    out = None
    t0 = 0
    for tc, t_emb in zip(phases, t_embs):
        out = _tc_phase(st, at, rt, t_emb, Ws, bs, Wa, ba, Wr, br,
                        l, b, d, sd, ad, t0, tc, lb, out)
        t0 += tc
    return out.transpose(1, 0, 2)

# --- scband reference (transcript-rebuilt; emitter-appended) ---
"""Pipeline reference for scband-dynamic-embedding-57389353009890 (READ-ONLY COPY).

The authoritative reference and input builder live on the scoring server;
editing this copy changes nothing except your own understanding.
"""

import jax, jax.numpy as jnp
import numpy as np

B, L = 1024, 100
STATE_DIM, ACTION_DIM, D = 64, 16, 128
EPISODE_LEN = 4096

def setup_inputs(seed: int = 0) -> dict:
    key = jax.random.key(seed)
    ks = jax.random.split(key, 12)
    inp = {}
    inp['states'] = jax.random.normal(ks[0], (B, L, STATE_DIM), dtype=jnp.float32)
    inp['actions'] = jax.random.normal(ks[1], (B, L, ACTION_DIM), dtype=jnp.float32)
    inp['returns_to_go'] = jax.random.normal(ks[2], (B, L, 1), dtype=jnp.float32)
    inp['time_steps'] = jax.random.randint(ks[3], (B, L), 0, EPISODE_LEN)
    # learned parameters of OriginalEnvEmbedding
    inp['timestep_table'] = jax.random.normal(ks[4], (EPISODE_LEN + L, D), dtype=jnp.float32) * 0.02
    inp['Ws'] = jax.random.normal(ks[5], (STATE_DIM, D), dtype=jnp.float32) * (1.0 / np.sqrt(STATE_DIM))
    inp['bs'] = jnp.zeros((D,), dtype=jnp.float32)
    inp['Wa'] = jax.random.normal(ks[6], (ACTION_DIM, D), dtype=jnp.float32) * (1.0 / np.sqrt(ACTION_DIM))
    inp['ba'] = jnp.zeros((D,), dtype=jnp.float32)
    inp['Wr'] = jax.random.normal(ks[7], (1, D), dtype=jnp.float32)
    inp['br'] = jnp.zeros((D,), dtype=jnp.float32)
    return inp

def reference(states, actions, returns_to_go, time_steps, timestep_table, Ws, bs, Wa, ba, Wr, br):
    # timestep embedding lookup (SparseCore-style gather)
    time_emb = jnp.take(timestep_table, time_steps, axis=0)  # [B, L, D]
    state_emb = states @ Ws + bs + time_emb                  # [B, L, D]
    action_emb = actions @ Wa + ba + time_emb                # [B, L, D]
    return_emb = returns_to_go @ Wr + br + time_emb          # [B, L, D]
    # interleave as (return, state, action) per timestep -> [B, 3L, D]
    b, l, d = state_emb.shape
    seq = jnp.stack([return_emb, state_emb, action_emb], axis=2).reshape(b, 3 * l, d)
    return seq

if __name__ == "__main__":
    import jax
    _d = setup_inputs()
    print(jax.jit(kernel)(*tuple(_d.values())))

</pallas_src>

<mosaic_0001>
#map = affine_map<(d0, d1) -> (0)>
#map1 = affine_map<(d0, d1) -> (0, 0)>
module attributes {stable_mosaic.version = 14 : i64} {
  func.func @gather_kernel(%arg0: i32, %arg1: i32, %arg2: memref<102400xi32, #tpu.memory_space<hbm>>, %arg3: memref<4196x128xf32, #tpu.memory_space<hbm>>, %arg4: memref<24576x128xf32, #tpu.memory_space<hbm>>, %arg5: memref<128xi32, #tpu.memory_space<vmem>>, %arg6: memref<128xi32, #tpu.memory_space<vmem>>, %arg7: memref<128x128xf32, #tpu.memory_space<vmem>>, %arg8: memref<128x128xf32, #tpu.memory_space<vmem>>, %arg9: memref<4196x128xf32, #tpu.memory_space<vmem_shared>>, %arg10: memref<!tpu.dma_semaphore, #tpu.memory_space<semaphore_mem>>, %arg11: memref<!tpu.dma_semaphore, #tpu.memory_space<semaphore_mem>>, %arg12: memref<!tpu.dma_semaphore, #tpu.memory_space<semaphore_mem>>, %arg13: memref<!tpu.dma_semaphore, #tpu.memory_space<semaphore_mem>>) attributes {dimension_semantics = [#tpu.dimension_semantics<core_parallel>, #tpu.dimension_semantics<subcore_parallel>], iteration_bounds = array<i64: 2, 16>, scalar_prefetch = 0 : i64, scratch_operands = 9 : i64, tpu.core_type = #tpu.core_type<sc_vector_subcore>, window_params = [{transform_indices = #map}, {transform_indices = #map1}, {transform_indices = #map1}]} {
    %eq3A = arith.constant 0 : i32
    %eq3A_0 = arith.cmpi eq, %arg1, %eq3A : i32
    %convert_element_type3A = arith.extui %eq3A_0 : i1 to i32
    %cond3A = arith.constant 0 : i32
    %cond3A_1 = arith.cmpi ne, %convert_element_type3A, %cond3A : i32
    scf.if %cond3A_1 {
      "tpu.region"() ({
        %run_scoped3A = tpu.sem_alloc : memref<!tpu.dma_semaphore, #tpu.memory_space<semaphore_mem>>
        tpu.enqueue_dma source(%arg3 : memref<4196x128xf32, #tpu.memory_space<hbm>>) target(%arg9 : memref<4196x128xf32, #tpu.memory_space<vmem_shared>>) target_semaphore(%run_scoped3A : memref<!tpu.dma_semaphore, #tpu.memory_space<semaphore_mem>>)
        tpu.wait_dma2 semaphore(%run_scoped3A : memref<!tpu.dma_semaphore, #tpu.memory_space<semaphore_mem>>) src(%arg3 : memref<4196x128xf32, #tpu.memory_space<hbm>>) dst(%arg9 : memref<4196x128xf32, #tpu.memory_space<vmem_shared>>)
        tpu.yield
      }) : () -> ()
    } else {
    }
    %barrier3A = arith.constant 0 : index
    tpu.barrier barrier_id(%barrier3A)
    %mul3A = arith.constant 2 : i32
    %mul3A_2 = arith.muli %arg1, %mul3A : i32
    %add3A = arith.addi %mul3A_2, %arg0 : i32
    %mul3A_3 = arith.constant 768 : i32
    %mul3A_4 = arith.muli %add3A, %mul3A_3 : i32
    %add3A_5 = arith.constant 0 : i32
    %add3A_6 = arith.addi %mul3A_4, %add3A_5 : i32
    %add3A_7 = arith.constant 0 : i32
    %add3A_8 = arith.addi %add3A_7, %add3A_6 : i32
    "tpu.region"() ({
      %run_scoped3A = tpu.sem_alloc : memref<!tpu.dma_semaphore, #tpu.memory_space<semaphore_mem>>
      %dma_start3A_123 = tpu.memref_slice %arg2[%add3A_8] : memref<102400xi32, #tpu.memory_space<hbm>> -> memref<128xi32, #tpu.memory_space<hbm>>
      %dma_start3A_124 = tpu.memref_slice %arg2[%add3A_8] : memref<102400xi32, #tpu.memory_space<hbm>> -> memref<128xi32, #tpu.memory_space<hbm>>
      tpu.enqueue_dma source(%dma_start3A_124 : memref<128xi32, #tpu.memory_space<hbm>>) target(%arg5 : memref<128xi32, #tpu.memory_space<vmem>>) target_semaphore(%run_scoped3A : memref<!tpu.dma_semaphore, #tpu.memory_space<semaphore_mem>>)
      %dma_wait3A_125 = tpu.memref_slice %arg2[%add3A_8] : memref<102400xi32, #tpu.memory_space<hbm>> -> memref<128xi32, #tpu.memory_space<hbm>>
      %dma_wait3A_126 = tpu.memref_slice %arg2[%add3A_8] : memref<102400xi32, #tpu.memory_space<hbm>> -> memref<128xi32, #tpu.memory_space<hbm>>
      tpu.wait_dma2 semaphore(%run_scoped3A : memref<!tpu.dma_semaphore, #tpu.memory_space<semaphore_mem>>) src(%dma_wait3A_126 : memref<128xi32, #tpu.memory_space<hbm>>) dst(%arg5 : memref<128xi32, #tpu.memory_space<vmem>>)
      tpu.yield
    }) : () -> ()
    %dma_start3A = arith.constant 0 : i32
    %dma_start3A_9 = arith.constant 0 : i32
    %dma_start3A_10 = tpu.memref_slice %arg9[%dma_start3A, %dma_start3A_9] : memref<4196x128xf32, #tpu.memory_space<vmem_shared>> -> memref<4196x128xf32, #tpu.memory_space<vmem_shared>>
    tpu.enqueue_indirect_dma source(%dma_start3A_10 : memref<4196x128xf32, #tpu.memory_space<vmem_shared>>) target(%arg7 : memref<128x128xf32, #tpu.memory_space<vmem>>) offsets(%arg5 : memref<128xi32, #tpu.memory_space<vmem>>) semaphore(%arg10 : memref<!tpu.dma_semaphore, #tpu.memory_space<semaphore_mem>>)
    %add3A_11 = arith.constant 128 : i32
    %add3A_12 = arith.addi %mul3A_4, %add3A_11 : i32
    %add3A_13 = arith.constant 0 : i32
    %add3A_14 = arith.addi %add3A_13, %add3A_12 : i32
    "tpu.region"() ({
      %run_scoped3A = tpu.sem_alloc : memref<!tpu.dma_semaphore, #tpu.memory_space<semaphore_mem>>
      %dma_start3A_123 = tpu.memref_slice %arg2[%add3A_14] : memref<102400xi32, #tpu.memory_space<hbm>> -> memref<128xi32, #tpu.memory_space<hbm>>
      %dma_start3A_124 = tpu.memref_slice %arg2[%add3A_14] : memref<102400xi32, #tpu.memory_space<hbm>> -> memref<128xi32, #tpu.memory_space<hbm>>
      tpu.enqueue_dma source(%dma_start3A_124 : memref<128xi32, #tpu.memory_space<hbm>>) target(%arg6 : memref<128xi32, #tpu.memory_space<vmem>>) target_semaphore(%run_scoped3A : memref<!tpu.dma_semaphore, #tpu.memory_space<semaphore_mem>>)
      %dma_wait3A_125 = tpu.memref_slice %arg2[%add3A_14] : memref<102400xi32, #tpu.memory_space<hbm>> -> memref<128xi32, #tpu.memory_space<hbm>>
      %dma_wait3A_126 = tpu.memref_slice %arg2[%add3A_14] : memref<102400xi32, #tpu.memory_space<hbm>> -> memref<128xi32, #tpu.memory_space<hbm>>
      tpu.wait_dma2 semaphore(%run_scoped3A : memref<!tpu.dma_semaphore, #tpu.memory_space<semaphore_mem>>) src(%dma_wait3A_126 : memref<128xi32, #tpu.memory_space<hbm>>) dst(%arg6 : memref<128xi32, #tpu.memory_space<vmem>>)
      tpu.yield
    }) : () -> ()
    %dma_start3A_15 = arith.constant 0 : i32
    %dma_start3A_16 = arith.constant 0 : i32
    %dma_start3A_17 = tpu.memref_slice %arg9[%dma_start3A_15, %dma_start3A_16] : memref<4196x128xf32, #tpu.memory_space<vmem_shared>> -> memref<4196x128xf32, #tpu.memory_space<vmem_shared>>
    tpu.enqueue_indirect_dma source(%dma_start3A_17 : memref<4196x128xf32, #tpu.memory_space<vmem_shared>>) target(%arg8 : memref<128x128xf32, #tpu.memory_space<vmem>>) offsets(%arg6 : memref<128xi32, #tpu.memory_space<vmem>>) semaphore(%arg11 : memref<!tpu.dma_semaphore, #tpu.memory_space<semaphore_mem>>)
    %dma_wait3A = arith.constant 0 : i32
    %dma_wait3A_18 = arith.constant 0 : i32
    %dma_wait3A_19 = tpu.memref_slice %arg9[%dma_wait3A, %dma_wait3A_18] : memref<4196x128xf32, #tpu.memory_space<vmem_shared>> -> memref<4196x128xf32, #tpu.memory_space<vmem_shared>>
    tpu.wait_indirect_dma semaphore(%arg10 : memref<!tpu.dma_semaphore, #tpu.memory_space<semaphore_mem>>) src(%dma_wait3A_19 : memref<4196x128xf32, #tpu.memory_space<vmem_shared>>) dst(%arg7 : memref<128x128xf32, #tpu.memory_space<vmem>>)
    %add3A_20 = arith.constant 0 : i32
    %add3A_21 = arith.addi %mul3A_4, %add3A_20 : i32
    %dma_start3A_22 = arith.constant 0 : i32
    %dma_start3A_23 = tpu.memref_slice %arg4[%add3A_21, %dma_start3A_22] : memref<24576x128xf32, #tpu.memory_space<hbm>> -> memref<128x128xf32, #tpu.memory_space<hbm>>
    %dma_start3A_24 = arith.constant 0 : i32
    %dma_start3A_25 = tpu.memref_slice %arg4[%add3A_21, %dma_start3A_24] : memref<24576x128xf32, #tpu.memory_space<hbm>> -> memref<128x128xf32, #tpu.memory_space<hbm>>
    tpu.enqueue_dma source(%arg7 : memref<128x128xf32, #tpu.memory_space<vmem>>) target(%dma_start3A_25 : memref<128x128xf32, #tpu.memory_space<hbm>>) target_semaphore(%arg12 : memref<!tpu.dma_semaphore, #tpu.memory_space<semaphore_mem>>)
    %add3A_26 = arith.constant 256 : i32
    %add3A_27 = arith.addi %mul3A_4, %add3A_26 : i32
    %dma_wait3A_28 = arith.constant 0 : i32
    %dma_wait3A_29 = tpu.memref_slice %arg4[%add3A_21, %dma_wait3A_28] : memref<24576x128xf32, #tpu.memory_space<hbm>> -> memref<128x128xf32, #tpu.memory_space<hbm>>
    %dma_wait3A_30 = arith.constant 0 : i32
    %dma_wait3A_31 = tpu.memref_slice %arg4[%add3A_21, %dma_wait3A_30] : memref<24576x128xf32, #tpu.memory_space<hbm>> -> memref<128x128xf32, #tpu.memory_space<hbm>>
    tpu.wait_dma2 semaphore(%arg12 : memref<!tpu.dma_semaphore, #tpu.memory_space<semaphore_mem>>) src(%arg7 : memref<128x128xf32, #tpu.memory_space<vmem>>) dst(%dma_wait3A_31 : memref<128x128xf32, #tpu.memory_space<hbm>>)
    %add3A_32 = arith.constant 0 : i32
    %add3A_33 = arith.addi %add3A_32, %add3A_27 : i32
    "tpu.region"() ({
      %run_scoped3A = tpu.sem_alloc : memref<!tpu.dma_semaphore, #tpu.memory_space<semaphore_mem>>
      %dma_start3A_123 = tpu.memref_slice %arg2[%add3A_33] : memref<102400xi32, #tpu.memory_space<hbm>> -> memref<128xi32, #tpu.memory_space<hbm>>
      %dma_start3A_124 = tpu.memref_slice %arg2[%add3A_33] : memref<102400xi32, #tpu.memory_space<hbm>> -> memref<128xi32, #tpu.memory_space<hbm>>
      tpu.enqueue_dma source(%dma_start3A_124 : memref<128xi32, #tpu.memory_space<hbm>>) target(%arg5 : memref<128xi32, #tpu.memory_space<vmem>>) target_semaphore(%run_scoped3A : memref<!tpu.dma_semaphore, #tpu.memory_space<semaphore_mem>>)
      %dma_wait3A_125 = tpu.memref_slice %arg2[%add3A_33] : memref<102400xi32, #tpu.memory_space<hbm>> -> memref<128xi32, #tpu.memory_space<hbm>>
      %dma_wait3A_126 = tpu.memref_slice %arg2[%add3A_33] : memref<102400xi32, #tpu.memory_space<hbm>> -> memref<128xi32, #tpu.memory_space<hbm>>
      tpu.wait_dma2 semaphore(%run_scoped3A : memref<!tpu.dma_semaphore, #tpu.memory_space<semaphore_mem>>) src(%dma_wait3A_126 : memref<128xi32, #tpu.memory_space<hbm>>) dst(%arg5 : memref<128xi32, #tpu.memory_space<vmem>>)
      tpu.yield
    }) : () -> ()
    %dma_start3A_34 = arith.constant 0 : i32
    %dma_start3A_35 = arith.constant 0 : i32
    %dma_start3A_36 = tpu.memref_slice %arg9[%dma_start3A_34, %dma_start3A_35] : memref<4196x128xf32, #tpu.memory_space<vmem_shared>> -> memref<4196x128xf32, #tpu.memory_space<vmem_shared>>
    tpu.enqueue_indirect_dma source(%dma_start3A_36 : memref<4196x128xf32, #tpu.memory_space<vmem_shared>>) target(%arg7 : memref<128x128xf32, #tpu.memory_space<vmem>>) offsets(%arg5 : memref<128xi32, #tpu.memory_space<vmem>>) semaphore(%arg10 : memref<!tpu.dma_semaphore, #tpu.memory_space<semaphore_mem>>)
    %dma_wait3A_37 = arith.constant 0 : i32
    %dma_wait3A_38 = arith.constant 0 : i32
    %dma_wait3A_39 = tpu.memref_slice %arg9[%dma_wait3A_37, %dma_wait3A_38] : memref<4196x128xf32, #tpu.memory_space<vmem_shared>> -> memref<4196x128xf32, #tpu.memory_space<vmem_shared>>
    tpu.wait_indirect_dma semaphore(%arg11 : memref<!tpu.dma_semaphore, #tpu.memory_space<semaphore_mem>>) src(%dma_wait3A_39 : memref<4196x128xf32, #tpu.memory_space<vmem_shared>>) dst(%arg8 : memref<128x128xf32, #tpu.memory_space<vmem>>)
    %add3A_40 = arith.constant 128 : i32
    %add3A_41 = arith.addi %mul3A_4, %add3A_40 : i32
    %dma_start3A_42 = arith.constant 0 : i32
    %dma_start3A_43 = tpu.memref_slice %arg4[%add3A_41, %dma_start3A_42] : memref<24576x128xf32, #tpu.memory_space<hbm>> -> memref<128x128xf32, #tpu.memory_space<hbm>>
    %dma_start3A_44 = arith.constant 0 : i32
    %dma_start3A_45 = tpu.memref_slice %arg4[%add3A_41, %dma_start3A_44] : memref<24576x128xf32, #tpu.memory_space<hbm>> -> memref<128x128xf32, #tpu.memory_space<hbm>>
    tpu.enqueue_dma source(%arg8 : memref<128x128xf32, #tpu.memory_space<vmem>>) target(%dma_start3A_45 : memref<128x128xf32, #tpu.memory_space<hbm>>) target_semaphore(%arg13 : memref<!tpu.dma_semaphore, #tpu.memory_space<semaphore_mem>>)
    %add3A_46 = arith.constant 384 : i32
    %add3A_47 = arith.addi %mul3A_4, %add3A_46 : i32
    %dma_wait3A_48 = arith.constant 0 : i32
    %dma_wait3A_49 = tpu.memref_slice %arg4[%add3A_41, %dma_wait3A_48] : memref<24576x128xf32, #tpu.memory_space<hbm>> -> memref<128x128xf32, #tpu.memory_space<hbm>>
    %dma_wait3A_50 = arith.constant 0 : i32
    %dma_wait3A_51 = tpu.memref_slice %arg4[%add3A_41, %dma_wait3A_50] : memref<24576x128xf32, #tpu.memory_space<hbm>> -> memref<128x128xf32, #tpu.memory_space<hbm>>
    tpu.wait_dma2 semaphore(%arg13 : memref<!tpu.dma_semaphore, #tpu.memory_space<semaphore_mem>>) src(%arg8 : memref<128x128xf32, #tpu.memory_space<vmem>>) dst(%dma_wait3A_51 : memref<128x128xf32, #tpu.memory_space<hbm>>)
    %add3A_52 = arith.constant 0 : i32
    %add3A_53 = arith.addi %add3A_52, %add3A_47 : i32
    "tpu.region"() ({
      %run_scoped3A = tpu.sem_alloc : memref<!tpu.dma_semaphore, #tpu.memory_space<semaphore_mem>>
      %dma_start3A_123 = tpu.memref_slice %arg2[%add3A_53] : memref<102400xi32, #tpu.memory_space<hbm>> -> memref<128xi32, #tpu.memory_space<hbm>>
      %dma_start3A_124 = tpu.memref_slice %arg2[%add3A_53] : memref<102400xi32, #tpu.memory_space<hbm>> -> memref<128xi32, #tpu.memory_space<hbm>>
      tpu.enqueue_dma source(%dma_start3A_124 : memref<128xi32, #tpu.memory_space<hbm>>) target(%arg6 : memref<128xi32, #tpu.memory_space<vmem>>) target_semaphore(%run_scoped3A : memref<!tpu.dma_semaphore, #tpu.memory_space<semaphore_mem>>)
      %dma_wait3A_125 = tpu.memref_slice %arg2[%add3A_53] : memref<102400xi32, #tpu.memory_space<hbm>> -> memref<128xi32, #tpu.memory_space<hbm>>
      %dma_wait3A_126 = tpu.memref_slice %arg2[%add3A_53] : memref<102400xi32, #tpu.memory_space<hbm>> -> memref<128xi32, #tpu.memory_space<hbm>>
      tpu.wait_dma2 semaphore(%run_scoped3A : memref<!tpu.dma_semaphore, #tpu.memory_space<semaphore_mem>>) src(%dma_wait3A_126 : memref<128xi32, #tpu.memory_space<hbm>>) dst(%arg6 : memref<128xi32, #tpu.memory_space<vmem>>)
      tpu.yield
    }) : () -> ()
    %dma_start3A_54 = arith.constant 0 : i32
    %dma_start3A_55 = arith.constant 0 : i32
    %dma_start3A_56 = tpu.memref_slice %arg9[%dma_start3A_54, %dma_start3A_55] : memref<4196x128xf32, #tpu.memory_space<vmem_shared>> -> memref<4196x128xf32, #tpu.memory_space<vmem_shared>>
    tpu.enqueue_indirect_dma source(%dma_start3A_56 : memref<4196x128xf32, #tpu.memory_space<vmem_shared>>) target(%arg8 : memref<128x128xf32, #tpu.memory_space<vmem>>) offsets(%arg6 : memref<128xi32, #tpu.memory_space<vmem>>) semaphore(%arg11 : memref<!tpu.dma_semaphore, #tpu.memory_space<semaphore_mem>>)
    %dma_wait3A_57 = arith.constant 0 : i32
    %dma_wait3A_58 = arith.constant 0 : i32
    %dma_wait3A_59 = tpu.memref_slice %arg9[%dma_wait3A_57, %dma_wait3A_58] : memref<4196x128xf32, #tpu.memory_space<vmem_shared>> -> memref<4196x128xf32, #tpu.memory_space<vmem_shared>>
    tpu.wait_indirect_dma semaphore(%arg10 : memref<!tpu.dma_semaphore, #tpu.memory_space<semaphore_mem>>) src(%dma_wait3A_59 : memref<4196x128xf32, #tpu.memory_space<vmem_shared>>) dst(%arg7 : memref<128x128xf32, #tpu.memory_space<vmem>>)
    %add3A_60 = arith.constant 256 : i32
    %add3A_61 = arith.addi %mul3A_4, %add3A_60 : i32
    %dma_start3A_62 = arith.constant 0 : i32
    %dma_start3A_63 = tpu.memref_slice %arg4[%add3A_61, %dma_start3A_62] : memref<24576x128xf32, #tpu.memory_space<hbm>> -> memref<128x128xf32, #tpu.memory_space<hbm>>
    %dma_start3A_64 = arith.constant 0 : i32
    %dma_start3A_65 = tpu.memref_slice %arg4[%add3A_61, %dma_start3A_64] : memref<24576x128xf32, #tpu.memory_space<hbm>> -> memref<128x128xf32, #tpu.memory_space<hbm>>
    tpu.enqueue_dma source(%arg7 : memref<128x128xf32, #tpu.memory_space<vmem>>) target(%dma_start3A_65 : memref<128x128xf32, #tpu.memory_space<hbm>>) target_semaphore(%arg12 : memref<!tpu.dma_semaphore, #tpu.memory_space<semaphore_mem>>)
    %add3A_66 = arith.constant 512 : i32
    %add3A_67 = arith.addi %mul3A_4, %add3A_66 : i32
    %dma_wait3A_68 = arith.constant 0 : i32
    %dma_wait3A_69 = tpu.memref_slice %arg4[%add3A_61, %dma_wait3A_68] : memref<24576x128xf32, #tpu.memory_space<hbm>> -> memref<128x128xf32, #tpu.memory_space<hbm>>
    %dma_wait3A_70 = arith.constant 0 : i32
    %dma_wait3A_71 = tpu.memref_slice %arg4[%add3A_61, %dma_wait3A_70] : memref<24576x128xf32, #tpu.memory_space<hbm>> -> memref<128x128xf32, #tpu.memory_space<hbm>>
    tpu.wait_dma2 semaphore(%arg12 : memref<!tpu.dma_semaphore, #tpu.memory_space<semaphore_mem>>) src(%arg7 : memref<128x128xf32, #tpu.memory_space<vmem>>) dst(%dma_wait3A_71 : memref<128x128xf32, #tpu.memory_space<hbm>>)
    %add3A_72 = arith.constant 0 : i32
    %add3A_73 = arith.addi %add3A_72, %add3A_67 : i32
    "tpu.region"() ({
      %run_scoped3A = tpu.sem_alloc : memref<!tpu.dma_semaphore, #tpu.memory_space<semaphore_mem>>
      %dma_start3A_123 = tpu.memref_slice %arg2[%add3A_73] : memref<102400xi32, #tpu.memory_space<hbm>> -> memref<128xi32, #tpu.memory_space<hbm>>
      %dma_start3A_124 = tpu.memref_slice %arg2[%add3A_73] : memref<102400xi32, #tpu.memory_space<hbm>> -> memref<128xi32, #tpu.memory_space<hbm>>
      tpu.enqueue_dma source(%dma_start3A_124 : memref<128xi32, #tpu.memory_space<hbm>>) target(%arg5 : memref<128xi32, #tpu.memory_space<vmem>>) target_semaphore(%run_scoped3A : memref<!tpu.dma_semaphore, #tpu.memory_space<semaphore_mem>>)
      %dma_wait3A_125 = tpu.memref_slice %arg2[%add3A_73] : memref<102400xi32, #tpu.memory_space<hbm>> -> memref<128xi32, #tpu.memory_space<hbm>>
      %dma_wait3A_126 = tpu.memref_slice %arg2[%add3A_73] : memref<102400xi32, #tpu.memory_space<hbm>> -> memref<128xi32, #tpu.memory_space<hbm>>
      tpu.wait_dma2 semaphore(%run_scoped3A : memref<!tpu.dma_semaphore, #tpu.memory_space<semaphore_mem>>) src(%dma_wait3A_126 : memref<128xi32, #tpu.memory_space<hbm>>) dst(%arg5 : memref<128xi32, #tpu.memory_space<vmem>>)
      tpu.yield
    }) : () -> ()
    %dma_start3A_74 = arith.constant 0 : i32
    %dma_start3A_75 = arith.constant 0 : i32
    %dma_start3A_76 = tpu.memref_slice %arg9[%dma_start3A_74, %dma_start3A_75] : memref<4196x128xf32, #tpu.memory_space<vmem_shared>> -> memref<4196x128xf32, #tpu.memory_space<vmem_shared>>
    tpu.enqueue_indirect_dma source(%dma_start3A_76 : memref<4196x128xf32, #tpu.memory_space<vmem_shared>>) target(%arg7 : memref<128x128xf32, #tpu.memory_space<vmem>>) offsets(%arg5 : memref<128xi32, #tpu.memory_space<vmem>>) semaphore(%arg10 : memref<!tpu.dma_semaphore, #tpu.memory_space<semaphore_mem>>)
    %dma_wait3A_77 = arith.constant 0 : i32
    %dma_wait3A_78 = arith.constant 0 : i32
    %dma_wait3A_79 = tpu.memref_slice %arg9[%dma_wait3A_77, %dma_wait3A_78] : memref<4196x128xf32, #tpu.memory_space<vmem_shared>> -> memref<4196x128xf32, #tpu.memory_space<vmem_shared>>
    tpu.wait_indirect_dma semaphore(%arg11 : memref<!tpu.dma_semaphore, #tpu.memory_space<semaphore_mem>>) src(%dma_wait3A_79 : memref<4196x128xf32, #tpu.memory_space<vmem_shared>>) dst(%arg8 : memref<128x128xf32, #tpu.memory_space<vmem>>)
    %add3A_80 = arith.constant 384 : i32
    %add3A_81 = arith.addi %mul3A_4, %add3A_80 : i32
    %dma_start3A_82 = arith.constant 0 : i32
    %dma_start3A_83 = tpu.memref_slice %arg4[%add3A_81, %dma_start3A_82] : memref<24576x128xf32, #tpu.memory_space<hbm>> -> memref<128x128xf32, #tpu.memory_space<hbm>>
    %dma_start3A_84 = arith.constant 0 : i32
    %dma_start3A_85 = tpu.memref_slice %arg4[%add3A_81, %dma_start3A_84] : memref<24576x128xf32, #tpu.memory_space<hbm>> -> memref<128x128xf32, #tpu.memory_space<hbm>>
    tpu.enqueue_dma source(%arg8 : memref<128x128xf32, #tpu.memory_space<vmem>>) target(%dma_start3A_85 : memref<128x128xf32, #tpu.memory_space<hbm>>) target_semaphore(%arg13 : memref<!tpu.dma_semaphore, #tpu.memory_space<semaphore_mem>>)
    %add3A_86 = arith.constant 640 : i32
    %add3A_87 = arith.addi %mul3A_4, %add3A_86 : i32
    %dma_wait3A_88 = arith.constant 0 : i32
    %dma_wait3A_89 = tpu.memref_slice %arg4[%add3A_81, %dma_wait3A_88] : memref<24576x128xf32, #tpu.memory_space<hbm>> -> memref<128x128xf32, #tpu.memory_space<hbm>>
    %dma_wait3A_90 = arith.constant 0 : i32
    %dma_wait3A_91 = tpu.memref_slice %arg4[%add3A_81, %dma_wait3A_90] : memref<24576x128xf32, #tpu.memory_space<hbm>> -> memref<128x128xf32, #tpu.memory_space<hbm>>
    tpu.wait_dma2 semaphore(%arg13 : memref<!tpu.dma_semaphore, #tpu.memory_space<semaphore_mem>>) src(%arg8 : memref<128x128xf32, #tpu.memory_space<vmem>>) dst(%dma_wait3A_91 : memref<128x128xf32, #tpu.memory_space<hbm>>)
    %add3A_92 = arith.constant 0 : i32
    %add3A_93 = arith.addi %add3A_92, %add3A_87 : i32
    "tpu.region"() ({
      %run_scoped3A = tpu.sem_alloc : memref<!tpu.dma_semaphore, #tpu.memory_space<semaphore_mem>>
      %dma_start3A_123 = tpu.memref_slice %arg2[%add3A_93] : memref<102400xi32, #tpu.memory_space<hbm>> -> memref<128xi32, #tpu.memory_space<hbm>>
      %dma_start3A_124 = tpu.memref_slice %arg2[%add3A_93] : memref<102400xi32, #tpu.memory_space<hbm>> -> memref<128xi32, #tpu.memory_space<hbm>>
      tpu.enqueue_dma source(%dma_start3A_124 : memref<128xi32, #tpu.memory_space<hbm>>) target(%arg6 : memref<128xi32, #tpu.memory_space<vmem>>) target_semaphore(%run_scoped3A : memref<!tpu.dma_semaphore, #tpu.memory_space<semaphore_mem>>)
      %dma_wait3A_125 = tpu.memref_slice %arg2[%add3A_93] : memref<102400xi32, #tpu.memory_space<hbm>> -> memref<128xi32, #tpu.memory_space<hbm>>
      %dma_wait3A_126 = tpu.memref_slice %arg2[%add3A_93] : memref<102400xi32, #tpu.memory_space<hbm>> -> memref<128xi32, #tpu.memory_space<hbm>>
      tpu.wait_dma2 semaphore(%run_scoped3A : memref<!tpu.dma_semaphore, #tpu.memory_space<semaphore_mem>>) src(%dma_wait3A_126 : memref<128xi32, #tpu.memory_space<hbm>>) dst(%arg6 : memref<128xi32, #tpu.memory_space<vmem>>)
      tpu.yield
    }) : () -> ()
    %dma_start3A_94 = arith.constant 0 : i32
    %dma_start3A_95 = arith.constant 0 : i32
    %dma_start3A_96 = tpu.memref_slice %arg9[%dma_start3A_94, %dma_start3A_95] : memref<4196x128xf32, #tpu.memory_space<vmem_shared>> -> memref<4196x128xf32, #tpu.memory_space<vmem_shared>>
    tpu.enqueue_indirect_dma source(%dma_start3A_96 : memref<4196x128xf32, #tpu.memory_space<vmem_shared>>) target(%arg8 : memref<128x128xf32, #tpu.memory_space<vmem>>) offsets(%arg6 : memref<128xi32, #tpu.memory_space<vmem>>) semaphore(%arg11 : memref<!tpu.dma_semaphore, #tpu.memory_space<semaphore_mem>>)
    %dma_wait3A_97 = arith.constant 0 : i32
    %dma_wait3A_98 = arith.constant 0 : i32
    %dma_wait3A_99 = tpu.memref_slice %arg9[%dma_wait3A_97, %dma_wait3A_98] : memref<4196x128xf32, #tpu.memory_space<vmem_shared>> -> memref<4196x128xf32, #tpu.memory_space<vmem_shared>>
    tpu.wait_indirect_dma semaphore(%arg10 : memref<!tpu.dma_semaphore, #tpu.memory_space<semaphore_mem>>) src(%dma_wait3A_99 : memref<4196x128xf32, #tpu.memory_space<vmem_shared>>) dst(%arg7 : memref<128x128xf32, #tpu.memory_space<vmem>>)
    %add3A_100 = arith.constant 512 : i32
    %add3A_101 = arith.addi %mul3A_4, %add3A_100 : i32
    %dma_start3A_102 = arith.constant 0 : i32
    %dma_start3A_103 = tpu.memref_slice %arg4[%add3A_101, %dma_start3A_102] : memref<24576x128xf32, #tpu.memory_space<hbm>> -> memref<128x128xf32, #tpu.memory_space<hbm>>
    %dma_start3A_104 = arith.constant 0 : i32
    %dma_start3A_105 = tpu.memref_slice %arg4[%add3A_101, %dma_start3A_104] : memref<24576x128xf32, #tpu.memory_space<hbm>> -> memref<128x128xf32, #tpu.memory_space<hbm>>
    tpu.enqueue_dma source(%arg7 : memref<128x128xf32, #tpu.memory_space<vmem>>) target(%dma_start3A_105 : memref<128x128xf32, #tpu.memory_space<hbm>>) target_semaphore(%arg12 : memref<!tpu.dma_semaphore, #tpu.memory_space<semaphore_mem>>)
    %dma_wait3A_106 = arith.constant 0 : i32
    %dma_wait3A_107 = arith.constant 0 : i32
    %dma_wait3A_108 = tpu.memref_slice %arg9[%dma_wait3A_106, %dma_wait3A_107] : memref<4196x128xf32, #tpu.memory_space<vmem_shared>> -> memref<4196x128xf32, #tpu.memory_space<vmem_shared>>
    tpu.wait_indirect_dma semaphore(%arg11 : memref<!tpu.dma_semaphore, #tpu.memory_space<semaphore_mem>>) src(%dma_wait3A_108 : memref<4196x128xf32, #tpu.memory_space<vmem_shared>>) dst(%arg8 : memref<128x128xf32, #tpu.memory_space<vmem>>)
    %add3A_109 = arith.constant 640 : i32
    %add3A_110 = arith.addi %mul3A_4, %add3A_109 : i32
    %dma_start3A_111 = arith.constant 0 : i32
    %dma_start3A_112 = tpu.memref_slice %arg4[%add3A_110, %dma_start3A_111] : memref<24576x128xf32, #tpu.memory_space<hbm>> -> memref<128x128xf32, #tpu.memory_space<hbm>>
    %dma_start3A_113 = arith.constant 0 : i32
    %dma_start3A_114 = tpu.memref_slice %arg4[%add3A_110, %dma_start3A_113] : memref<24576x128xf32, #tpu.memory_space<hbm>> -> memref<128x128xf32, #tpu.memory_space<hbm>>
    tpu.enqueue_dma source(%arg8 : memref<128x128xf32, #tpu.memory_space<vmem>>) target(%dma_start3A_114 : memref<128x128xf32, #tpu.memory_space<hbm>>) target_semaphore(%arg13 : memref<!tpu.dma_semaphore, #tpu.memory_space<semaphore_mem>>)
    %dma_wait3A_115 = arith.constant 0 : i32
    %dma_wait3A_116 = tpu.memref_slice %arg4[%add3A_101, %dma_wait3A_115] : memref<24576x128xf32, #tpu.memory_space<hbm>> -> memref<128x128xf32, #tpu.memory_space<hbm>>
    %dma_wait3A_117 = arith.constant 0 : i32
    %dma_wait3A_118 = tpu.memref_slice %arg4[%add3A_101, %dma_wait3A_117] : memref<24576x128xf32, #tpu.memory_space<hbm>> -> memref<128x128xf32, #tpu.memory_space<hbm>>
    tpu.wait_dma2 semaphore(%arg12 : memref<!tpu.dma_semaphore, #tpu.memory_space<semaphore_mem>>) src(%arg7 : memref<128x128xf32, #tpu.memory_space<vmem>>) dst(%dma_wait3A_118 : memref<128x128xf32, #tpu.memory_space<hbm>>)
    %dma_wait3A_119 = arith.constant 0 : i32
    %dma_wait3A_120 = tpu.memref_slice %arg4[%add3A_110, %dma_wait3A_119] : memref<24576x128xf32, #tpu.memory_space<hbm>> -> memref<128x128xf32, #tpu.memory_space<hbm>>
    %dma_wait3A_121 = arith.constant 0 : i32
    %dma_wait3A_122 = tpu.memref_slice %arg4[%add3A_110, %dma_wait3A_121] : memref<24576x128xf32, #tpu.memory_space<hbm>> -> memref<128x128xf32, #tpu.memory_space<hbm>>
    tpu.wait_dma2 semaphore(%arg13 : memref<!tpu.dma_semaphore, #tpu.memory_space<semaphore_mem>>) src(%arg8 : memref<128x128xf32, #tpu.memory_space<vmem>>) dst(%dma_wait3A_122 : memref<128x128xf32, #tpu.memory_space<hbm>>)
    return
  }
}

#map = affine_map<(d0, d1) -> (0)>
#map1 = affine_map<(d0, d1) -> (0, 0)>
module attributes {stable_mosaic.version = 14 : i64} {
  func.func @gather_kernel(%arg0: i32, %arg1: i32, %arg2: memref<102400xi32, #tpu.memory_space<hbm>>, %arg3: memref<4196x128xf32, #tpu.memory_space<hbm>>, %arg4: memref<40960x128xf32, #tpu.memory_space<hbm>>, %arg5: memref<128xi32, #tpu.memory_space<vmem>>, %arg6: memref<128xi32, #tpu.memory_space<vmem>>, %arg7: memref<128x128xf32, #tpu.memory_space<vmem>>, %arg8: memref<128x128xf32, #tpu.memory_space<vmem>>, %arg9: memref<4196x128xf32, #tpu.memory_space<vmem_shared>>, %arg10: memref<!tpu.dma_semaphore, #tpu.memory_space<semaphore_mem>>, %arg11: memref<!tpu.dma_semaphore, #tpu.memory_space<semaphore_mem>>, %arg12: memref<!tpu.dma_semaphore, #tpu.memory_space<semaphore_mem>>, %arg13: memref<!tpu.dma_semaphore, #tpu.memory_space<semaphore_mem>>) attributes {dimension_semantics = [#tpu.dimension_semantics<core_parallel>, #tpu.dimension_semantics<subcore_parallel>], iteration_bounds = array<i64: 2, 16>, scalar_prefetch = 0 : i64, scratch_operands = 9 : i64, tpu.core_type = #tpu.core_type<sc_vector_subcore>, window_params = [{transform_indices = #map}, {transform_indices = #map1}, {transform_indices = #map1}]} {
    %eq3A = arith.constant 0 : i32
    %eq3A_0 = arith.cmpi eq, %arg1, %eq3A : i32
    %convert_element_type3A = arith.extui %eq3A_0 : i1 to i32
    %cond3A = arith.constant 0 : i32
    %cond3A_1 = arith.cmpi ne, %convert_element_type3A, %cond3A : i32
    scf.if %cond3A_1 {
      "tpu.region"() ({
        %run_scoped3A = tpu.sem_alloc : memref<!tpu.dma_semaphore, #tpu.memory_space<semaphore_mem>>
        tpu.enqueue_dma source(%arg3 : memref<4196x128xf32, #tpu.memory_space<hbm>>) target(%arg9 : memref<4196x128xf32, #tpu.memory_space<vmem_shared>>) target_semaphore(%run_scoped3A : memref<!tpu.dma_semaphore, #tpu.memory_space<semaphore_mem>>)
        tpu.wait_dma2 semaphore(%run_scoped3A : memref<!tpu.dma_semaphore, #tpu.memory_space<semaphore_mem>>) src(%arg3 : memref<4196x128xf32, #tpu.memory_space<hbm>>) dst(%arg9 : memref<4196x128xf32, #tpu.memory_space<vmem_shared>>)
        tpu.yield
      }) : () -> ()
    } else {
    }
    %barrier3A = arith.constant 0 : index
    tpu.barrier barrier_id(%barrier3A)
    %mul3A = arith.constant 2 : i32
    %mul3A_2 = arith.muli %arg1, %mul3A : i32
    %add3A = arith.addi %mul3A_2, %arg0 : i32
    %mul3A_3 = arith.constant 1280 : i32
    %mul3A_4 = arith.muli %add3A, %mul3A_3 : i32
    %add3A_5 = arith.constant 0 : i32
    %add3A_6 = arith.addi %mul3A_4, %add3A_5 : i32
    %add3A_7 = arith.constant 61440 : i32
    %add3A_8 = arith.addi %add3A_7, %add3A_6 : i32
    "tpu.region"() ({
      %run_scoped3A = tpu.sem_alloc : memref<!tpu.dma_semaphore, #tpu.memory_space<semaphore_mem>>
      %dma_start3A_203 = tpu.memref_slice %arg2[%add3A_8] : memref<102400xi32, #tpu.memory_space<hbm>> -> memref<128xi32, #tpu.memory_space<hbm>>
      %dma_start3A_204 = tpu.memref_slice %arg2[%add3A_8] : memref<102400xi32, #tpu.memory_space<hbm>> -> memref<128xi32, #tpu.memory_space<hbm>>
      tpu.enqueue_dma source(%dma_start3A_204 : memref<128xi32, #tpu.memory_space<hbm>>) target(%arg5 : memref<128xi32, #tpu.memory_space<vmem>>) target_semaphore(%run_scoped3A : memref<!tpu.dma_semaphore, #tpu.memory_space<semaphore_mem>>)
      %dma_wait3A_205 = tpu.memref_slice %arg2[%add3A_8] : memref<102400xi32, #tpu.memory_space<hbm>> -> memref<128xi32, #tpu.memory_space<hbm>>
      %dma_wait3A_206 = tpu.memref_slice %arg2[%add3A_8] : memref<102400xi32, #tpu.memory_space<hbm>> -> memref<128xi32, #tpu.memory_space<hbm>>
      tpu.wait_dma2 semaphore(%run_scoped3A : memref<!tpu.dma_semaphore, #tpu.memory_space<semaphore_mem>>) src(%dma_wait3A_206 : memref<128xi32, #tpu.memory_space<hbm>>) dst(%arg5 : memref<128xi32, #tpu.memory_space<vmem>>)
      tpu.yield
    }) : () -> ()
    %dma_start3A = arith.constant 0 : i32
    %dma_start3A_9 = arith.constant 0 : i32
    %dma_start3A_10 = tpu.memref_slice %arg9[%dma_start3A, %dma_start3A_9] : memref<4196x128xf32, #tpu.memory_space<vmem_shared>> -> memref<4196x128xf32, #tpu.memory_space<vmem_shared>>
    tpu.enqueue_indirect_dma source(%dma_start3A_10 : memref<4196x128xf32, #tpu.memory_space<vmem_shared>>) target(%arg7 : memref<128x128xf32, #tpu.memory_space<vmem>>) offsets(%arg5 : memref<128xi32, #tpu.memory_space<vmem>>) semaphore(%arg10 : memref<!tpu.dma_semaphore, #tpu.memory_space<semaphore_mem>>)
    %add3A_11 = arith.constant 128 : i32
    %add3A_12 = arith.addi %mul3A_4, %add3A_11 : i32
    %add3A_13 = arith.constant 61440 : i32
    %add3A_14 = arith.addi %add3A_13, %add3A_12 : i32
    "tpu.region"() ({
      %run_scoped3A = tpu.sem_alloc : memref<!tpu.dma_semaphore, #tpu.memory_space<semaphore_mem>>
      %dma_start3A_203 = tpu.memref_slice %arg2[%add3A_14] : memref<102400xi32, #tpu.memory_space<hbm>> -> memref<128xi32, #tpu.memory_space<hbm>>
      %dma_start3A_204 = tpu.memref_slice %arg2[%add3A_14] : memref<102400xi32, #tpu.memory_space<hbm>> -> memref<128xi32, #tpu.memory_space<hbm>>
      tpu.enqueue_dma source(%dma_start3A_204 : memref<128xi32, #tpu.memory_space<hbm>>) target(%arg6 : memref<128xi32, #tpu.memory_space<vmem>>) target_semaphore(%run_scoped3A : memref<!tpu.dma_semaphore, #tpu.memory_space<semaphore_mem>>)
      %dma_wait3A_205 = tpu.memref_slice %arg2[%add3A_14] : memref<102400xi32, #tpu.memory_space<hbm>> -> memref<128xi32, #tpu.memory_space<hbm>>
      %dma_wait3A_206 = tpu.memref_slice %arg2[%add3A_14] : memref<102400xi32, #tpu.memory_space<hbm>> -> memref<128xi32, #tpu.memory_space<hbm>>
      tpu.wait_dma2 semaphore(%run_scoped3A : memref<!tpu.dma_semaphore, #tpu.memory_space<semaphore_mem>>) src(%dma_wait3A_206 : memref<128xi32, #tpu.memory_space<hbm>>) dst(%arg6 : memref<128xi32, #tpu.memory_space<vmem>>)
      tpu.yield
    }) : () -> ()
    %dma_start3A_15 = arith.constant 0 : i32
    %dma_start3A_16 = arith.constant 0 : i32
    %dma_start3A_17 = tpu.memref_slice %arg9[%dma_start3A_15, %dma_start3A_16] : memref<4196x128xf32, #tpu.memory_space<vmem_shared>> -> memref<4196x128xf32, #tpu.memory_space<vmem_shared>>
    tpu.enqueue_indirect_dma source(%dma_start3A_17 : memref<4196x128xf32, #tpu.memory_space<vmem_shared>>) target(%arg8 : memref<128x128xf32, #tpu.memory_space<vmem>>) offsets(%arg6 : memref<128xi32, #tpu.memory_space<vmem>>) semaphore(%arg11 : memref<!tpu.dma_semaphore, #tpu.memory_space<semaphore_mem>>)
    %dma_wait3A = arith.constant 0 : i32
    %dma_wait3A_18 = arith.constant 0 : i32
    %dma_wait3A_19 = tpu.memref_slice %arg9[%dma_wait3A, %dma_wait3A_18] : memref<4196x128xf32, #tpu.memory_space<vmem_shared>> -> memref<4196x128xf32, #tpu.memory_space<vmem_shared>>
    tpu.wait_indirect_dma semaphore(%arg10 : memref<!tpu.dma_semaphore, #tpu.memory_space<semaphore_mem>>) src(%dma_wait3A_19 : memref<4196x128xf32, #tpu.memory_space<vmem_shared>>) dst(%arg7 : memref<128x128xf32, #tpu.memory_space<vmem>>)
    %add3A_20 = arith.constant 0 : i32
    %add3A_21 = arith.addi %mul3A_4, %add3A_20 : i32
    %dma_start3A_22 = arith.constant 0 : i32
    %dma_start3A_23 = tpu.memref_slice %arg4[%add3A_21, %dma_start3A_22] : memref<40960x128xf32, #tpu.memory_space<hbm>> -> memref<128x128xf32, #tpu.memory_space<hbm>>
    %dma_start3A_24 = arith.constant 0 : i32
    %dma_start3A_25 = tpu.memref_slice %arg4[%add3A_21, %dma_start3A_24] : memref<40960x128xf32, #tpu.memory_space<hbm>> -> memref<128x128xf32, #tpu.memory_space<hbm>>
    tpu.enqueue_dma source(%arg7 : memref<128x128xf32, #tpu.memory_space<vmem>>) target(%dma_start3A_25 : memref<128x128xf32, #tpu.memory_space<hbm>>) target_semaphore(%arg12 : memref<!tpu.dma_semaphore, #tpu.memory_space<semaphore_mem>>)
    %add3A_26 = arith.constant 256 : i32
    %add3A_27 = arith.addi %mul3A_4, %add3A_26 : i32
    %dma_wait3A_28 = arith.constant 0 : i32
    %dma_wait3A_29 = tpu.memref_slice %arg4[%add3A_21, %dma_wait3A_28] : memref<40960x128xf32, #tpu.memory_space<hbm>> -> memref<128x128xf32, #tpu.memory_space<hbm>>
    %dma_wait3A_30 = arith.constant 0 : i32
    %dma_wait3A_31 = tpu.memref_slice %arg4[%add3A_21, %dma_wait3A_30] : memref<40960x128xf32, #tpu.memory_space<hbm>> -> memref<128x128xf32, #tpu.memory_space<hbm>>
    tpu.wait_dma2 semaphore(%arg12 : memref<!tpu.dma_semaphore, #tpu.memory_space<semaphore_mem>>) src(%arg7 : memref<128x128xf32, #tpu.memory_space<vmem>>) dst(%dma_wait3A_31 : memref<128x128xf32, #tpu.memory_space<hbm>>)
    %add3A_32 = arith.constant 61440 : i32
    %add3A_33 = arith.addi %add3A_32, %add3A_27 : i32
    "tpu.region"() ({
      %run_scoped3A = tpu.sem_alloc : memref<!tpu.dma_semaphore, #tpu.memory_space<semaphore_mem>>
      %dma_start3A_203 = tpu.memref_slice %arg2[%add3A_33] : memref<102400xi32, #tpu.memory_space<hbm>> -> memref<128xi32, #tpu.memory_space<hbm>>
      %dma_start3A_204 = tpu.memref_slice %arg2[%add3A_33] : memref<102400xi32, #tpu.memory_space<hbm>> -> memref<128xi32, #tpu.memory_space<hbm>>
      tpu.enqueue_dma source(%dma_start3A_204 : memref<128xi32, #tpu.memory_space<hbm>>) target(%arg5 : memref<128xi32, #tpu.memory_space<vmem>>) target_semaphore(%run_scoped3A : memref<!tpu.dma_semaphore, #tpu.memory_space<semaphore_mem>>)
      %dma_wait3A_205 = tpu.memref_slice %arg2[%add3A_33] : memref<102400xi32, #tpu.memory_space<hbm>> -> memref<128xi32, #tpu.memory_space<hbm>>
      %dma_wait3A_206 = tpu.memref_slice %arg2[%add3A_33] : memref<102400xi32, #tpu.memory_space<hbm>> -> memref<128xi32, #tpu.memory_space<hbm>>
      tpu.wait_dma2 semaphore(%run_scoped3A : memref<!tpu.dma_semaphore, #tpu.memory_space<semaphore_mem>>) src(%dma_wait3A_206 : memref<128xi32, #tpu.memory_space<hbm>>) dst(%arg5 : memref<128xi32, #tpu.memory_space<vmem>>)
      tpu.yield
    }) : () -> ()
    %dma_start3A_34 = arith.constant 0 : i32
    %dma_start3A_35 = arith.constant 0 : i32
    %dma_start3A_36 = tpu.memref_slice %arg9[%dma_start3A_34, %dma_start3A_35] : memref<4196x128xf32, #tpu.memory_space<vmem_shared>> -> memref<4196x128xf32, #tpu.memory_space<vmem_shared>>
    tpu.enqueue_indirect_dma source(%dma_start3A_36 : memref<4196x128xf32, #tpu.memory_space<vmem_shared>>) target(%arg7 : memref<128x128xf32, #tpu.memory_space<vmem>>) offsets(%arg5 : memref<128xi32, #tpu.memory_space<vmem>>) semaphore(%arg10 : memref<!tpu.dma_semaphore, #tpu.memory_space<semaphore_mem>>)
    %dma_wait3A_37 = arith.constant 0 : i32
    %dma_wait3A_38 = arith.constant 0 : i32
    %dma_wait3A_39 = tpu.memref_slice %arg9[%dma_wait3A_37, %dma_wait3A_38] : memref<4196x128xf32, #tpu.memory_space<vmem_shared>> -> memref<4196x128xf32, #tpu.memory_space<vmem_shared>>
    tpu.wait_indirect_dma semaphore(%arg11 : memref<!tpu.dma_semaphore, #tpu.memory_space<semaphore_mem>>) src(%dma_wait3A_39 : memref<4196x128xf32, #tpu.memory_space<vmem_shared>>) dst(%arg8 : memref<128x128xf32, #tpu.memory_space<vmem>>)
    %add3A_40 = arith.constant 128 : i32
    %add3A_41 = arith.addi %mul3A_4, %add3A_40 : i32
    %dma_start3A_42 = arith.constant 0 : i32
    %dma_start3A_43 = tpu.memref_slice %arg4[%add3A_41, %dma_start3A_42] : memref<40960x128xf32, #tpu.memory_space<hbm>> -> memref<128x128xf32, #tpu.memory_space<hbm>>
    %dma_start3A_44 = arith.constant 0 : i32
    %dma_start3A_45 = tpu.memref_slice %arg4[%add3A_41, %dma_start3A_44] : memref<40960x128xf32, #tpu.memory_space<hbm>> -> memref<128x128xf32, #tpu.memory_space<hbm>>
    tpu.enqueue_dma source(%arg8 : memref<128x128xf32, #tpu.memory_space<vmem>>) target(%dma_start3A_45 : memref<128x128xf32, #tpu.memory_space<hbm>>) target_semaphore(%arg13 : memref<!tpu.dma_semaphore, #tpu.memory_space<semaphore_mem>>)
    %add3A_46 = arith.constant 384 : i32
    %add3A_47 = arith.addi %mul3A_4, %add3A_46 : i32
    %dma_wait3A_48 = arith.constant 0 : i32
    %dma_wait3A_49 = tpu.memref_slice %arg4[%add3A_41, %dma_wait3A_48] : memref<40960x128xf32, #tpu.memory_space<hbm>> -> memref<128x128xf32, #tpu.memory_space<hbm>>
    %dma_wait3A_50 = arith.constant 0 : i32
    %dma_wait3A_51 = tpu.memref_slice %arg4[%add3A_41, %dma_wait3A_50] : memref<40960x128xf32, #tpu.memory_space<hbm>> -> memref<128x128xf32, #tpu.memory_space<hbm>>
    tpu.wait_dma2 semaphore(%arg13 : memref<!tpu.dma_semaphore, #tpu.memory_space<semaphore_mem>>) src(%arg8 : memref<128x128xf32, #tpu.memory_space<vmem>>) dst(%dma_wait3A_51 : memref<128x128xf32, #tpu.memory_space<hbm>>)
    %add3A_52 = arith.constant 61440 : i32
    %add3A_53 = arith.addi %add3A_52, %add3A_47 : i32
    "tpu.region"() ({
      %run_scoped3A = tpu.sem_alloc : memref<!tpu.dma_semaphore, #tpu.memory_space<semaphore_mem>>
      %dma_start3A_203 = tpu.memref_slice %arg2[%add3A_53] : memref<102400xi32, #tpu.memory_space<hbm>> -> memref<128xi32, #tpu.memory_space<hbm>>
      %dma_start3A_204 = tpu.memref_slice %arg2[%add3A_53] : memref<102400xi32, #tpu.memory_space<hbm>> -> memref<128xi32, #tpu.memory_space<hbm>>
      tpu.enqueue_dma source(%dma_start3A_204 : memref<128xi32, #tpu.memory_space<hbm>>) target(%arg6 : memref<128xi32, #tpu.memory_space<vmem>>) target_semaphore(%run_scoped3A : memref<!tpu.dma_semaphore, #tpu.memory_space<semaphore_mem>>)
      %dma_wait3A_205 = tpu.memref_slice %arg2[%add3A_53] : memref<102400xi32, #tpu.memory_space<hbm>> -> memref<128xi32, #tpu.memory_space<hbm>>
      %dma_wait3A_206 = tpu.memref_slice %arg2[%add3A_53] : memref<102400xi32, #tpu.memory_space<hbm>> -> memref<128xi32, #tpu.memory_space<hbm>>
      tpu.wait_dma2 semaphore(%run_scoped3A : memref<!tpu.dma_semaphore, #tpu.memory_space<semaphore_mem>>) src(%dma_wait3A_206 : memref<128xi32, #tpu.memory_space<hbm>>) dst(%arg6 : memref<128xi32, #tpu.memory_space<vmem>>)
      tpu.yield
    }) : () -> ()
    %dma_start3A_54 = arith.constant 0 : i32
    %dma_start3A_55 = arith.constant 0 : i32
    %dma_start3A_56 = tpu.memref_slice %arg9[%dma_start3A_54, %dma_start3A_55] : memref<4196x128xf32, #tpu.memory_space<vmem_shared>> -> memref<4196x128xf32, #tpu.memory_space<vmem_shared>>
    tpu.enqueue_indirect_dma source(%dma_start3A_56 : memref<4196x128xf32, #tpu.memory_space<vmem_shared>>) target(%arg8 : memref<128x128xf32, #tpu.memory_space<vmem>>) offsets(%arg6 : memref<128xi32, #tpu.memory_space<vmem>>) semaphore(%arg11 : memref<!tpu.dma_semaphore, #tpu.memory_space<semaphore_mem>>)
    %dma_wait3A_57 = arith.constant 0 : i32
    %dma_wait3A_58 = arith.constant 0 : i32
    %dma_wait3A_59 = tpu.memref_slice %arg9[%dma_wait3A_57, %dma_wait3A_58] : memref<4196x128xf32, #tpu.memory_space<vmem_shared>> -> memref<4196x128xf32, #tpu.memory_space<vmem_shared>>
    tpu.wait_indirect_dma semaphore(%arg10 : memref<!tpu.dma_semaphore, #tpu.memory_space<semaphore_mem>>) src(%dma_wait3A_59 : memref<4196x128xf32, #tpu.memory_space<vmem_shared>>) dst(%arg7 : memref<128x128xf32, #tpu.memory_space<vmem>>)
    %add3A_60 = arith.constant 256 : i32
    %add3A_61 = arith.addi %mul3A_4, %add3A_60 : i32
    %dma_start3A_62 = arith.constant 0 : i32
    %dma_start3A_63 = tpu.memref_slice %arg4[%add3A_61, %dma_start3A_62] : memref<40960x128xf32, #tpu.memory_space<hbm>> -> memref<128x128xf32, #tpu.memory_space<hbm>>
    %dma_start3A_64 = arith.constant 0 : i32
    %dma_start3A_65 = tpu.memref_slice %arg4[%add3A_61, %dma_start3A_64] : memref<40960x128xf32, #tpu.memory_space<hbm>> -> memref<128x128xf32, #tpu.memory_space<hbm>>
    tpu.enqueue_dma source(%arg7 : memref<128x128xf32, #tpu.memory_space<vmem>>) target(%dma_start3A_65 : memref<128x128xf32, #tpu.memory_space<hbm>>) target_semaphore(%arg12 : memref<!tpu.dma_semaphore, #tpu.memory_space<semaphore_mem>>)
    %add3A_66 = arith.constant 512 : i32
    %add3A_67 = arith.addi %mul3A_4, %add3A_66 : i32
    %dma_wait3A_68 = arith.constant 0 : i32
    %dma_wait3A_69 = tpu.memref_slice %arg4[%add3A_61, %dma_wait3A_68] : memref<40960x128xf32, #tpu.memory_space<hbm>> -> memref<128x128xf32, #tpu.memory_space<hbm>>
    %dma_wait3A_70 = arith.constant 0 : i32
    %dma_wait3A_71 = tpu.memref_slice %arg4[%add3A_61, %dma_wait3A_70] : memref<40960x128xf32, #tpu.memory_space<hbm>> -> memref<128x128xf32, #tpu.memory_space<hbm>>
    tpu.wait_dma2 semaphore(%arg12 : memref<!tpu.dma_semaphore, #tpu.memory_space<semaphore_mem>>) src(%arg7 : memref<128x128xf32, #tpu.memory_space<vmem>>) dst(%dma_wait3A_71 : memref<128x128xf32, #tpu.memory_space<hbm>>)
    %add3A_72 = arith.constant 61440 : i32
    %add3A_73 = arith.addi %add3A_72, %add3A_67 : i32
    "tpu.region"() ({
      %run_scoped3A = tpu.sem_alloc : memref<!tpu.dma_semaphore, #tpu.memory_space<semaphore_mem>>
      %dma_start3A_203 = tpu.memref_slice %arg2[%add3A_73] : memref<102400xi32, #tpu.memory_space<hbm>> -> memref<128xi32, #tpu.memory_space<hbm>>
      %dma_start3A_204 = tpu.memref_slice %arg2[%add3A_73] : memref<102400xi32, #tpu.memory_space<hbm>> -> memref<128xi32, #tpu.memory_space<hbm>>
      tpu.enqueue_dma source(%dma_start3A_204 : memref<128xi32, #tpu.memory_space<hbm>>) target(%arg5 : memref<128xi32, #tpu.memory_space<vmem>>) target_semaphore(%run_scoped3A : memref<!tpu.dma_semaphore, #tpu.memory_space<semaphore_mem>>)
      %dma_wait3A_205 = tpu.memref_slice %arg2[%add3A_73] : memref<102400xi32, #tpu.memory_space<hbm>> -> memref<128xi32, #tpu.memory_space<hbm>>
      %dma_wait3A_206 = tpu.memref_slice %arg2[%add3A_73] : memref<102400xi32, #tpu.memory_space<hbm>> -> memref<128xi32, #tpu.memory_space<hbm>>
      tpu.wait_dma2 semaphore(%run_scoped3A : memref<!tpu.dma_semaphore, #tpu.memory_space<semaphore_mem>>) src(%dma_wait3A_206 : memref<128xi32, #tpu.memory_space<hbm>>) dst(%arg5 : memref<128xi32, #tpu.memory_space<vmem>>)
      tpu.yield
    }) : () -> ()
    %dma_start3A_74 = arith.constant 0 : i32
    %dma_start3A_75 = arith.constant 0 : i32
    %dma_start3A_76 = tpu.memref_slice %arg9[%dma_start3A_74, %dma_start3A_75] : memref<4196x128xf32, #tpu.memory_space<vmem_shared>> -> memref<4196x128xf32, #tpu.memory_space<vmem_shared>>
    tpu.enqueue_indirect_dma source(%dma_start3A_76 : memref<4196x128xf32, #tpu.memory_space<vmem_shared>>) target(%arg7 : memref<128x128xf32, #tpu.memory_space<vmem>>) offsets(%arg5 : memref<128xi32, #tpu.memory_space<vmem>>) semaphore(%arg10 : memref<!tpu.dma_semaphore, #tpu.memory_space<semaphore_mem>>)
    %dma_wait3A_77 = arith.constant 0 : i32
    %dma_wait3A_78 = arith.constant 0 : i32
    %dma_wait3A_79 = tpu.memref_slice %arg9[%dma_wait3A_77, %dma_wait3A_78] : memref<4196x128xf32, #tpu.memory_space<vmem_shared>> -> memref<4196x128xf32, #tpu.memory_space<vmem_shared>>
    tpu.wait_indirect_dma semaphore(%arg11 : memref<!tpu.dma_semaphore, #tpu.memory_space<semaphore_mem>>) src(%dma_wait3A_79 : memref<4196x128xf32, #tpu.memory_space<vmem_shared>>) dst(%arg8 : memref<128x128xf32, #tpu.memory_space<vmem>>)
    %add3A_80 = arith.constant 384 : i32
    %add3A_81 = arith.addi %mul3A_4, %add3A_80 : i32
    %dma_start3A_82 = arith.constant 0 : i32
    %dma_start3A_83 = tpu.memref_slice %arg4[%add3A_81, %dma_start3A_82] : memref<40960x128xf32, #tpu.memory_space<hbm>> -> memref<128x128xf32, #tpu.memory_space<hbm>>
    %dma_start3A_84 = arith.constant 0 : i32
    %dma_start3A_85 = tpu.memref_slice %arg4[%add3A_81, %dma_start3A_84] : memref<40960x128xf32, #tpu.memory_space<hbm>> -> memref<128x128xf32, #tpu.memory_space<hbm>>
    tpu.enqueue_dma source(%arg8 : memref<128x128xf32, #tpu.memory_space<vmem>>) target(%dma_start3A_85 : memref<128x128xf32, #tpu.memory_space<hbm>>) target_semaphore(%arg13 : memref<!tpu.dma_semaphore, #tpu.memory_space<semaphore_mem>>)
    %add3A_86 = arith.constant 640 : i32
    %add3A_87 = arith.addi %mul3A_4, %add3A_86 : i32
    %dma_wait3A_88 = arith.constant 0 : i32
    %dma_wait3A_89 = tpu.memref_slice %arg4[%add3A_81, %dma_wait3A_88] : memref<40960x128xf32, #tpu.memory_space<hbm>> -> memref<128x128xf32, #tpu.memory_space<hbm>>
    %dma_wait3A_90 = arith.constant 0 : i32
    %dma_wait3A_91 = tpu.memref_slice %arg4[%add3A_81, %dma_wait3A_90] : memref<40960x128xf32, #tpu.memory_space<hbm>> -> memref<128x128xf32, #tpu.memory_space<hbm>>
    tpu.wait_dma2 semaphore(%arg13 : memref<!tpu.dma_semaphore, #tpu.memory_space<semaphore_mem>>) src(%arg8 : memref<128x128xf32, #tpu.memory_space<vmem>>) dst(%dma_wait3A_91 : memref<128x128xf32, #tpu.memory_space<hbm>>)
    %add3A_92 = arith.constant 61440 : i32
    %add3A_93 = arith.addi %add3A_92, %add3A_87 : i32
    "tpu.region"() ({
      %run_scoped3A = tpu.sem_alloc : memref<!tpu.dma_semaphore, #tpu.memory_space<semaphore_mem>>
      %dma_start3A_203 = tpu.memref_slice %arg2[%add3A_93] : memref<102400xi32, #tpu.memory_space<hbm>> -> memref<128xi32, #tpu.memory_space<hbm>>
      %dma_start3A_204 = tpu.memref_slice %arg2[%add3A_93] : memref<102400xi32, #tpu.memory_space<hbm>> -> memref<128xi32, #tpu.memory_space<hbm>>
      tpu.enqueue_dma source(%dma_start3A_204 : memref<128xi32, #tpu.memory_space<hbm>>) target(%arg6 : memref<128xi32, #tpu.memory_space<vmem>>) target_semaphore(%run_scoped3A : memref<!tpu.dma_semaphore, #tpu.memory_space<semaphore_mem>>)
      %dma_wait3A_205 = tpu.memref_slice %arg2[%add3A_93] : memref<102400xi32, #tpu.memory_space<hbm>> -> memref<128xi32, #tpu.memory_space<hbm>>
      %dma_wait3A_206 = tpu.memref_slice %arg2[%add3A_93] : memref<102400xi32, #tpu.memory_space<hbm>> -> memref<128xi32, #tpu.memory_space<hbm>>
      tpu.wait_dma2 semaphore(%run_scoped3A : memref<!tpu.dma_semaphore, #tpu.memory_space<semaphore_mem>>) src(%dma_wait3A_206 : memref<128xi32, #tpu.memory_space<hbm>>) dst(%arg6 : memref<128xi32, #tpu.memory_space<vmem>>)
      tpu.yield
    }) : () -> ()
    %dma_start3A_94 = arith.constant 0 : i32
    %dma_start3A_95 = arith.constant 0 : i32
    %dma_start3A_96 = tpu.memref_slice %arg9[%dma_start3A_94, %dma_start3A_95] : memref<4196x128xf32, #tpu.memory_space<vmem_shared>> -> memref<4196x128xf32, #tpu.memory_space<vmem_shared>>
    tpu.enqueue_indirect_dma source(%dma_start3A_96 : memref<4196x128xf32, #tpu.memory_space<vmem_shared>>) target(%arg8 : memref<128x128xf32, #tpu.memory_space<vmem>>) offsets(%arg6 : memref<128xi32, #tpu.memory_space<vmem>>) semaphore(%arg11 : memref<!tpu.dma_semaphore, #tpu.memory_space<semaphore_mem>>)
    %dma_wait3A_97 = arith.constant 0 : i32
    %dma_wait3A_98 = arith.constant 0 : i32
    %dma_wait3A_99 = tpu.memref_slice %arg9[%dma_wait3A_97, %dma_wait3A_98] : memref<4196x128xf32, #tpu.memory_space<vmem_shared>> -> memref<4196x128xf32, #tpu.memory_space<vmem_shared>>
    tpu.wait_indirect_dma semaphore(%arg10 : memref<!tpu.dma_semaphore, #tpu.memory_space<semaphore_mem>>) src(%dma_wait3A_99 : memref<4196x128xf32, #tpu.memory_space<vmem_shared>>) dst(%arg7 : memref<128x128xf32, #tpu.memory_space<vmem>>)
    %add3A_100 = arith.constant 512 : i32
    %add3A_101 = arith.addi %mul3A_4, %add3A_100 : i32
    %dma_start3A_102 = arith.constant 0 : i32
    %dma_start3A_103 = tpu.memref_slice %arg4[%add3A_101, %dma_start3A_102] : memref<40960x128xf32, #tpu.memory_space<hbm>> -> memref<128x128xf32, #tpu.memory_space<hbm>>
    %dma_start3A_104 = arith.constant 0 : i32
    %dma_start3A_105 = tpu.memref_slice %arg4[%add3A_101, %dma_start3A_104] : memref<40960x128xf32, #tpu.memory_space<hbm>> -> memref<128x128xf32, #tpu.memory_space<hbm>>
    tpu.enqueue_dma source(%arg7 : memref<128x128xf32, #tpu.memory_space<vmem>>) target(%dma_start3A_105 : memref<128x128xf32, #tpu.memory_space<hbm>>) target_semaphore(%arg12 : memref<!tpu.dma_semaphore, #tpu.memory_space<semaphore_mem>>)
    %add3A_106 = arith.constant 768 : i32
    %add3A_107 = arith.addi %mul3A_4, %add3A_106 : i32
    %dma_wait3A_108 = arith.constant 0 : i32
    %dma_wait3A_109 = tpu.memref_slice %arg4[%add3A_101, %dma_wait3A_108] : memref<40960x128xf32, #tpu.memory_space<hbm>> -> memref<128x128xf32, #tpu.memory_space<hbm>>
    %dma_wait3A_110 = arith.constant 0 : i32
    %dma_wait3A_111 = tpu.memref_slice %arg4[%add3A_101, %dma_wait3A_110] : memref<40960x128xf32, #tpu.memory_space<hbm>> -> memref<128x128xf32, #tpu.memory_space<hbm>>
    tpu.wait_dma2 semaphore(%arg12 : memref<!tpu.dma_semaphore, #tpu.memory_space<semaphore_mem>>) src(%arg7 : memref<128x128xf32, #tpu.memory_space<vmem>>) dst(%dma_wait3A_111 : memref<128x128xf32, #tpu.memory_space<hbm>>)
    %add3A_112 = arith.constant 61440 : i32
    %add3A_113 = arith.addi %add3A_112, %add3A_107 : i32
    "tpu.region"() ({
      %run_scoped3A = tpu.sem_alloc : memref<!tpu.dma_semaphore, #tpu.memory_space<semaphore_mem>>
      %dma_start3A_203 = tpu.memref_slice %arg2[%add3A_113] : memref<102400xi32, #tpu.memory_space<hbm>> -> memref<128xi32, #tpu.memory_space<hbm>>
      %dma_start3A_204 = tpu.memref_slice %arg2[%add3A_113] : memref<102400xi32, #tpu.memory_space<hbm>> -> memref<128xi32, #tpu.memory_space<hbm>>
      tpu.enqueue_dma source(%dma_start3A_204 : memref<128xi32, #tpu.memory_space<hbm>>) target(%arg5 : memref<128xi32, #tpu.memory_space<vmem>>) target_semaphore(%run_scoped3A : memref<!tpu.dma_semaphore, #tpu.memory_space<semaphore_mem>>)
      %dma_wait3A_205 = tpu.memref_slice %arg2[%add3A_113] : memref<102400xi32, #tpu.memory_space<hbm>> -> memref<128xi32, #tpu.memory_space<hbm>>
      %dma_wait3A_206 = tpu.memref_slice %arg2[%add3A_113] : memref<102400xi32, #tpu.memory_space<hbm>> -> memref<128xi32, #tpu.memory_space<hbm>>
      tpu.wait_dma2 semaphore(%run_scoped3A : memref<!tpu.dma_semaphore, #tpu.memory_space<semaphore_mem>>) src(%dma_wait3A_206 : memref<128xi32, #tpu.memory_space<hbm>>) dst(%arg5 : memref<128xi32, #tpu.memory_space<vmem>>)
      tpu.yield
    }) : () -> ()
    %dma_start3A_114 = arith.constant 0 : i32
    %dma_start3A_115 = arith.constant 0 : i32
    %dma_start3A_116 = tpu.memref_slice %arg9[%dma_start3A_114, %dma_start3A_115] : memref<4196x128xf32, #tpu.memory_space<vmem_shared>> -> memref<4196x128xf32, #tpu.memory_space<vmem_shared>>
    tpu.enqueue_indirect_dma source(%dma_start3A_116 : memref<4196x128xf32, #tpu.memory_space<vmem_shared>>) target(%arg7 : memref<128x128xf32, #tpu.memory_space<vmem>>) offsets(%arg5 : memref<128xi32, #tpu.memory_space<vmem>>) semaphore(%arg10 : memref<!tpu.dma_semaphore, #tpu.memory_space<semaphore_mem>>)
    %dma_wait3A_117 = arith.constant 0 : i32
    %dma_wait3A_118 = arith.constant 0 : i32
    %dma_wait3A_119 = tpu.memref_slice %arg9[%dma_wait3A_117, %dma_wait3A_118] : memref<4196x128xf32, #tpu.memory_space<vmem_shared>> -> memref<4196x128xf32, #tpu.memory_space<vmem_shared>>
    tpu.wait_indirect_dma semaphore(%arg11 : memref<!tpu.dma_semaphore, #tpu.memory_space<semaphore_mem>>) src(%dma_wait3A_119 : memref<4196x128xf32, #tpu.memory_space<vmem_shared>>) dst(%arg8 : memref<128x128xf32, #tpu.memory_space<vmem>>)
    %add3A_120 = arith.constant 640 : i32
    %add3A_121 = arith.addi %mul3A_4, %add3A_120 : i32
    %dma_start3A_122 = arith.constant 0 : i32
    %dma_start3A_123 = tpu.memref_slice %arg4[%add3A_121, %dma_start3A_122] : memref<40960x128xf32, #tpu.memory_space<hbm>> -> memref<128x128xf32, #tpu.memory_space<hbm>>
    %dma_start3A_124 = arith.constant 0 : i32
    %dma_start3A_125 = tpu.memref_slice %arg4[%add3A_121, %dma_start3A_124] : memref<40960x128xf32, #tpu.memory_space<hbm>> -> memref<128x128xf32, #tpu.memory_space<hbm>>
    tpu.enqueue_dma source(%arg8 : memref<128x128xf32, #tpu.memory_space<vmem>>) target(%dma_start3A_125 : memref<128x128xf32, #tpu.memory_space<hbm>>) target_semaphore(%arg13 : memref<!tpu.dma_semaphore, #tpu.memory_space<semaphore_mem>>)
    %add3A_126 = arith.constant 896 : i32
    %add3A_127 = arith.addi %mul3A_4, %add3A_126 : i32
    %dma_wait3A_128 = arith.constant 0 : i32
    %dma_wait3A_129 = tpu.memref_slice %arg4[%add3A_121, %dma_wait3A_128] : memref<40960x128xf32, #tpu.memory_space<hbm>> -> memref<128x128xf32, #tpu.memory_space<hbm>>
    %dma_wait3A_130 = arith.constant 0 : i32
    %dma_wait3A_131 = tpu.memref_slice %arg4[%add3A_121, %dma_wait3A_130] : memref<40960x128xf32, #tpu.memory_space<hbm>> -> memref<128x128xf32, #tpu.memory_space<hbm>>
    tpu.wait_dma2 semaphore(%arg13 : memref<!tpu.dma_semaphore, #tpu.memory_space<semaphore_mem>>) src(%arg8 : memref<128x128xf32, #tpu.memory_space<vmem>>) dst(%dma_wait3A_131 : memref<128x128xf32, #tpu.memory_space<hbm>>)
    %add3A_132 = arith.constant 61440 : i32
    %add3A_133 = arith.addi %add3A_132, %add3A_127 : i32
    "tpu.region"() ({
      %run_scoped3A = tpu.sem_alloc : memref<!tpu.dma_semaphore, #tpu.memory_space<semaphore_mem>>
      %dma_start3A_203 = tpu.memref_slice %arg2[%add3A_133] : memref<102400xi32, #tpu.memory_space<hbm>> -> memref<128xi32, #tpu.memory_space<hbm>>
      %dma_start3A_204 = tpu.memref_slice %arg2[%add3A_133] : memref<102400xi32, #tpu.memory_space<hbm>> -> memref<128xi32, #tpu.memory_space<hbm>>
      tpu.enqueue_dma source(%dma_start3A_204 : memref<128xi32, #tpu.memory_space<hbm>>) target(%arg6 : memref<128xi32, #tpu.memory_space<vmem>>) target_semaphore(%run_scoped3A : memref<!tpu.dma_semaphore, #tpu.memory_space<semaphore_mem>>)
      %dma_wait3A_205 = tpu.memref_slice %arg2[%add3A_133] : memref<102400xi32, #tpu.memory_space<hbm>> -> memref<128xi32, #tpu.memory_space<hbm>>
      %dma_wait3A_206 = tpu.memref_slice %arg2[%add3A_133] : memref<102400xi32, #tpu.memory_space<hbm>> -> memref<128xi32, #tpu.memory_space<hbm>>
      tpu.wait_dma2 semaphore(%run_scoped3A : memref<!tpu.dma_semaphore, #tpu.memory_space<semaphore_mem>>) src(%dma_wait3A_206 : memref<128xi32, #tpu.memory_space<hbm>>) dst(%arg6 : memref<128xi32, #tpu.memory_space<vmem>>)
      tpu.yield
    }) : () -> ()
    %dma_start3A_134 = arith.constant 0 : i32
    %dma_start3A_135 = arith.constant 0 : i32
    %dma_start3A_136 = tpu.memref_slice %arg9[%dma_start3A_134, %dma_start3A_135] : memref<4196x128xf32, #tpu.memory_space<vmem_shared>> -> memref<4196x128xf32, #tpu.memory_space<vmem_shared>>
    tpu.enqueue_indirect_dma source(%dma_start3A_136 : memref<4196x128xf32, #tpu.memory_space<vmem_shared>>) target(%arg8 : memref<128x128xf32, #tpu.memory_space<vmem>>) offsets(%arg6 : memref<128xi32, #tpu.memory_space<vmem>>) semaphore(%arg11 : memref<!tpu.dma_semaphore, #tpu.memory_space<semaphore_mem>>)
    %dma_wait3A_137 = arith.constant 0 : i32
    %dma_wait3A_138 = arith.constant 0 : i32
    %dma_wait3A_139 = tpu.memref_slice %arg9[%dma_wait3A_137, %dma_wait3A_138] : memref<4196x128xf32, #tpu.memory_space<vmem_shared>> -> memref<4196x128xf32, #tpu.memory_space<vmem_shared>>
    tpu.wait_indirect_dma semaphore(%arg10 : memref<!tpu.dma_semaphore, #tpu.memory_space<semaphore_mem>>) src(%dma_wait3A_139 : memref<4196x128xf32, #tpu.memory_space<vmem_shared>>) dst(%arg7 : memref<128x128xf32, #tpu.memory_space<vmem>>)
    %add3A_140 = arith.constant 768 : i32
    %add3A_141 = arith.addi %mul3A_4, %add3A_140 : i32
    %dma_start3A_142 = arith.constant 0 : i32
    %dma_start3A_143 = tpu.memref_slice %arg4[%add3A_141, %dma_start3A_142] : memref<40960x128xf32, #tpu.memory_space<hbm>> -> memref<128x128xf32, #tpu.memory_space<hbm>>
    %dma_start3A_144 = arith.constant 0 : i32
    %dma_start3A_145 = tpu.memref_slice %arg4[%add3A_141, %dma_start3A_144] : memref<40960x128xf32, #tpu.memory_space<hbm>> -> memref<128x128xf32, #tpu.memory_space<hbm>>
    tpu.enqueue_dma source(%arg7 : memref<128x128xf32, #tpu.memory_space<vmem>>) target(%dma_start3A_145 : memref<128x128xf32, #tpu.memory_space<hbm>>) target_semaphore(%arg12 : memref<!tpu.dma_semaphore, #tpu.memory_space<semaphore_mem>>)
    %add3A_146 = arith.constant 1024 : i32
    %add3A_147 = arith.addi %mul3A_4, %add3A_146 : i32
    %dma_wait3A_148 = arith.constant 0 : i32
    %dma_wait3A_149 = tpu.memref_slice %arg4[%add3A_141, %dma_wait3A_148] : memref<40960x128xf32, #tpu.memory_space<hbm>> -> memref<128x128xf32, #tpu.memory_space<hbm>>
    %dma_wait3A_150 = arith.constant 0 : i32
    %dma_wait3A_151 = tpu.memref_slice %arg4[%add3A_141, %dma_wait3A_150] : memref<40960x128xf32, #tpu.memory_space<hbm>> -> memref<128x128xf32, #tpu.memory_space<hbm>>
    tpu.wait_dma2 semaphore(%arg12 : memref<!tpu.dma_semaphore, #tpu.memory_space<semaphore_mem>>) src(%arg7 : memref<128x128xf32, #tpu.memory_space<vmem>>) dst(%dma_wait3A_151 : memref<128x128xf32, #tpu.memory_space<hbm>>)
    %add3A_152 = arith.constant 61440 : i32
    %add3A_153 = arith.addi %add3A_152, %add3A_147 : i32
    "tpu.region"() ({
      %run_scoped3A = tpu.sem_alloc : memref<!tpu.dma_semaphore, #tpu.memory_space<semaphore_mem>>
      %dma_start3A_203 = tpu.memref_slice %arg2[%add3A_153] : memref<102400xi32, #tpu.memory_space<hbm>> -> memref<128xi32, #tpu.memory_space<hbm>>
      %dma_start3A_204 = tpu.memref_slice %arg2[%add3A_153] : memref<102400xi32, #tpu.memory_space<hbm>> -> memref<128xi32, #tpu.memory_space<hbm>>
      tpu.enqueue_dma source(%dma_start3A_204 : memref<128xi32, #tpu.memory_space<hbm>>) target(%arg5 : memref<128xi32, #tpu.memory_space<vmem>>) target_semaphore(%run_scoped3A : memref<!tpu.dma_semaphore, #tpu.memory_space<semaphore_mem>>)
      %dma_wait3A_205 = tpu.memref_slice %arg2[%add3A_153] : memref<102400xi32, #tpu.memory_space<hbm>> -> memref<128xi32, #tpu.memory_space<hbm>>
      %dma_wait3A_206 = tpu.memref_slice %arg2[%add3A_153] : memref<102400xi32, #tpu.memory_space<hbm>> -> memref<128xi32, #tpu.memory_space<hbm>>
      tpu.wait_dma2 semaphore(%run_scoped3A : memref<!tpu.dma_semaphore, #tpu.memory_space<semaphore_mem>>) src(%dma_wait3A_206 : memref<128xi32, #tpu.memory_space<hbm>>) dst(%arg5 : memref<128xi32, #tpu.memory_space<vmem>>)
      tpu.yield
    }) : () -> ()
    %dma_start3A_154 = arith.constant 0 : i32
    %dma_start3A_155 = arith.constant 0 : i32
    %dma_start3A_156 = tpu.memref_slice %arg9[%dma_start3A_154, %dma_start3A_155] : memref<4196x128xf32, #tpu.memory_space<vmem_shared>> -> memref<4196x128xf32, #tpu.memory_space<vmem_shared>>
    tpu.enqueue_indirect_dma source(%dma_start3A_156 : memref<4196x128xf32, #tpu.memory_space<vmem_shared>>) target(%arg7 : memref<128x128xf32, #tpu.memory_space<vmem>>) offsets(%arg5 : memref<128xi32, #tpu.memory_space<vmem>>) semaphore(%arg10 : memref<!tpu.dma_semaphore, #tpu.memory_space<semaphore_mem>>)
    %dma_wait3A_157 = arith.constant 0 : i32
    %dma_wait3A_158 = arith.constant 0 : i32
    %dma_wait3A_159 = tpu.memref_slice %arg9[%dma_wait3A_157, %dma_wait3A_158] : memref<4196x128xf32, #tpu.memory_space<vmem_shared>> -> memref<4196x128xf32, #tpu.memory_space<vmem_shared>>
    tpu.wait_indirect_dma semaphore(%arg11 : memref<!tpu.dma_semaphore, #tpu.memory_space<semaphore_mem>>) src(%dma_wait3A_159 : memref<4196x128xf32, #tpu.memory_space<vmem_shared>>) dst(%arg8 : memref<128x128xf32, #tpu.memory_space<vmem>>)
    %add3A_160 = arith.constant 896 : i32
    %add3A_161 = arith.addi %mul3A_4, %add3A_160 : i32
    %dma_start3A_162 = arith.constant 0 : i32
    %dma_start3A_163 = tpu.memref_slice %arg4[%add3A_161, %dma_start3A_162] : memref<40960x128xf32, #tpu.memory_space<hbm>> -> memref<128x128xf32, #tpu.memory_space<hbm>>
    %dma_start3A_164 = arith.constant 0 : i32
    %dma_start3A_165 = tpu.memref_slice %arg4[%add3A_161, %dma_start3A_164] : memref<40960x128xf32, #tpu.memory_space<hbm>> -> memref<128x128xf32, #tpu.memory_space<hbm>>
    tpu.enqueue_dma source(%arg8 : memref<128x128xf32, #tpu.memory_space<vmem>>) target(%dma_start3A_165 : memref<128x128xf32, #tpu.memory_space<hbm>>) target_semaphore(%arg13 : memref<!tpu.dma_semaphore, #tpu.memory_space<semaphore_mem>>)
    %add3A_166 = arith.constant 1152 : i32
    %add3A_167 = arith.addi %mul3A_4, %add3A_166 : i32
    %dma_wait3A_168 = arith.constant 0 : i32
    %dma_wait3A_169 = tpu.memref_slice %arg4[%add3A_161, %dma_wait3A_168] : memref<40960x128xf32, #tpu.memory_space<hbm>> -> memref<128x128xf32, #tpu.memory_space<hbm>>
    %dma_wait3A_170 = arith.constant 0 : i32
    %dma_wait3A_171 = tpu.memref_slice %arg4[%add3A_161, %dma_wait3A_170] : memref<40960x128xf32, #tpu.memory_space<hbm>> -> memref<128x128xf32, #tpu.memory_space<hbm>>
    tpu.wait_dma2 semaphore(%arg13 : memref<!tpu.dma_semaphore, #tpu.memory_space<semaphore_mem>>) src(%arg8 : memref<128x128xf32, #tpu.memory_space<vmem>>) dst(%dma_wait3A_171 : memref<128x128xf32, #tpu.memory_space<hbm>>)
    %add3A_172 = arith.constant 61440 : i32
    %add3A_173 = arith.addi %add3A_172, %add3A_167 : i32
    "tpu.region"() ({
      %run_scoped3A = tpu.sem_alloc : memref<!tpu.dma_semaphore, #tpu.memory_space<semaphore_mem>>
      %dma_start3A_203 = tpu.memref_slice %arg2[%add3A_173] : memref<102400xi32, #tpu.memory_space<hbm>> -> memref<128xi32, #tpu.memory_space<hbm>>
      %dma_start3A_204 = tpu.memref_slice %arg2[%add3A_173] : memref<102400xi32, #tpu.memory_space<hbm>> -> memref<128xi32, #tpu.memory_space<hbm>>
      tpu.enqueue_dma source(%dma_start3A_204 : memref<128xi32, #tpu.memory_space<hbm>>) target(%arg6 : memref<128xi32, #tpu.memory_space<vmem>>) target_semaphore(%run_scoped3A : memref<!tpu.dma_semaphore, #tpu.memory_space<semaphore_mem>>)
      %dma_wait3A_205 = tpu.memref_slice %arg2[%add3A_173] : memref<102400xi32, #tpu.memory_space<hbm>> -> memref<128xi32, #tpu.memory_space<hbm>>
      %dma_wait3A_206 = tpu.memref_slice %arg2[%add3A_173] : memref<102400xi32, #tpu.memory_space<hbm>> -> memref<128xi32, #tpu.memory_space<hbm>>
      tpu.wait_dma2 semaphore(%run_scoped3A : memref<!tpu.dma_semaphore, #tpu.memory_space<semaphore_mem>>) src(%dma_wait3A_206 : memref<128xi32, #tpu.memory_space<hbm>>) dst(%arg6 : memref<128xi32, #tpu.memory_space<vmem>>)
      tpu.yield
    }) : () -> ()
    %dma_start3A_174 = arith.constant 0 : i32
    %dma_start3A_175 = arith.constant 0 : i32
    %dma_start3A_176 = tpu.memref_slice %arg9[%dma_start3A_174, %dma_start3A_175] : memref<4196x128xf32, #tpu.memory_space<vmem_shared>> -> memref<4196x128xf32, #tpu.memory_space<vmem_shared>>
    tpu.enqueue_indirect_dma source(%dma_start3A_176 : memref<4196x128xf32, #tpu.memory_space<vmem_shared>>) target(%arg8 : memref<128x128xf32, #tpu.memory_space<vmem>>) offsets(%arg6 : memref<128xi32, #tpu.memory_space<vmem>>) semaphore(%arg11 : memref<!tpu.dma_semaphore, #tpu.memory_space<semaphore_mem>>)
    %dma_wait3A_177 = arith.constant 0 : i32
    %dma_wait3A_178 = arith.constant 0 : i32
    %dma_wait3A_179 = tpu.memref_slice %arg9[%dma_wait3A_177, %dma_wait3A_178] : memref<4196x128xf32, #tpu.memory_space<vmem_shared>> -> memref<4196x128xf32, #tpu.memory_space<vmem_shared>>
    tpu.wait_indirect_dma semaphore(%arg10 : memref<!tpu.dma_semaphore, #tpu.memory_space<semaphore_mem>>) src(%dma_wait3A_179 : memref<4196x128xf32, #tpu.memory_space<vmem_shared>>) dst(%arg7 : memref<128x128xf32, #tpu.memory_space<vmem>>)
    %add3A_180 = arith.constant 1024 : i32
    %add3A_181 = arith.addi %mul3A_4, %add3A_180 : i32
    %dma_start3A_182 = arith.constant 0 : i32
    %dma_start3A_183 = tpu.memref_slice %arg4[%add3A_181, %dma_start3A_182] : memref<40960x128xf32, #tpu.memory_space<hbm>> -> memref<128x128xf32, #tpu.memory_space<hbm>>
    %dma_start3A_184 = arith.constant 0 : i32
    %dma_start3A_185 = tpu.memref_slice %arg4[%add3A_181, %dma_start3A_184] : memref<40960x128xf32, #tpu.memory_space<hbm>> -> memref<128x128xf32, #tpu.memory_space<hbm>>
    tpu.enqueue_dma source(%arg7 : memref<128x128xf32, #tpu.memory_space<vmem>>) target(%dma_start3A_185 : memref<128x128xf32, #tpu.memory_space<hbm>>) target_semaphore(%arg12 : memref<!tpu.dma_semaphore, #tpu.memory_space<semaphore_mem>>)
    %dma_wait3A_186 = arith.constant 0 : i32
    %dma_wait3A_187 = arith.constant 0 : i32
    %dma_wait3A_188 = tpu.memref_slice %arg9[%dma_wait3A_186, %dma_wait3A_187] : memref<4196x128xf32, #tpu.memory_space<vmem_shared>> -> memref<4196x128xf32, #tpu.memory_space<vmem_shared>>
    tpu.wait_indirect_dma semaphore(%arg11 : memref<!tpu.dma_semaphore, #tpu.memory_space<semaphore_mem>>) src(%dma_wait3A_188 : memref<4196x128xf32, #tpu.memory_space<vmem_shared>>) dst(%arg8 : memref<128x128xf32, #tpu.memory_space<vmem>>)
    %add3A_189 = arith.constant 1152 : i32
    %add3A_190 = arith.addi %mul3A_4, %add3A_189 : i32
    %dma_start3A_191 = arith.constant 0 : i32
    %dma_start3A_192 = tpu.memref_slice %arg4[%add3A_190, %dma_start3A_191] : memref<40960x128xf32, #tpu.memory_space<hbm>> -> memref<128x128xf32, #tpu.memory_space<hbm>>
    %dma_start3A_193 = arith.constant 0 : i32
    %dma_start3A_194 = tpu.memref_slice %arg4[%add3A_190, %dma_start3A_193] : memref<40960x128xf32, #tpu.memory_space<hbm>> -> memref<128x128xf32, #tpu.memory_space<hbm>>
    tpu.enqueue_dma source(%arg8 : memref<128x128xf32, #tpu.memory_space<vmem>>) target(%dma_start3A_194 : memref<128x128xf32, #tpu.memory_space<hbm>>) target_semaphore(%arg13 : memref<!tpu.dma_semaphore, #tpu.memory_space<semaphore_mem>>)
    %dma_wait3A_195 = arith.constant 0 : i32
    %dma_wait3A_196 = tpu.memref_slice %arg4[%add3A_181, %dma_wait3A_195] : memref<40960x128xf32, #tpu.memory_space<hbm>> -> memref<128x128xf32, #tpu.memory_space<hbm>>
    %dma_wait3A_197 = arith.constant 0 : i32
    %dma_wait3A_198 = tpu.memref_slice %arg4[%add3A_181, %dma_wait3A_197] : memref<40960x128xf32, #tpu.memory_space<hbm>> -> memref<128x128xf32, #tpu.memory_space<hbm>>
    tpu.wait_dma2 semaphore(%arg12 : memref<!tpu.dma_semaphore, #tpu.memory_space<semaphore_mem>>) src(%arg7 : memref<128x128xf32, #tpu.memory_space<vmem>>) dst(%dma_wait3A_198 : memref<128x128xf32, #tpu.memory_space<hbm>>)
    %dma_wait3A_199 = arith.constant 0 : i32
    %dma_wait3A_200 = tpu.memref_slice %arg4[%add3A_190, %dma_wait3A_199] : memref<40960x128xf32, #tpu.memory_space<hbm>> -> memref<128x128xf32, #tpu.memory_space<hbm>>
    %dma_wait3A_201 = arith.constant 0 : i32
    %dma_wait3A_202 = tpu.memref_slice %arg4[%add3A_190, %dma_wait3A_201] : memref<40960x128xf32, #tpu.memory_space<hbm>> -> memref<128x128xf32, #tpu.memory_space<hbm>>
    tpu.wait_dma2 semaphore(%arg13 : memref<!tpu.dma_semaphore, #tpu.memory_space<semaphore_mem>>) src(%arg8 : memref<128x128xf32, #tpu.memory_space<vmem>>) dst(%dma_wait3A_202 : memref<128x128xf32, #tpu.memory_space<hbm>>)
    return
  }
}

#map = affine_map<(d0, d1) -> (0)>
#map1 = affine_map<(d0, d1) -> (0, 0)>
module attributes {stable_mosaic.version = 14 : i64} {
  func.func @gather_kernel(%arg0: i32, %arg1: i32, %arg2: memref<102400xi32, #tpu.memory_space<hbm>>, %arg3: memref<4196x128xf32, #tpu.memory_space<hbm>>, %arg4: memref<36864x128xf32, #tpu.memory_space<hbm>>, %arg5: memref<128xi32, #tpu.memory_space<vmem>>, %arg6: memref<128xi32, #tpu.memory_space<vmem>>, %arg7: memref<128x128xf32, #tpu.memory_space<vmem>>, %arg8: memref<128x128xf32, #tpu.memory_space<vmem>>, %arg9: memref<4196x128xf32, #tpu.memory_space<vmem_shared>>, %arg10: memref<!tpu.dma_semaphore, #tpu.memory_space<semaphore_mem>>, %arg11: memref<!tpu.dma_semaphore, #tpu.memory_space<semaphore_mem>>, %arg12: memref<!tpu.dma_semaphore, #tpu.memory_space<semaphore_mem>>, %arg13: memref<!tpu.dma_semaphore, #tpu.memory_space<semaphore_mem>>) attributes {dimension_semantics = [#tpu.dimension_semantics<core_parallel>, #tpu.dimension_semantics<subcore_parallel>], iteration_bounds = array<i64: 2, 16>, scalar_prefetch = 0 : i64, scratch_operands = 9 : i64, tpu.core_type = #tpu.core_type<sc_vector_subcore>, window_params = [{transform_indices = #map}, {transform_indices = #map1}, {transform_indices = #map1}]} {
    %eq3A = arith.constant 0 : i32
    %eq3A_0 = arith.cmpi eq, %arg1, %eq3A : i32
    %convert_element_type3A = arith.extui %eq3A_0 : i1 to i32
    %cond3A = arith.constant 0 : i32
    %cond3A_1 = arith.cmpi ne, %convert_element_type3A, %cond3A : i32
    scf.if %cond3A_1 {
      "tpu.region"() ({
        %run_scoped3A = tpu.sem_alloc : memref<!tpu.dma_semaphore, #tpu.memory_space<semaphore_mem>>
        tpu.enqueue_dma source(%arg3 : memref<4196x128xf32, #tpu.memory_space<hbm>>) target(%arg9 : memref<4196x128xf32, #tpu.memory_space<vmem_shared>>) target_semaphore(%run_scoped3A : memref<!tpu.dma_semaphore, #tpu.memory_space<semaphore_mem>>)
        tpu.wait_dma2 semaphore(%run_scoped3A : memref<!tpu.dma_semaphore, #tpu.memory_space<semaphore_mem>>) src(%arg3 : memref<4196x128xf32, #tpu.memory_space<hbm>>) dst(%arg9 : memref<4196x128xf32, #tpu.memory_space<vmem_shared>>)
        tpu.yield
      }) : () -> ()
    } else {
    }
    %barrier3A = arith.constant 0 : index
    tpu.barrier barrier_id(%barrier3A)
    %mul3A = arith.constant 2 : i32
    %mul3A_2 = arith.muli %arg1, %mul3A : i32
    %add3A = arith.addi %mul3A_2, %arg0 : i32
    %mul3A_3 = arith.constant 1152 : i32
    %mul3A_4 = arith.muli %add3A, %mul3A_3 : i32
    %add3A_5 = arith.constant 0 : i32
    %add3A_6 = arith.addi %mul3A_4, %add3A_5 : i32
    %add3A_7 = arith.constant 24576 : i32
    %add3A_8 = arith.addi %add3A_7, %add3A_6 : i32
    "tpu.region"() ({
      %run_scoped3A = tpu.sem_alloc : memref<!tpu.dma_semaphore, #tpu.memory_space<semaphore_mem>>
      %dma_start3A_183 = tpu.memref_slice %arg2[%add3A_8] : memref<102400xi32, #tpu.memory_space<hbm>> -> memref<128xi32, #tpu.memory_space<hbm>>
      %dma_start3A_184 = tpu.memref_slice %arg2[%add3A_8] : memref<102400xi32, #tpu.memory_space<hbm>> -> memref<128xi32, #tpu.memory_space<hbm>>
      tpu.enqueue_dma source(%dma_start3A_184 : memref<128xi32, #tpu.memory_space<hbm>>) target(%arg5 : memref<128xi32, #tpu.memory_space<vmem>>) target_semaphore(%run_scoped3A : memref<!tpu.dma_semaphore, #tpu.memory_space<semaphore_mem>>)
      %dma_wait3A_185 = tpu.memref_slice %arg2[%add3A_8] : memref<102400xi32, #tpu.memory_space<hbm>> -> memref<128xi32, #tpu.memory_space<hbm>>
      %dma_wait3A_186 = tpu.memref_slice %arg2[%add3A_8] : memref<102400xi32, #tpu.memory_space<hbm>> -> memref<128xi32, #tpu.memory_space<hbm>>
      tpu.wait_dma2 semaphore(%run_scoped3A : memref<!tpu.dma_semaphore, #tpu.memory_space<semaphore_mem>>) src(%dma_wait3A_186 : memref<128xi32, #tpu.memory_space<hbm>>) dst(%arg5 : memref<128xi32, #tpu.memory_space<vmem>>)
      tpu.yield
    }) : () -> ()
    %dma_start3A = arith.constant 0 : i32
    %dma_start3A_9 = arith.constant 0 : i32
    %dma_start3A_10 = tpu.memref_slice %arg9[%dma_start3A, %dma_start3A_9] : memref<4196x128xf32, #tpu.memory_space<vmem_shared>> -> memref<4196x128xf32, #tpu.memory_space<vmem_shared>>
    tpu.enqueue_indirect_dma source(%dma_start3A_10 : memref<4196x128xf32, #tpu.memory_space<vmem_shared>>) target(%arg7 : memref<128x128xf32, #tpu.memory_space<vmem>>) offsets(%arg5 : memref<128xi32, #tpu.memory_space<vmem>>) semaphore(%arg10 : memref<!tpu.dma_semaphore, #tpu.memory_space<semaphore_mem>>)
    %add3A_11 = arith.constant 128 : i32
    %add3A_12 = arith.addi %mul3A_4, %add3A_11 : i32
    %add3A_13 = arith.constant 24576 : i32
    %add3A_14 = arith.addi %add3A_13, %add3A_12 : i32
    "tpu.region"() ({
      %run_scoped3A = tpu.sem_alloc : memref<!tpu.dma_semaphore, #tpu.memory_space<semaphore_mem>>
      %dma_start3A_183 = tpu.memref_slice %arg2[%add3A_14] : memref<102400xi32, #tpu.memory_space<hbm>> -> memref<128xi32, #tpu.memory_space<hbm>>
      %dma_start3A_184 = tpu.memref_slice %arg2[%add3A_14] : memref<102400xi32, #tpu.memory_space<hbm>> -> memref<128xi32, #tpu.memory_space<hbm>>
      tpu.enqueue_dma source(%dma_start3A_184 : memref<128xi32, #tpu.memory_space<hbm>>) target(%arg6 : memref<128xi32, #tpu.memory_space<vmem>>) target_semaphore(%run_scoped3A : memref<!tpu.dma_semaphore, #tpu.memory_space<semaphore_mem>>)
      %dma_wait3A_185 = tpu.memref_slice %arg2[%add3A_14] : memref<102400xi32, #tpu.memory_space<hbm>> -> memref<128xi32, #tpu.memory_space<hbm>>
      %dma_wait3A_186 = tpu.memref_slice %arg2[%add3A_14] : memref<102400xi32, #tpu.memory_space<hbm>> -> memref<128xi32, #tpu.memory_space<hbm>>
      tpu.wait_dma2 semaphore(%run_scoped3A : memref<!tpu.dma_semaphore, #tpu.memory_space<semaphore_mem>>) src(%dma_wait3A_186 : memref<128xi32, #tpu.memory_space<hbm>>) dst(%arg6 : memref<128xi32, #tpu.memory_space<vmem>>)
      tpu.yield
    }) : () -> ()
    %dma_start3A_15 = arith.constant 0 : i32
    %dma_start3A_16 = arith.constant 0 : i32
    %dma_start3A_17 = tpu.memref_slice %arg9[%dma_start3A_15, %dma_start3A_16] : memref<4196x128xf32, #tpu.memory_space<vmem_shared>> -> memref<4196x128xf32, #tpu.memory_space<vmem_shared>>
    tpu.enqueue_indirect_dma source(%dma_start3A_17 : memref<4196x128xf32, #tpu.memory_space<vmem_shared>>) target(%arg8 : memref<128x128xf32, #tpu.memory_space<vmem>>) offsets(%arg6 : memref<128xi32, #tpu.memory_space<vmem>>) semaphore(%arg11 : memref<!tpu.dma_semaphore, #tpu.memory_space<semaphore_mem>>)
    %dma_wait3A = arith.constant 0 : i32
    %dma_wait3A_18 = arith.constant 0 : i32
    %dma_wait3A_19 = tpu.memref_slice %arg9[%dma_wait3A, %dma_wait3A_18] : memref<4196x128xf32, #tpu.memory_space<vmem_shared>> -> memref<4196x128xf32, #tpu.memory_space<vmem_shared>>
    tpu.wait_indirect_dma semaphore(%arg10 : memref<!tpu.dma_semaphore, #tpu.memory_space<semaphore_mem>>) src(%dma_wait3A_19 : memref<4196x128xf32, #tpu.memory_space<vmem_shared>>) dst(%arg7 : memref<128x128xf32, #tpu.memory_space<vmem>>)
    %add3A_20 = arith.constant 0 : i32
    %add3A_21 = arith.addi %mul3A_4, %add3A_20 : i32
    %dma_start3A_22 = arith.constant 0 : i32
    %dma_start3A_23 = tpu.memref_slice %arg4[%add3A_21, %dma_start3A_22] : memref<36864x128xf32, #tpu.memory_space<hbm>> -> memref<128x128xf32, #tpu.memory_space<hbm>>
    %dma_start3A_24 = arith.constant 0 : i32
    %dma_start3A_25 = tpu.memref_slice %arg4[%add3A_21, %dma_start3A_24] : memref<36864x128xf32, #tpu.memory_space<hbm>> -> memref<128x128xf32, #tpu.memory_space<hbm>>
    tpu.enqueue_dma source(%arg7 : memref<128x128xf32, #tpu.memory_space<vmem>>) target(%dma_start3A_25 : memref<128x128xf32, #tpu.memory_space<hbm>>) target_semaphore(%arg12 : memref<!tpu.dma_semaphore, #tpu.memory_space<semaphore_mem>>)
    %add3A_26 = arith.constant 256 : i32
    %add3A_27 = arith.addi %mul3A_4, %add3A_26 : i32
    %dma_wait3A_28 = arith.constant 0 : i32
    %dma_wait3A_29 = tpu.memref_slice %arg4[%add3A_21, %dma_wait3A_28] : memref<36864x128xf32, #tpu.memory_space<hbm>> -> memref<128x128xf32, #tpu.memory_space<hbm>>
    %dma_wait3A_30 = arith.constant 0 : i32
    %dma_wait3A_31 = tpu.memref_slice %arg4[%add3A_21, %dma_wait3A_30] : memref<36864x128xf32, #tpu.memory_space<hbm>> -> memref<128x128xf32, #tpu.memory_space<hbm>>
    tpu.wait_dma2 semaphore(%arg12 : memref<!tpu.dma_semaphore, #tpu.memory_space<semaphore_mem>>) src(%arg7 : memref<128x128xf32, #tpu.memory_space<vmem>>) dst(%dma_wait3A_31 : memref<128x128xf32, #tpu.memory_space<hbm>>)
    %add3A_32 = arith.constant 24576 : i32
    %add3A_33 = arith.addi %add3A_32, %add3A_27 : i32
    "tpu.region"() ({
      %run_scoped3A = tpu.sem_alloc : memref<!tpu.dma_semaphore, #tpu.memory_space<semaphore_mem>>
      %dma_start3A_183 = tpu.memref_slice %arg2[%add3A_33] : memref<102400xi32, #tpu.memory_space<hbm>> -> memref<128xi32, #tpu.memory_space<hbm>>
      %dma_start3A_184 = tpu.memref_slice %arg2[%add3A_33] : memref<102400xi32, #tpu.memory_space<hbm>> -> memref<128xi32, #tpu.memory_space<hbm>>
      tpu.enqueue_dma source(%dma_start3A_184 : memref<128xi32, #tpu.memory_space<hbm>>) target(%arg5 : memref<128xi32, #tpu.memory_space<vmem>>) target_semaphore(%run_scoped3A : memref<!tpu.dma_semaphore, #tpu.memory_space<semaphore_mem>>)
      %dma_wait3A_185 = tpu.memref_slice %arg2[%add3A_33] : memref<102400xi32, #tpu.memory_space<hbm>> -> memref<128xi32, #tpu.memory_space<hbm>>
      %dma_wait3A_186 = tpu.memref_slice %arg2[%add3A_33] : memref<102400xi32, #tpu.memory_space<hbm>> -> memref<128xi32, #tpu.memory_space<hbm>>
      tpu.wait_dma2 semaphore(%run_scoped3A : memref<!tpu.dma_semaphore, #tpu.memory_space<semaphore_mem>>) src(%dma_wait3A_186 : memref<128xi32, #tpu.memory_space<hbm>>) dst(%arg5 : memref<128xi32, #tpu.memory_space<vmem>>)
      tpu.yield
    }) : () -> ()
    %dma_start3A_34 = arith.constant 0 : i32
    %dma_start3A_35 = arith.constant 0 : i32
    %dma_start3A_36 = tpu.memref_slice %arg9[%dma_start3A_34, %dma_start3A_35] : memref<4196x128xf32, #tpu.memory_space<vmem_shared>> -> memref<4196x128xf32, #tpu.memory_space<vmem_shared>>
    tpu.enqueue_indirect_dma source(%dma_start3A_36 : memref<4196x128xf32, #tpu.memory_space<vmem_shared>>) target(%arg7 : memref<128x128xf32, #tpu.memory_space<vmem>>) offsets(%arg5 : memref<128xi32, #tpu.memory_space<vmem>>) semaphore(%arg10 : memref<!tpu.dma_semaphore, #tpu.memory_space<semaphore_mem>>)
    %dma_wait3A_37 = arith.constant 0 : i32
    %dma_wait3A_38 = arith.constant 0 : i32
    %dma_wait3A_39 = tpu.memref_slice %arg9[%dma_wait3A_37, %dma_wait3A_38] : memref<4196x128xf32, #tpu.memory_space<vmem_shared>> -> memref<4196x128xf32, #tpu.memory_space<vmem_shared>>
    tpu.wait_indirect_dma semaphore(%arg11 : memref<!tpu.dma_semaphore, #tpu.memory_space<semaphore_mem>>) src(%dma_wait3A_39 : memref<4196x128xf32, #tpu.memory_space<vmem_shared>>) dst(%arg8 : memref<128x128xf32, #tpu.memory_space<vmem>>)
    %add3A_40 = arith.constant 128 : i32
    %add3A_41 = arith.addi %mul3A_4, %add3A_40 : i32
    %dma_start3A_42 = arith.constant 0 : i32
    %dma_start3A_43 = tpu.memref_slice %arg4[%add3A_41, %dma_start3A_42] : memref<36864x128xf32, #tpu.memory_space<hbm>> -> memref<128x128xf32, #tpu.memory_space<hbm>>
    %dma_start3A_44 = arith.constant 0 : i32
    %dma_start3A_45 = tpu.memref_slice %arg4[%add3A_41, %dma_start3A_44] : memref<36864x128xf32, #tpu.memory_space<hbm>> -> memref<128x128xf32, #tpu.memory_space<hbm>>
    tpu.enqueue_dma source(%arg8 : memref<128x128xf32, #tpu.memory_space<vmem>>) target(%dma_start3A_45 : memref<128x128xf32, #tpu.memory_space<hbm>>) target_semaphore(%arg13 : memref<!tpu.dma_semaphore, #tpu.memory_space<semaphore_mem>>)
    %add3A_46 = arith.constant 384 : i32
    %add3A_47 = arith.addi %mul3A_4, %add3A_46 : i32
    %dma_wait3A_48 = arith.constant 0 : i32
    %dma_wait3A_49 = tpu.memref_slice %arg4[%add3A_41, %dma_wait3A_48] : memref<36864x128xf32, #tpu.memory_space<hbm>> -> memref<128x128xf32, #tpu.memory_space<hbm>>
    %dma_wait3A_50 = arith.constant 0 : i32
    %dma_wait3A_51 = tpu.memref_slice %arg4[%add3A_41, %dma_wait3A_50] : memref<36864x128xf32, #tpu.memory_space<hbm>> -> memref<128x128xf32, #tpu.memory_space<hbm>>
    tpu.wait_dma2 semaphore(%arg13 : memref<!tpu.dma_semaphore, #tpu.memory_space<semaphore_mem>>) src(%arg8 : memref<128x128xf32, #tpu.memory_space<vmem>>) dst(%dma_wait3A_51 : memref<128x128xf32, #tpu.memory_space<hbm>>)
    %add3A_52 = arith.constant 24576 : i32
    %add3A_53 = arith.addi %add3A_52, %add3A_47 : i32
    "tpu.region"() ({
      %run_scoped3A = tpu.sem_alloc : memref<!tpu.dma_semaphore, #tpu.memory_space<semaphore_mem>>
      %dma_start3A_183 = tpu.memref_slice %arg2[%add3A_53] : memref<102400xi32, #tpu.memory_space<hbm>> -> memref<128xi32, #tpu.memory_space<hbm>>
      %dma_start3A_184 = tpu.memref_slice %arg2[%add3A_53] : memref<102400xi32, #tpu.memory_space<hbm>> -> memref<128xi32, #tpu.memory_space<hbm>>
      tpu.enqueue_dma source(%dma_start3A_184 : memref<128xi32, #tpu.memory_space<hbm>>) target(%arg6 : memref<128xi32, #tpu.memory_space<vmem>>) target_semaphore(%run_scoped3A : memref<!tpu.dma_semaphore, #tpu.memory_space<semaphore_mem>>)
      %dma_wait3A_185 = tpu.memref_slice %arg2[%add3A_53] : memref<102400xi32, #tpu.memory_space<hbm>> -> memref<128xi32, #tpu.memory_space<hbm>>
      %dma_wait3A_186 = tpu.memref_slice %arg2[%add3A_53] : memref<102400xi32, #tpu.memory_space<hbm>> -> memref<128xi32, #tpu.memory_space<hbm>>
      tpu.wait_dma2 semaphore(%run_scoped3A : memref<!tpu.dma_semaphore, #tpu.memory_space<semaphore_mem>>) src(%dma_wait3A_186 : memref<128xi32, #tpu.memory_space<hbm>>) dst(%arg6 : memref<128xi32, #tpu.memory_space<vmem>>)
      tpu.yield
    }) : () -> ()
    %dma_start3A_54 = arith.constant 0 : i32
    %dma_start3A_55 = arith.constant 0 : i32
    %dma_start3A_56 = tpu.memref_slice %arg9[%dma_start3A_54, %dma_start3A_55] : memref<4196x128xf32, #tpu.memory_space<vmem_shared>> -> memref<4196x128xf32, #tpu.memory_space<vmem_shared>>
    tpu.enqueue_indirect_dma source(%dma_start3A_56 : memref<4196x128xf32, #tpu.memory_space<vmem_shared>>) target(%arg8 : memref<128x128xf32, #tpu.memory_space<vmem>>) offsets(%arg6 : memref<128xi32, #tpu.memory_space<vmem>>) semaphore(%arg11 : memref<!tpu.dma_semaphore, #tpu.memory_space<semaphore_mem>>)
    %dma_wait3A_57 = arith.constant 0 : i32
    %dma_wait3A_58 = arith.constant 0 : i32
    %dma_wait3A_59 = tpu.memref_slice %arg9[%dma_wait3A_57, %dma_wait3A_58] : memref<4196x128xf32, #tpu.memory_space<vmem_shared>> -> memref<4196x128xf32, #tpu.memory_space<vmem_shared>>
    tpu.wait_indirect_dma semaphore(%arg10 : memref<!tpu.dma_semaphore, #tpu.memory_space<semaphore_mem>>) src(%dma_wait3A_59 : memref<4196x128xf32, #tpu.memory_space<vmem_shared>>) dst(%arg7 : memref<128x128xf32, #tpu.memory_space<vmem>>)
    %add3A_60 = arith.constant 256 : i32
    %add3A_61 = arith.addi %mul3A_4, %add3A_60 : i32
    %dma_start3A_62 = arith.constant 0 : i32
    %dma_start3A_63 = tpu.memref_slice %arg4[%add3A_61, %dma_start3A_62] : memref<36864x128xf32, #tpu.memory_space<hbm>> -> memref<128x128xf32, #tpu.memory_space<hbm>>
    %dma_start3A_64 = arith.constant 0 : i32
    %dma_start3A_65 = tpu.memref_slice %arg4[%add3A_61, %dma_start3A_64] : memref<36864x128xf32, #tpu.memory_space<hbm>> -> memref<128x128xf32, #tpu.memory_space<hbm>>
    tpu.enqueue_dma source(%arg7 : memref<128x128xf32, #tpu.memory_space<vmem>>) target(%dma_start3A_65 : memref<128x128xf32, #tpu.memory_space<hbm>>) target_semaphore(%arg12 : memref<!tpu.dma_semaphore, #tpu.memory_space<semaphore_mem>>)
    %add3A_66 = arith.constant 512 : i32
    %add3A_67 = arith.addi %mul3A_4, %add3A_66 : i32
    %dma_wait3A_68 = arith.constant 0 : i32
    %dma_wait3A_69 = tpu.memref_slice %arg4[%add3A_61, %dma_wait3A_68] : memref<36864x128xf32, #tpu.memory_space<hbm>> -> memref<128x128xf32, #tpu.memory_space<hbm>>
    %dma_wait3A_70 = arith.constant 0 : i32
    %dma_wait3A_71 = tpu.memref_slice %arg4[%add3A_61, %dma_wait3A_70] : memref<36864x128xf32, #tpu.memory_space<hbm>> -> memref<128x128xf32, #tpu.memory_space<hbm>>
    tpu.wait_dma2 semaphore(%arg12 : memref<!tpu.dma_semaphore, #tpu.memory_space<semaphore_mem>>) src(%arg7 : memref<128x128xf32, #tpu.memory_space<vmem>>) dst(%dma_wait3A_71 : memref<128x128xf32, #tpu.memory_space<hbm>>)
    %add3A_72 = arith.constant 24576 : i32
    %add3A_73 = arith.addi %add3A_72, %add3A_67 : i32
    "tpu.region"() ({
      %run_scoped3A = tpu.sem_alloc : memref<!tpu.dma_semaphore, #tpu.memory_space<semaphore_mem>>
      %dma_start3A_183 = tpu.memref_slice %arg2[%add3A_73] : memref<102400xi32, #tpu.memory_space<hbm>> -> memref<128xi32, #tpu.memory_space<hbm>>
      %dma_start3A_184 = tpu.memref_slice %arg2[%add3A_73] : memref<102400xi32, #tpu.memory_space<hbm>> -> memref<128xi32, #tpu.memory_space<hbm>>
      tpu.enqueue_dma source(%dma_start3A_184 : memref<128xi32, #tpu.memory_space<hbm>>) target(%arg5 : memref<128xi32, #tpu.memory_space<vmem>>) target_semaphore(%run_scoped3A : memref<!tpu.dma_semaphore, #tpu.memory_space<semaphore_mem>>)
      %dma_wait3A_185 = tpu.memref_slice %arg2[%add3A_73] : memref<102400xi32, #tpu.memory_space<hbm>> -> memref<128xi32, #tpu.memory_space<hbm>>
      %dma_wait3A_186 = tpu.memref_slice %arg2[%add3A_73] : memref<102400xi32, #tpu.memory_space<hbm>> -> memref<128xi32, #tpu.memory_space<hbm>>
      tpu.wait_dma2 semaphore(%run_scoped3A : memref<!tpu.dma_semaphore, #tpu.memory_space<semaphore_mem>>) src(%dma_wait3A_186 : memref<128xi32, #tpu.memory_space<hbm>>) dst(%arg5 : memref<128xi32, #tpu.memory_space<vmem>>)
      tpu.yield
    }) : () -> ()
    %dma_start3A_74 = arith.constant 0 : i32
    %dma_start3A_75 = arith.constant 0 : i32
    %dma_start3A_76 = tpu.memref_slice %arg9[%dma_start3A_74, %dma_start3A_75] : memref<4196x128xf32, #tpu.memory_space<vmem_shared>> -> memref<4196x128xf32, #tpu.memory_space<vmem_shared>>
    tpu.enqueue_indirect_dma source(%dma_start3A_76 : memref<4196x128xf32, #tpu.memory_space<vmem_shared>>) target(%arg7 : memref<128x128xf32, #tpu.memory_space<vmem>>) offsets(%arg5 : memref<128xi32, #tpu.memory_space<vmem>>) semaphore(%arg10 : memref<!tpu.dma_semaphore, #tpu.memory_space<semaphore_mem>>)
    %dma_wait3A_77 = arith.constant 0 : i32
    %dma_wait3A_78 = arith.constant 0 : i32
    %dma_wait3A_79 = tpu.memref_slice %arg9[%dma_wait3A_77, %dma_wait3A_78] : memref<4196x128xf32, #tpu.memory_space<vmem_shared>> -> memref<4196x128xf32, #tpu.memory_space<vmem_shared>>
    tpu.wait_indirect_dma semaphore(%arg11 : memref<!tpu.dma_semaphore, #tpu.memory_space<semaphore_mem>>) src(%dma_wait3A_79 : memref<4196x128xf32, #tpu.memory_space<vmem_shared>>) dst(%arg8 : memref<128x128xf32, #tpu.memory_space<vmem>>)
    %add3A_80 = arith.constant 384 : i32
    %add3A_81 = arith.addi %mul3A_4, %add3A_80 : i32
    %dma_start3A_82 = arith.constant 0 : i32
    %dma_start3A_83 = tpu.memref_slice %arg4[%add3A_81, %dma_start3A_82] : memref<36864x128xf32, #tpu.memory_space<hbm>> -> memref<128x128xf32, #tpu.memory_space<hbm>>
    %dma_start3A_84 = arith.constant 0 : i32
    %dma_start3A_85 = tpu.memref_slice %arg4[%add3A_81, %dma_start3A_84] : memref<36864x128xf32, #tpu.memory_space<hbm>> -> memref<128x128xf32, #tpu.memory_space<hbm>>
    tpu.enqueue_dma source(%arg8 : memref<128x128xf32, #tpu.memory_space<vmem>>) target(%dma_start3A_85 : memref<128x128xf32, #tpu.memory_space<hbm>>) target_semaphore(%arg13 : memref<!tpu.dma_semaphore, #tpu.memory_space<semaphore_mem>>)
    %add3A_86 = arith.constant 640 : i32
    %add3A_87 = arith.addi %mul3A_4, %add3A_86 : i32
    %dma_wait3A_88 = arith.constant 0 : i32
    %dma_wait3A_89 = tpu.memref_slice %arg4[%add3A_81, %dma_wait3A_88] : memref<36864x128xf32, #tpu.memory_space<hbm>> -> memref<128x128xf32, #tpu.memory_space<hbm>>
    %dma_wait3A_90 = arith.constant 0 : i32
    %dma_wait3A_91 = tpu.memref_slice %arg4[%add3A_81, %dma_wait3A_90] : memref<36864x128xf32, #tpu.memory_space<hbm>> -> memref<128x128xf32, #tpu.memory_space<hbm>>
    tpu.wait_dma2 semaphore(%arg13 : memref<!tpu.dma_semaphore, #tpu.memory_space<semaphore_mem>>) src(%arg8 : memref<128x128xf32, #tpu.memory_space<vmem>>) dst(%dma_wait3A_91 : memref<128x128xf32, #tpu.memory_space<hbm>>)
    %add3A_92 = arith.constant 24576 : i32
    %add3A_93 = arith.addi %add3A_92, %add3A_87 : i32
    "tpu.region"() ({
      %run_scoped3A = tpu.sem_alloc : memref<!tpu.dma_semaphore, #tpu.memory_space<semaphore_mem>>
      %dma_start3A_183 = tpu.memref_slice %arg2[%add3A_93] : memref<102400xi32, #tpu.memory_space<hbm>> -> memref<128xi32, #tpu.memory_space<hbm>>
      %dma_start3A_184 = tpu.memref_slice %arg2[%add3A_93] : memref<102400xi32, #tpu.memory_space<hbm>> -> memref<128xi32, #tpu.memory_space<hbm>>
      tpu.enqueue_dma source(%dma_start3A_184 : memref<128xi32, #tpu.memory_space<hbm>>) target(%arg6 : memref<128xi32, #tpu.memory_space<vmem>>) target_semaphore(%run_scoped3A : memref<!tpu.dma_semaphore, #tpu.memory_space<semaphore_mem>>)
      %dma_wait3A_185 = tpu.memref_slice %arg2[%add3A_93] : memref<102400xi32, #tpu.memory_space<hbm>> -> memref<128xi32, #tpu.memory_space<hbm>>
      %dma_wait3A_186 = tpu.memref_slice %arg2[%add3A_93] : memref<102400xi32, #tpu.memory_space<hbm>> -> memref<128xi32, #tpu.memory_space<hbm>>
      tpu.wait_dma2 semaphore(%run_scoped3A : memref<!tpu.dma_semaphore, #tpu.memory_space<semaphore_mem>>) src(%dma_wait3A_186 : memref<128xi32, #tpu.memory_space<hbm>>) dst(%arg6 : memref<128xi32, #tpu.memory_space<vmem>>)
      tpu.yield
    }) : () -> ()
    %dma_start3A_94 = arith.constant 0 : i32
    %dma_start3A_95 = arith.constant 0 : i32
    %dma_start3A_96 = tpu.memref_slice %arg9[%dma_start3A_94, %dma_start3A_95] : memref<4196x128xf32, #tpu.memory_space<vmem_shared>> -> memref<4196x128xf32, #tpu.memory_space<vmem_shared>>
    tpu.enqueue_indirect_dma source(%dma_start3A_96 : memref<4196x128xf32, #tpu.memory_space<vmem_shared>>) target(%arg8 : memref<128x128xf32, #tpu.memory_space<vmem>>) offsets(%arg6 : memref<128xi32, #tpu.memory_space<vmem>>) semaphore(%arg11 : memref<!tpu.dma_semaphore, #tpu.memory_space<semaphore_mem>>)
    %dma_wait3A_97 = arith.constant 0 : i32
    %dma_wait3A_98 = arith.constant 0 : i32
    %dma_wait3A_99 = tpu.memref_slice %arg9[%dma_wait3A_97, %dma_wait3A_98] : memref<4196x128xf32, #tpu.memory_space<vmem_shared>> -> memref<4196x128xf32, #tpu.memory_space<vmem_shared>>
    tpu.wait_indirect_dma semaphore(%arg10 : memref<!tpu.dma_semaphore, #tpu.memory_space<semaphore_mem>>) src(%dma_wait3A_99 : memref<4196x128xf32, #tpu.memory_space<vmem_shared>>) dst(%arg7 : memref<128x128xf32, #tpu.memory_space<vmem>>)
    %add3A_100 = arith.constant 512 : i32
    %add3A_101 = arith.addi %mul3A_4, %add3A_100 : i32
    %dma_start3A_102 = arith.constant 0 : i32
    %dma_start3A_103 = tpu.memref_slice %arg4[%add3A_101, %dma_start3A_102] : memref<36864x128xf32, #tpu.memory_space<hbm>> -> memref<128x128xf32, #tpu.memory_space<hbm>>
    %dma_start3A_104 = arith.constant 0 : i32
    %dma_start3A_105 = tpu.memref_slice %arg4[%add3A_101, %dma_start3A_104] : memref<36864x128xf32, #tpu.memory_space<hbm>> -> memref<128x128xf32, #tpu.memory_space<hbm>>
    tpu.enqueue_dma source(%arg7 : memref<128x128xf32, #tpu.memory_space<vmem>>) target(%dma_start3A_105 : memref<128x128xf32, #tpu.memory_space<hbm>>) target_semaphore(%arg12 : memref<!tpu.dma_semaphore, #tpu.memory_space<semaphore_mem>>)
    %add3A_106 = arith.constant 768 : i32
    %add3A_107 = arith.addi %mul3A_4, %add3A_106 : i32
    %dma_wait3A_108 = arith.constant 0 : i32
    %dma_wait3A_109 = tpu.memref_slice %arg4[%add3A_101, %dma_wait3A_108] : memref<36864x128xf32, #tpu.memory_space<hbm>> -> memref<128x128xf32, #tpu.memory_space<hbm>>
    %dma_wait3A_110 = arith.constant 0 : i32
    %dma_wait3A_111 = tpu.memref_slice %arg4[%add3A_101, %dma_wait3A_110] : memref<36864x128xf32, #tpu.memory_space<hbm>> -> memref<128x128xf32, #tpu.memory_space<hbm>>
    tpu.wait_dma2 semaphore(%arg12 : memref<!tpu.dma_semaphore, #tpu.memory_space<semaphore_mem>>) src(%arg7 : memref<128x128xf32, #tpu.memory_space<vmem>>) dst(%dma_wait3A_111 : memref<128x128xf32, #tpu.memory_space<hbm>>)
    %add3A_112 = arith.constant 24576 : i32
    %add3A_113 = arith.addi %add3A_112, %add3A_107 : i32
    "tpu.region"() ({
      %run_scoped3A = tpu.sem_alloc : memref<!tpu.dma_semaphore, #tpu.memory_space<semaphore_mem>>
      %dma_start3A_183 = tpu.memref_slice %arg2[%add3A_113] : memref<102400xi32, #tpu.memory_space<hbm>> -> memref<128xi32, #tpu.memory_space<hbm>>
      %dma_start3A_184 = tpu.memref_slice %arg2[%add3A_113] : memref<102400xi32, #tpu.memory_space<hbm>> -> memref<128xi32, #tpu.memory_space<hbm>>
      tpu.enqueue_dma source(%dma_start3A_184 : memref<128xi32, #tpu.memory_space<hbm>>) target(%arg5 : memref<128xi32, #tpu.memory_space<vmem>>) target_semaphore(%run_scoped3A : memref<!tpu.dma_semaphore, #tpu.memory_space<semaphore_mem>>)
      %dma_wait3A_185 = tpu.memref_slice %arg2[%add3A_113] : memref<102400xi32, #tpu.memory_space<hbm>> -> memref<128xi32, #tpu.memory_space<hbm>>
      %dma_wait3A_186 = tpu.memref_slice %arg2[%add3A_113] : memref<102400xi32, #tpu.memory_space<hbm>> -> memref<128xi32, #tpu.memory_space<hbm>>
      tpu.wait_dma2 semaphore(%run_scoped3A : memref<!tpu.dma_semaphore, #tpu.memory_space<semaphore_mem>>) src(%dma_wait3A_186 : memref<128xi32, #tpu.memory_space<hbm>>) dst(%arg5 : memref<128xi32, #tpu.memory_space<vmem>>)
      tpu.yield
    }) : () -> ()
    %dma_start3A_114 = arith.constant 0 : i32
    %dma_start3A_115 = arith.constant 0 : i32
    %dma_start3A_116 = tpu.memref_slice %arg9[%dma_start3A_114, %dma_start3A_115] : memref<4196x128xf32, #tpu.memory_space<vmem_shared>> -> memref<4196x128xf32, #tpu.memory_space<vmem_shared>>
    tpu.enqueue_indirect_dma source(%dma_start3A_116 : memref<4196x128xf32, #tpu.memory_space<vmem_shared>>) target(%arg7 : memref<128x128xf32, #tpu.memory_space<vmem>>) offsets(%arg5 : memref<128xi32, #tpu.memory_space<vmem>>) semaphore(%arg10 : memref<!tpu.dma_semaphore, #tpu.memory_space<semaphore_mem>>)
    %dma_wait3A_117 = arith.constant 0 : i32
    %dma_wait3A_118 = arith.constant 0 : i32
    %dma_wait3A_119 = tpu.memref_slice %arg9[%dma_wait3A_117, %dma_wait3A_118] : memref<4196x128xf32, #tpu.memory_space<vmem_shared>> -> memref<4196x128xf32, #tpu.memory_space<vmem_shared>>
    tpu.wait_indirect_dma semaphore(%arg11 : memref<!tpu.dma_semaphore, #tpu.memory_space<semaphore_mem>>) src(%dma_wait3A_119 : memref<4196x128xf32, #tpu.memory_space<vmem_shared>>) dst(%arg8 : memref<128x128xf32, #tpu.memory_space<vmem>>)
    %add3A_120 = arith.constant 640 : i32
    %add3A_121 = arith.addi %mul3A_4, %add3A_120 : i32
    %dma_start3A_122 = arith.constant 0 : i32
    %dma_start3A_123 = tpu.memref_slice %arg4[%add3A_121, %dma_start3A_122] : memref<36864x128xf32, #tpu.memory_space<hbm>> -> memref<128x128xf32, #tpu.memory_space<hbm>>
    %dma_start3A_124 = arith.constant 0 : i32
    %dma_start3A_125 = tpu.memref_slice %arg4[%add3A_121, %dma_start3A_124] : memref<36864x128xf32, #tpu.memory_space<hbm>> -> memref<128x128xf32, #tpu.memory_space<hbm>>
    tpu.enqueue_dma source(%arg8 : memref<128x128xf32, #tpu.memory_space<vmem>>) target(%dma_start3A_125 : memref<128x128xf32, #tpu.memory_space<hbm>>) target_semaphore(%arg13 : memref<!tpu.dma_semaphore, #tpu.memory_space<semaphore_mem>>)
    %add3A_126 = arith.constant 896 : i32
    %add3A_127 = arith.addi %mul3A_4, %add3A_126 : i32
    %dma_wait3A_128 = arith.constant 0 : i32
    %dma_wait3A_129 = tpu.memref_slice %arg4[%add3A_121, %dma_wait3A_128] : memref<36864x128xf32, #tpu.memory_space<hbm>> -> memref<128x128xf32, #tpu.memory_space<hbm>>
    %dma_wait3A_130 = arith.constant 0 : i32
    %dma_wait3A_131 = tpu.memref_slice %arg4[%add3A_121, %dma_wait3A_130] : memref<36864x128xf32, #tpu.memory_space<hbm>> -> memref<128x128xf32, #tpu.memory_space<hbm>>
    tpu.wait_dma2 semaphore(%arg13 : memref<!tpu.dma_semaphore, #tpu.memory_space<semaphore_mem>>) src(%arg8 : memref<128x128xf32, #tpu.memory_space<vmem>>) dst(%dma_wait3A_131 : memref<128x128xf32, #tpu.memory_space<hbm>>)
    %add3A_132 = arith.constant 24576 : i32
    %add3A_133 = arith.addi %add3A_132, %add3A_127 : i32
    "tpu.region"() ({
      %run_scoped3A = tpu.sem_alloc : memref<!tpu.dma_semaphore, #tpu.memory_space<semaphore_mem>>
      %dma_start3A_183 = tpu.memref_slice %arg2[%add3A_133] : memref<102400xi32, #tpu.memory_space<hbm>> -> memref<128xi32, #tpu.memory_space<hbm>>
      %dma_start3A_184 = tpu.memref_slice %arg2[%add3A_133] : memref<102400xi32, #tpu.memory_space<hbm>> -> memref<128xi32, #tpu.memory_space<hbm>>
      tpu.enqueue_dma source(%dma_start3A_184 : memref<128xi32, #tpu.memory_space<hbm>>) target(%arg6 : memref<128xi32, #tpu.memory_space<vmem>>) target_semaphore(%run_scoped3A : memref<!tpu.dma_semaphore, #tpu.memory_space<semaphore_mem>>)
      %dma_wait3A_185 = tpu.memref_slice %arg2[%add3A_133] : memref<102400xi32, #tpu.memory_space<hbm>> -> memref<128xi32, #tpu.memory_space<hbm>>
      %dma_wait3A_186 = tpu.memref_slice %arg2[%add3A_133] : memref<102400xi32, #tpu.memory_space<hbm>> -> memref<128xi32, #tpu.memory_space<hbm>>
      tpu.wait_dma2 semaphore(%run_scoped3A : memref<!tpu.dma_semaphore, #tpu.memory_space<semaphore_mem>>) src(%dma_wait3A_186 : memref<128xi32, #tpu.memory_space<hbm>>) dst(%arg6 : memref<128xi32, #tpu.memory_space<vmem>>)
      tpu.yield
    }) : () -> ()
    %dma_start3A_134 = arith.constant 0 : i32
    %dma_start3A_135 = arith.constant 0 : i32
    %dma_start3A_136 = tpu.memref_slice %arg9[%dma_start3A_134, %dma_start3A_135] : memref<4196x128xf32, #tpu.memory_space<vmem_shared>> -> memref<4196x128xf32, #tpu.memory_space<vmem_shared>>
    tpu.enqueue_indirect_dma source(%dma_start3A_136 : memref<4196x128xf32, #tpu.memory_space<vmem_shared>>) target(%arg8 : memref<128x128xf32, #tpu.memory_space<vmem>>) offsets(%arg6 : memref<128xi32, #tpu.memory_space<vmem>>) semaphore(%arg11 : memref<!tpu.dma_semaphore, #tpu.memory_space<semaphore_mem>>)
    %dma_wait3A_137 = arith.constant 0 : i32
    %dma_wait3A_138 = arith.constant 0 : i32
    %dma_wait3A_139 = tpu.memref_slice %arg9[%dma_wait3A_137, %dma_wait3A_138] : memref<4196x128xf32, #tpu.memory_space<vmem_shared>> -> memref<4196x128xf32, #tpu.memory_space<vmem_shared>>
    tpu.wait_indirect_dma semaphore(%arg10 : memref<!tpu.dma_semaphore, #tpu.memory_space<semaphore_mem>>) src(%dma_wait3A_139 : memref<4196x128xf32, #tpu.memory_space<vmem_shared>>) dst(%arg7 : memref<128x128xf32, #tpu.memory_space<vmem>>)
    %add3A_140 = arith.constant 768 : i32
    %add3A_141 = arith.addi %mul3A_4, %add3A_140 : i32
    %dma_start3A_142 = arith.constant 0 : i32
    %dma_start3A_143 = tpu.memref_slice %arg4[%add3A_141, %dma_start3A_142] : memref<36864x128xf32, #tpu.memory_space<hbm>> -> memref<128x128xf32, #tpu.memory_space<hbm>>
    %dma_start3A_144 = arith.constant 0 : i32
    %dma_start3A_145 = tpu.memref_slice %arg4[%add3A_141, %dma_start3A_144] : memref<36864x128xf32, #tpu.memory_space<hbm>> -> memref<128x128xf32, #tpu.memory_space<hbm>>
    tpu.enqueue_dma source(%arg7 : memref<128x128xf32, #tpu.memory_space<vmem>>) target(%dma_start3A_145 : memref<128x128xf32, #tpu.memory_space<hbm>>) target_semaphore(%arg12 : memref<!tpu.dma_semaphore, #tpu.memory_space<semaphore_mem>>)
    %add3A_146 = arith.constant 1024 : i32
    %add3A_147 = arith.addi %mul3A_4, %add3A_146 : i32
    %dma_wait3A_148 = arith.constant 0 : i32
    %dma_wait3A_149 = tpu.memref_slice %arg4[%add3A_141, %dma_wait3A_148] : memref<36864x128xf32, #tpu.memory_space<hbm>> -> memref<128x128xf32, #tpu.memory_space<hbm>>
    %dma_wait3A_150 = arith.constant 0 : i32
    %dma_wait3A_151 = tpu.memref_slice %arg4[%add3A_141, %dma_wait3A_150] : memref<36864x128xf32, #tpu.memory_space<hbm>> -> memref<128x128xf32, #tpu.memory_space<hbm>>
    tpu.wait_dma2 semaphore(%arg12 : memref<!tpu.dma_semaphore, #tpu.memory_space<semaphore_mem>>) src(%arg7 : memref<128x128xf32, #tpu.memory_space<vmem>>) dst(%dma_wait3A_151 : memref<128x128xf32, #tpu.memory_space<hbm>>)
    %add3A_152 = arith.constant 24576 : i32
    %add3A_153 = arith.addi %add3A_152, %add3A_147 : i32
    "tpu.region"() ({
      %run_scoped3A = tpu.sem_alloc : memref<!tpu.dma_semaphore, #tpu.memory_space<semaphore_mem>>
      %dma_start3A_183 = tpu.memref_slice %arg2[%add3A_153] : memref<102400xi32, #tpu.memory_space<hbm>> -> memref<128xi32, #tpu.memory_space<hbm>>
      %dma_start3A_184 = tpu.memref_slice %arg2[%add3A_153] : memref<102400xi32, #tpu.memory_space<hbm>> -> memref<128xi32, #tpu.memory_space<hbm>>
      tpu.enqueue_dma source(%dma_start3A_184 : memref<128xi32, #tpu.memory_space<hbm>>) target(%arg5 : memref<128xi32, #tpu.memory_space<vmem>>) target_semaphore(%run_scoped3A : memref<!tpu.dma_semaphore, #tpu.memory_space<semaphore_mem>>)
      %dma_wait3A_185 = tpu.memref_slice %arg2[%add3A_153] : memref<102400xi32, #tpu.memory_space<hbm>> -> memref<128xi32, #tpu.memory_space<hbm>>
      %dma_wait3A_186 = tpu.memref_slice %arg2[%add3A_153] : memref<102400xi32, #tpu.memory_space<hbm>> -> memref<128xi32, #tpu.memory_space<hbm>>
      tpu.wait_dma2 semaphore(%run_scoped3A : memref<!tpu.dma_semaphore, #tpu.memory_space<semaphore_mem>>) src(%dma_wait3A_186 : memref<128xi32, #tpu.memory_space<hbm>>) dst(%arg5 : memref<128xi32, #tpu.memory_space<vmem>>)
      tpu.yield
    }) : () -> ()
    %dma_start3A_154 = arith.constant 0 : i32
    %dma_start3A_155 = arith.constant 0 : i32
    %dma_start3A_156 = tpu.memref_slice %arg9[%dma_start3A_154, %dma_start3A_155] : memref<4196x128xf32, #tpu.memory_space<vmem_shared>> -> memref<4196x128xf32, #tpu.memory_space<vmem_shared>>
    tpu.enqueue_indirect_dma source(%dma_start3A_156 : memref<4196x128xf32, #tpu.memory_space<vmem_shared>>) target(%arg7 : memref<128x128xf32, #tpu.memory_space<vmem>>) offsets(%arg5 : memref<128xi32, #tpu.memory_space<vmem>>) semaphore(%arg10 : memref<!tpu.dma_semaphore, #tpu.memory_space<semaphore_mem>>)
    %dma_wait3A_157 = arith.constant 0 : i32
    %dma_wait3A_158 = arith.constant 0 : i32
    %dma_wait3A_159 = tpu.memref_slice %arg9[%dma_wait3A_157, %dma_wait3A_158] : memref<4196x128xf32, #tpu.memory_space<vmem_shared>> -> memref<4196x128xf32, #tpu.memory_space<vmem_shared>>
    tpu.wait_indirect_dma semaphore(%arg11 : memref<!tpu.dma_semaphore, #tpu.memory_space<semaphore_mem>>) src(%dma_wait3A_159 : memref<4196x128xf32, #tpu.memory_space<vmem_shared>>) dst(%arg8 : memref<128x128xf32, #tpu.memory_space<vmem>>)
    %add3A_160 = arith.constant 896 : i32
    %add3A_161 = arith.addi %mul3A_4, %add3A_160 : i32
    %dma_start3A_162 = arith.constant 0 : i32
    %dma_start3A_163 = tpu.memref_slice %arg4[%add3A_161, %dma_start3A_162] : memref<36864x128xf32, #tpu.memory_space<hbm>> -> memref<128x128xf32, #tpu.memory_space<hbm>>
    %dma_start3A_164 = arith.constant 0 : i32
    %dma_start3A_165 = tpu.memref_slice %arg4[%add3A_161, %dma_start3A_164] : memref<36864x128xf32, #tpu.memory_space<hbm>> -> memref<128x128xf32, #tpu.memory_space<hbm>>
    tpu.enqueue_dma source(%arg8 : memref<128x128xf32, #tpu.memory_space<vmem>>) target(%dma_start3A_165 : memref<128x128xf32, #tpu.memory_space<hbm>>) target_semaphore(%arg13 : memref<!tpu.dma_semaphore, #tpu.memory_space<semaphore_mem>>)
    %dma_wait3A_166 = arith.constant 0 : i32
    %dma_wait3A_167 = arith.constant 0 : i32
    %dma_wait3A_168 = tpu.memref_slice %arg9[%dma_wait3A_166, %dma_wait3A_167] : memref<4196x128xf32, #tpu.memory_space<vmem_shared>> -> memref<4196x128xf32, #tpu.memory_space<vmem_shared>>
    tpu.wait_indirect_dma semaphore(%arg10 : memref<!tpu.dma_semaphore, #tpu.memory_space<semaphore_mem>>) src(%dma_wait3A_168 : memref<4196x128xf32, #tpu.memory_space<vmem_shared>>) dst(%arg7 : memref<128x128xf32, #tpu.memory_space<vmem>>)
    %add3A_169 = arith.constant 1024 : i32
    %add3A_170 = arith.addi %mul3A_4, %add3A_169 : i32
    %dma_start3A_171 = arith.constant 0 : i32
    %dma_start3A_172 = tpu.memref_slice %arg4[%add3A_170, %dma_start3A_171] : memref<36864x128xf32, #tpu.memory_space<hbm>> -> memref<128x128xf32, #tpu.memory_space<hbm>>
    %dma_start3A_173 = arith.constant 0 : i32
    %dma_start3A_174 = tpu.memref_slice %arg4[%add3A_170, %dma_start3A_173] : memref<36864x128xf32, #tpu.memory_space<hbm>> -> memref<128x128xf32, #tpu.memory_space<hbm>>
    tpu.enqueue_dma source(%arg7 : memref<128x128xf32, #tpu.memory_space<vmem>>) target(%dma_start3A_174 : memref<128x128xf32, #tpu.memory_space<hbm>>) target_semaphore(%arg12 : memref<!tpu.dma_semaphore, #tpu.memory_space<semaphore_mem>>)
    %dma_wait3A_175 = arith.constant 0 : i32
    %dma_wait3A_176 = tpu.memref_slice %arg4[%add3A_161, %dma_wait3A_175] : memref<36864x128xf32, #tpu.memory_space<hbm>> -> memref<128x128xf32, #tpu.memory_space<hbm>>
    %dma_wait3A_177 = arith.constant 0 : i32
    %dma_wait3A_178 = tpu.memref_slice %arg4[%add3A_161, %dma_wait3A_177] : memref<36864x128xf32, #tpu.memory_space<hbm>> -> memref<128x128xf32, #tpu.memory_space<hbm>>
    tpu.wait_dma2 semaphore(%arg13 : memref<!tpu.dma_semaphore, #tpu.memory_space<semaphore_mem>>) src(%arg8 : memref<128x128xf32, #tpu.memory_space<vmem>>) dst(%dma_wait3A_178 : memref<128x128xf32, #tpu.memory_space<hbm>>)
    %dma_wait3A_179 = arith.constant 0 : i32
    %dma_wait3A_180 = tpu.memref_slice %arg4[%add3A_170, %dma_wait3A_179] : memref<36864x128xf32, #tpu.memory_space<hbm>> -> memref<128x128xf32, #tpu.memory_space<hbm>>
    %dma_wait3A_181 = arith.constant 0 : i32
    %dma_wait3A_182 = tpu.memref_slice %arg4[%add3A_170, %dma_wait3A_181] : memref<36864x128xf32, #tpu.memory_space<hbm>> -> memref<128x128xf32, #tpu.memory_space<hbm>>
    tpu.wait_dma2 semaphore(%arg12 : memref<!tpu.dma_semaphore, #tpu.memory_space<semaphore_mem>>) src(%arg7 : memref<128x128xf32, #tpu.memory_space<vmem>>) dst(%dma_wait3A_182 : memref<128x128xf32, #tpu.memory_space<hbm>>)
    return
  }
}

module attributes {stable_mosaic.version = 14 : i64} {
  func.func @_tc_body(%arg0: i32, %arg1: memref<4x64x1024xf32, #tpu.memory_space<vmem>>, %arg2: memref<4x16x1024xf32, #tpu.memory_space<vmem>>, %arg3: memref<4x1x1024xf32, #tpu.memory_space<vmem>>, %arg4: memref<4096x128xf32, #tpu.memory_space<vmem>>, %arg5: memref<64x128xf32, #tpu.memory_space<vmem>>, %arg6: memref<128xf32, #tpu.memory_space<vmem>>, %arg7: memref<16x128xf32, #tpu.memory_space<vmem>>, %arg8: memref<128xf32, #tpu.memory_space<vmem>>, %arg9: memref<1x128xf32, #tpu.memory_space<vmem>>, %arg10: memref<128xf32, #tpu.memory_space<vmem>>, %arg11: memref<12x1024x128xf32, #tpu.memory_space<vmem>>) attributes {dimension_semantics = [#tpu.dimension_semantics<arbitrary>], iteration_bounds = array<i64: 6>, scalar_prefetch = 0 : i64, scratch_operands = 0 : i64, tpu.core_type = #tpu.core_type<tc>, window_params = [{transform_indices = @transform_0, window_bounds = array<i64: 4, 64, 1024>}, {transform_indices = @transform_1, window_bounds = array<i64: 4, 16, 1024>}, {transform_indices = @transform_2, window_bounds = array<i64: 4, 1, 1024>}, {transform_indices = @transform_3, window_bounds = array<i64: 4096, 128>}, {pipeline_mode = #tpu.pipeline_mode<synchronous>, transform_indices = @transform_4, window_bounds = array<i64: 64, 128>}, {pipeline_mode = #tpu.pipeline_mode<synchronous>, transform_indices = @transform_5, window_bounds = array<i64: 128>}, {pipeline_mode = #tpu.pipeline_mode<synchronous>, transform_indices = @transform_6, window_bounds = array<i64: 16, 128>}, {pipeline_mode = #tpu.pipeline_mode<synchronous>, transform_indices = @transform_7, window_bounds = array<i64: 128>}, {pipeline_mode = #tpu.pipeline_mode<synchronous>, transform_indices = @transform_8, window_bounds = array<i64: 1, 128>}, {pipeline_mode = #tpu.pipeline_mode<synchronous>, transform_indices = @transform_9, window_bounds = array<i64: 128>}, {transform_indices = @transform_10, window_bounds = array<i64: 12, 1024, 128>}]} {
    %get3A = arith.constant 0 : index
    %get3A_0 = arith.constant 0 : index
    %get3A_1 = vector.load %arg5[%get3A, %get3A_0] : memref<64x128xf32, #tpu.memory_space<vmem>>, vector<64x128xf32>
    %get3A_2 = arith.constant 0 : index
    %get3A_3 = arith.constant 0 : index
    %get3A_4 = vector.load %arg7[%get3A_2, %get3A_3] : memref<16x128xf32, #tpu.memory_space<vmem>>, vector<16x128xf32>
    %get3A_5 = arith.constant 0 : index
    %get3A_6 = arith.constant 0 : index
    %get3A_7 = vector.load %arg9[%get3A_5, %get3A_6] : memref<1x128xf32, #tpu.memory_space<vmem>>, vector<1x128xf32>
    %get3A_8 = arith.constant 0 : index
    %get3A_9 = vector.load %arg6[%get3A_8] : memref<128xf32, #tpu.memory_space<vmem>>, vector<128xf32>
    %broadcast_in_dim3A = vector.shape_cast %get3A_9 : vector<128xf32> to vector<1x128xf32>
    %get3A_10 = arith.constant 0 : index
    %get3A_11 = vector.load %arg8[%get3A_10] : memref<128xf32, #tpu.memory_space<vmem>>, vector<128xf32>
    %broadcast_in_dim3A_12 = vector.shape_cast %get3A_11 : vector<128xf32> to vector<1x128xf32>
    %get3A_13 = arith.constant 0 : index
    %get3A_14 = vector.load %arg10[%get3A_13] : memref<128xf32, #tpu.memory_space<vmem>>, vector<128xf32>
    %broadcast_in_dim3A_15 = vector.shape_cast %get3A_14 : vector<128xf32> to vector<1x128xf32>
    %get3A_16 = arith.constant 0 : index
    %get3A_17 = arith.constant 0 : index
    %get3A_18 = vector.load %arg4[%get3A_16, %get3A_17] : memref<4096x128xf32, #tpu.memory_space<vmem>>, vector<1024x128xf32>
    %get3A_19 = arith.constant 0 : index
    %get3A_20 = arith.constant 0 : index
    %get3A_21 = arith.constant 0 : index
    %get3A_22 = vector.load %arg1[%get3A_19, %get3A_20, %get3A_21] : memref<4x64x1024xf32, #tpu.memory_space<vmem>>, vector<1x64x1024xf32>
    %get3A_23 = vector.shape_cast %get3A_22 : vector<1x64x1024xf32> to vector<64x1024xf32>
    %dot_general3A = arith.constant dense<0.000000e+00> : vector<1024x128xf32>
    %dot_general3A_24 = tpu.matmul %get3A_23, %get3A_1, %dot_general3A {dimension_numbers = #tpu.dot_dimension_numbers<[0], [0], [1], [1], [0, 1, 1, 1], [], []>, transpose_lhs_hint = false} : vector<64x1024xf32>, vector<64x128xf32>, vector<1024x128xf32> -> vector<1024x128xf32>
    %add3A = vector.broadcast %broadcast_in_dim3A : vector<1x128xf32> to vector<1024x128xf32>
    %add3A_25 = arith.addf %dot_general3A_24, %add3A : vector<1024x128xf32>
    %add3A_26 = arith.addf %add3A_25, %get3A_18 : vector<1024x128xf32>
    %get3A_27 = arith.constant 0 : index
    %get3A_28 = arith.constant 0 : index
    %get3A_29 = arith.constant 0 : index
    %get3A_30 = vector.load %arg2[%get3A_27, %get3A_28, %get3A_29] : memref<4x16x1024xf32, #tpu.memory_space<vmem>>, vector<1x16x1024xf32>
    %get3A_31 = vector.shape_cast %get3A_30 : vector<1x16x1024xf32> to vector<16x1024xf32>
    %dot_general3A_32 = arith.constant dense<0.000000e+00> : vector<1024x128xf32>
    %dot_general3A_33 = tpu.matmul %get3A_31, %get3A_4, %dot_general3A_32 {dimension_numbers = #tpu.dot_dimension_numbers<[0], [0], [1], [1], [0, 1, 1, 1], [], []>, transpose_lhs_hint = false} : vector<16x1024xf32>, vector<16x128xf32>, vector<1024x128xf32> -> vector<1024x128xf32>
    %add3A_34 = vector.broadcast %broadcast_in_dim3A_12 : vector<1x128xf32> to vector<1024x128xf32>
    %add3A_35 = arith.addf %dot_general3A_33, %add3A_34 : vector<1024x128xf32>
    %add3A_36 = arith.addf %add3A_35, %get3A_18 : vector<1024x128xf32>
    %get3A_37 = arith.constant 0 : index
    %get3A_38 = arith.constant 0 : index
    %get3A_39 = arith.constant 0 : index
    %get3A_40 = vector.load %arg3[%get3A_37, %get3A_38, %get3A_39] : memref<4x1x1024xf32, #tpu.memory_space<vmem>>, vector<1x1x1024xf32>
    %get3A_41 = vector.shape_cast %get3A_40 : vector<1x1x1024xf32> to vector<1x1024xf32>
    %dot_general3A_42 = arith.constant dense<0.000000e+00> : vector<1024x128xf32>
    %dot_general3A_43 = tpu.matmul %get3A_41, %get3A_7, %dot_general3A_42 {dimension_numbers = #tpu.dot_dimension_numbers<[0], [0], [1], [1], [0, 1, 1, 1], [], []>, transpose_lhs_hint = false} : vector<1x1024xf32>, vector<1x128xf32>, vector<1024x128xf32> -> vector<1024x128xf32>
    %add3A_44 = vector.broadcast %broadcast_in_dim3A_15 : vector<1x128xf32> to vector<1024x128xf32>
    %add3A_45 = arith.addf %dot_general3A_43, %add3A_44 : vector<1024x128xf32>
    %add3A_46 = arith.addf %add3A_45, %get3A_18 : vector<1024x128xf32>
    %swap3A = arith.constant 0 : index
    %swap3A_47 = arith.constant 0 : index
    %swap3A_48 = arith.constant 0 : index
    %swap3A_49 = vector.load %arg11[%swap3A, %swap3A_47, %swap3A_48] : memref<12x1024x128xf32, #tpu.memory_space<vmem>>, vector<1x1024x128xf32>
    %swap3A_50 = vector.shape_cast %swap3A_49 : vector<1x1024x128xf32> to vector<1024x128xf32>
    %swap3A_51 = vector.shape_cast %add3A_46 : vector<1024x128xf32> to vector<1x1024x128xf32>
    tpu.vector_store %arg11[%swap3A, %swap3A_47, %swap3A_48], %swap3A_51 {strides = array<i32>} : memref<12x1024x128xf32, #tpu.memory_space<vmem>>, vector<1x1024x128xf32>,
    %swap3A_52 = arith.constant 1 : index
    %swap3A_53 = arith.constant 0 : index
    %swap3A_54 = arith.constant 0 : index
    %swap3A_55 = vector.load %arg11[%swap3A_52, %swap3A_53, %swap3A_54] : memref<12x1024x128xf32, #tpu.memory_space<vmem>>, vector<1x1024x128xf32>
    %swap3A_56 = vector.shape_cast %swap3A_55 : vector<1x1024x128xf32> to vector<1024x128xf32>
    %swap3A_57 = vector.shape_cast %add3A_26 : vector<1024x128xf32> to vector<1x1024x128xf32>
    tpu.vector_store %arg11[%swap3A_52, %swap3A_53, %swap3A_54], %swap3A_57 {strides = array<i32>} : memref<12x1024x128xf32, #tpu.memory_space<vmem>>, vector<1x1024x128xf32>,
    %swap3A_58 = arith.constant 2 : index
    %swap3A_59 = arith.constant 0 : index
    %swap3A_60 = arith.constant 0 : index
    %swap3A_61 = vector.load %arg11[%swap3A_58, %swap3A_59, %swap3A_60] : memref<12x1024x128xf32, #tpu.memory_space<vmem>>, vector<1x1024x128xf32>
    %swap3A_62 = vector.shape_cast %swap3A_61 : vector<1x1024x128xf32> to vector<1024x128xf32>
    %swap3A_63 = vector.shape_cast %add3A_36 : vector<1024x128xf32> to vector<1x1024x128xf32>
    tpu.vector_store %arg11[%swap3A_58, %swap3A_59, %swap3A_60], %swap3A_63 {strides = array<i32>} : memref<12x1024x128xf32, #tpu.memory_space<vmem>>, vector<1x1024x128xf32>,
    %get3A_64 = arith.constant 1024 : index
    %get3A_65 = arith.constant 0 : index
    %get3A_66 = vector.load %arg4[%get3A_64, %get3A_65] : memref<4096x128xf32, #tpu.memory_space<vmem>>, vector<1024x128xf32>
    %get3A_67 = arith.constant 1 : index
    %get3A_68 = arith.constant 0 : index
    %get3A_69 = arith.constant 0 : index
    %get3A_70 = vector.load %arg1[%get3A_67, %get3A_68, %get3A_69] : memref<4x64x1024xf32, #tpu.memory_space<vmem>>, vector<1x64x1024xf32>
    %get3A_71 = vector.shape_cast %get3A_70 : vector<1x64x1024xf32> to vector<64x1024xf32>
    %dot_general3A_72 = arith.constant dense<0.000000e+00> : vector<1024x128xf32>
    %dot_general3A_73 = tpu.matmul %get3A_71, %get3A_1, %dot_general3A_72 {dimension_numbers = #tpu.dot_dimension_numbers<[0], [0], [1], [1], [0, 1, 1, 1], [], []>, transpose_lhs_hint = false} : vector<64x1024xf32>, vector<64x128xf32>, vector<1024x128xf32> -> vector<1024x128xf32>
    %add3A_74 = vector.broadcast %broadcast_in_dim3A : vector<1x128xf32> to vector<1024x128xf32>
    %add3A_75 = arith.addf %dot_general3A_73, %add3A_74 : vector<1024x128xf32>
    %add3A_76 = arith.addf %add3A_75, %get3A_66 : vector<1024x128xf32>
    %get3A_77 = arith.constant 1 : index
    %get3A_78 = arith.constant 0 : index
    %get3A_79 = arith.constant 0 : index
    %get3A_80 = vector.load %arg2[%get3A_77, %get3A_78, %get3A_79] : memref<4x16x1024xf32, #tpu.memory_space<vmem>>, vector<1x16x1024xf32>
    %get3A_81 = vector.shape_cast %get3A_80 : vector<1x16x1024xf32> to vector<16x1024xf32>
    %dot_general3A_82 = arith.constant dense<0.000000e+00> : vector<1024x128xf32>
    %dot_general3A_83 = tpu.matmul %get3A_81, %get3A_4, %dot_general3A_82 {dimension_numbers = #tpu.dot_dimension_numbers<[0], [0], [1], [1], [0, 1, 1, 1], [], []>, transpose_lhs_hint = false} : vector<16x1024xf32>, vector<16x128xf32>, vector<1024x128xf32> -> vector<1024x128xf32>
    %add3A_84 = vector.broadcast %broadcast_in_dim3A_12 : vector<1x128xf32> to vector<1024x128xf32>
    %add3A_85 = arith.addf %dot_general3A_83, %add3A_84 : vector<1024x128xf32>
    %add3A_86 = arith.addf %add3A_85, %get3A_66 : vector<1024x128xf32>
    %get3A_87 = arith.constant 1 : index
    %get3A_88 = arith.constant 0 : index
    %get3A_89 = arith.constant 0 : index
    %get3A_90 = vector.load %arg3[%get3A_87, %get3A_88, %get3A_89] : memref<4x1x1024xf32, #tpu.memory_space<vmem>>, vector<1x1x1024xf32>
    %get3A_91 = vector.shape_cast %get3A_90 : vector<1x1x1024xf32> to vector<1x1024xf32>
    %dot_general3A_92 = arith.constant dense<0.000000e+00> : vector<1024x128xf32>
    %dot_general3A_93 = tpu.matmul %get3A_91, %get3A_7, %dot_general3A_92 {dimension_numbers = #tpu.dot_dimension_numbers<[0], [0], [1], [1], [0, 1, 1, 1], [], []>, transpose_lhs_hint = false} : vector<1x1024xf32>, vector<1x128xf32>, vector<1024x128xf32> -> vector<1024x128xf32>
    %add3A_94 = vector.broadcast %broadcast_in_dim3A_15 : vector<1x128xf32> to vector<1024x128xf32>
    %add3A_95 = arith.addf %dot_general3A_93, %add3A_94 : vector<1024x128xf32>
    %add3A_96 = arith.addf %add3A_95, %get3A_66 : vector<1024x128xf32>
    %swap3A_97 = arith.constant 3 : index
    %swap3A_98 = arith.constant 0 : index
    %swap3A_99 = arith.constant 0 : index
    %swap3A_100 = vector.load %arg11[%swap3A_97, %swap3A_98, %swap3A_99] : memref<12x1024x128xf32, #tpu.memory_space<vmem>>, vector<1x1024x128xf32>
    %swap3A_101 = vector.shape_cast %swap3A_100 : vector<1x1024x128xf32> to vector<1024x128xf32>
    %swap3A_102 = vector.shape_cast %add3A_96 : vector<1024x128xf32> to vector<1x1024x128xf32>
    tpu.vector_store %arg11[%swap3A_97, %swap3A_98, %swap3A_99], %swap3A_102 {strides = array<i32>} : memref<12x1024x128xf32, #tpu.memory_space<vmem>>, vector<1x1024x128xf32>,
    %swap3A_103 = arith.constant 4 : index
    %swap3A_104 = arith.constant 0 : index
    %swap3A_105 = arith.constant 0 : index
    %swap3A_106 = vector.load %arg11[%swap3A_103, %swap3A_104, %swap3A_105] : memref<12x1024x128xf32, #tpu.memory_space<vmem>>, vector<1x1024x128xf32>
    %swap3A_107 = vector.shape_cast %swap3A_106 : vector<1x1024x128xf32> to vector<1024x128xf32>
    %swap3A_108 = vector.shape_cast %add3A_76 : vector<1024x128xf32> to vector<1x1024x128xf32>
    tpu.vector_store %arg11[%swap3A_103, %swap3A_104, %swap3A_105], %swap3A_108 {strides = array<i32>} : memref<12x1024x128xf32, #tpu.memory_space<vmem>>, vector<1x1024x128xf32>,
    %swap3A_109 = arith.constant 5 : index
    %swap3A_110 = arith.constant 0 : index
    %swap3A_111 = arith.constant 0 : index
    %swap3A_112 = vector.load %arg11[%swap3A_109, %swap3A_110, %swap3A_111] : memref<12x1024x128xf32, #tpu.memory_space<vmem>>, vector<1x1024x128xf32>
    %swap3A_113 = vector.shape_cast %swap3A_112 : vector<1x1024x128xf32> to vector<1024x128xf32>
    %swap3A_114 = vector.shape_cast %add3A_86 : vector<1024x128xf32> to vector<1x1024x128xf32>
    tpu.vector_store %arg11[%swap3A_109, %swap3A_110, %swap3A_111], %swap3A_114 {strides = array<i32>} : memref<12x1024x128xf32, #tpu.memory_space<vmem>>, vector<1x1024x128xf32>,
    %get3A_115 = arith.constant 2048 : index
    %get3A_116 = arith.constant 0 : index
    %get3A_117 = vector.load %arg4[%get3A_115, %get3A_116] : memref<4096x128xf32, #tpu.memory_space<vmem>>, vector<1024x128xf32>
    %get3A_118 = arith.constant 2 : index
    %get3A_119 = arith.constant 0 : index
    %get3A_120 = arith.constant 0 : index
    %get3A_121 = vector.load %arg1[%get3A_118, %get3A_119, %get3A_120] : memref<4x64x1024xf32, #tpu.memory_space<vmem>>, vector<1x64x1024xf32>
    %get3A_122 = vector.shape_cast %get3A_121 : vector<1x64x1024xf32> to vector<64x1024xf32>
    %dot_general3A_123 = arith.constant dense<0.000000e+00> : vector<1024x128xf32>
    %dot_general3A_124 = tpu.matmul %get3A_122, %get3A_1, %dot_general3A_123 {dimension_numbers = #tpu.dot_dimension_numbers<[0], [0], [1], [1], [0, 1, 1, 1], [], []>, transpose_lhs_hint = false} : vector<64x1024xf32>, vector<64x128xf32>, vector<1024x128xf32> -> vector<1024x128xf32>
    %add3A_125 = vector.broadcast %broadcast_in_dim3A : vector<1x128xf32> to vector<1024x128xf32>
    %add3A_126 = arith.addf %dot_general3A_124, %add3A_125 : vector<1024x128xf32>
    %add3A_127 = arith.addf %add3A_126, %get3A_117 : vector<1024x128xf32>
    %get3A_128 = arith.constant 2 : index
    %get3A_129 = arith.constant 0 : index
    %get3A_130 = arith.constant 0 : index
    %get3A_131 = vector.load %arg2[%get3A_128, %get3A_129, %get3A_130] : memref<4x16x1024xf32, #tpu.memory_space<vmem>>, vector<1x16x1024xf32>
    %get3A_132 = vector.shape_cast %get3A_131 : vector<1x16x1024xf32> to vector<16x1024xf32>
    %dot_general3A_133 = arith.constant dense<0.000000e+00> : vector<1024x128xf32>
    %dot_general3A_134 = tpu.matmul %get3A_132, %get3A_4, %dot_general3A_133 {dimension_numbers = #tpu.dot_dimension_numbers<[0], [0], [1], [1], [0, 1, 1, 1], [], []>, transpose_lhs_hint = false} : vector<16x1024xf32>, vector<16x128xf32>, vector<1024x128xf32> -> vector<1024x128xf32>
    %add3A_135 = vector.broadcast %broadcast_in_dim3A_12 : vector<1x128xf32> to vector<1024x128xf32>
    %add3A_136 = arith.addf %dot_general3A_134, %add3A_135 : vector<1024x128xf32>
    %add3A_137 = arith.addf %add3A_136, %get3A_117 : vector<1024x128xf32>
    %get3A_138 = arith.constant 2 : index
    %get3A_139 = arith.constant 0 : index
    %get3A_140 = arith.constant 0 : index
    %get3A_141 = vector.load %arg3[%get3A_138, %get3A_139, %get3A_140] : memref<4x1x1024xf32, #tpu.memory_space<vmem>>, vector<1x1x1024xf32>
    %get3A_142 = vector.shape_cast %get3A_141 : vector<1x1x1024xf32> to vector<1x1024xf32>
    %dot_general3A_143 = arith.constant dense<0.000000e+00> : vector<1024x128xf32>
    %dot_general3A_144 = tpu.matmul %get3A_142, %get3A_7, %dot_general3A_143 {dimension_numbers = #tpu.dot_dimension_numbers<[0], [0], [1], [1], [0, 1, 1, 1], [], []>, transpose_lhs_hint = false} : vector<1x1024xf32>, vector<1x128xf32>, vector<1024x128xf32> -> vector<1024x128xf32>
    %add3A_145 = vector.broadcast %broadcast_in_dim3A_15 : vector<1x128xf32> to vector<1024x128xf32>
    %add3A_146 = arith.addf %dot_general3A_144, %add3A_145 : vector<1024x128xf32>
    %add3A_147 = arith.addf %add3A_146, %get3A_117 : vector<1024x128xf32>
    %swap3A_148 = arith.constant 6 : index
    %swap3A_149 = arith.constant 0 : index
    %swap3A_150 = arith.constant 0 : index
    %swap3A_151 = vector.load %arg11[%swap3A_148, %swap3A_149, %swap3A_150] : memref<12x1024x128xf32, #tpu.memory_space<vmem>>, vector<1x1024x128xf32>
    %swap3A_152 = vector.shape_cast %swap3A_151 : vector<1x1024x128xf32> to vector<1024x128xf32>
    %swap3A_153 = vector.shape_cast %add3A_147 : vector<1024x128xf32> to vector<1x1024x128xf32>
    tpu.vector_store %arg11[%swap3A_148, %swap3A_149, %swap3A_150], %swap3A_153 {strides = array<i32>} : memref<12x1024x128xf32, #tpu.memory_space<vmem>>, vector<1x1024x128xf32>,
    %swap3A_154 = arith.constant 7 : index
    %swap3A_155 = arith.constant 0 : index
    %swap3A_156 = arith.constant 0 : index
    %swap3A_157 = vector.load %arg11[%swap3A_154, %swap3A_155, %swap3A_156] : memref<12x1024x128xf32, #tpu.memory_space<vmem>>, vector<1x1024x128xf32>
    %swap3A_158 = vector.shape_cast %swap3A_157 : vector<1x1024x128xf32> to vector<1024x128xf32>
    %swap3A_159 = vector.shape_cast %add3A_127 : vector<1024x128xf32> to vector<1x1024x128xf32>
    tpu.vector_store %arg11[%swap3A_154, %swap3A_155, %swap3A_156], %swap3A_159 {strides = array<i32>} : memref<12x1024x128xf32, #tpu.memory_space<vmem>>, vector<1x1024x128xf32>,
    %swap3A_160 = arith.constant 8 : index
    %swap3A_161 = arith.constant 0 : index
    %swap3A_162 = arith.constant 0 : index
    %swap3A_163 = vector.load %arg11[%swap3A_160, %swap3A_161, %swap3A_162] : memref<12x1024x128xf32, #tpu.memory_space<vmem>>, vector<1x1024x128xf32>
    %swap3A_164 = vector.shape_cast %swap3A_163 : vector<1x1024x128xf32> to vector<1024x128xf32>
    %swap3A_165 = vector.shape_cast %add3A_137 : vector<1024x128xf32> to vector<1x1024x128xf32>
    tpu.vector_store %arg11[%swap3A_160, %swap3A_161, %swap3A_162], %swap3A_165 {strides = array<i32>} : memref<12x1024x128xf32, #tpu.memory_space<vmem>>, vector<1x1024x128xf32>,
    %get3A_166 = arith.constant 3072 : index
    %get3A_167 = arith.constant 0 : index
    %get3A_168 = vector.load %arg4[%get3A_166, %get3A_167] : memref<4096x128xf32, #tpu.memory_space<vmem>>, vector<1024x128xf32>
    %get3A_169 = arith.constant 3 : index
    %get3A_170 = arith.constant 0 : index
    %get3A_171 = arith.constant 0 : index
    %get3A_172 = vector.load %arg1[%get3A_169, %get3A_170, %get3A_171] : memref<4x64x1024xf32, #tpu.memory_space<vmem>>, vector<1x64x1024xf32>
    %get3A_173 = vector.shape_cast %get3A_172 : vector<1x64x1024xf32> to vector<64x1024xf32>
    %dot_general3A_174 = arith.constant dense<0.000000e+00> : vector<1024x128xf32>
    %dot_general3A_175 = tpu.matmul %get3A_173, %get3A_1, %dot_general3A_174 {dimension_numbers = #tpu.dot_dimension_numbers<[0], [0], [1], [1], [0, 1, 1, 1], [], []>, transpose_lhs_hint = false} : vector<64x1024xf32>, vector<64x128xf32>, vector<1024x128xf32> -> vector<1024x128xf32>
    %add3A_176 = vector.broadcast %broadcast_in_dim3A : vector<1x128xf32> to vector<1024x128xf32>
    %add3A_177 = arith.addf %dot_general3A_175, %add3A_176 : vector<1024x128xf32>
    %add3A_178 = arith.addf %add3A_177, %get3A_168 : vector<1024x128xf32>
    %get3A_179 = arith.constant 3 : index
    %get3A_180 = arith.constant 0 : index
    %get3A_181 = arith.constant 0 : index
    %get3A_182 = vector.load %arg2[%get3A_179, %get3A_180, %get3A_181] : memref<4x16x1024xf32, #tpu.memory_space<vmem>>, vector<1x16x1024xf32>
    %get3A_183 = vector.shape_cast %get3A_182 : vector<1x16x1024xf32> to vector<16x1024xf32>
    %dot_general3A_184 = arith.constant dense<0.000000e+00> : vector<1024x128xf32>
    %dot_general3A_185 = tpu.matmul %get3A_183, %get3A_4, %dot_general3A_184 {dimension_numbers = #tpu.dot_dimension_numbers<[0], [0], [1], [1], [0, 1, 1, 1], [], []>, transpose_lhs_hint = false} : vector<16x1024xf32>, vector<16x128xf32>, vector<1024x128xf32> -> vector<1024x128xf32>
    %add3A_186 = vector.broadcast %broadcast_in_dim3A_12 : vector<1x128xf32> to vector<1024x128xf32>
    %add3A_187 = arith.addf %dot_general3A_185, %add3A_186 : vector<1024x128xf32>
    %add3A_188 = arith.addf %add3A_187, %get3A_168 : vector<1024x128xf32>
    %get3A_189 = arith.constant 3 : index
    %get3A_190 = arith.constant 0 : index
    %get3A_191 = arith.constant 0 : index
    %get3A_192 = vector.load %arg3[%get3A_189, %get3A_190, %get3A_191] : memref<4x1x1024xf32, #tpu.memory_space<vmem>>, vector<1x1x1024xf32>
    %get3A_193 = vector.shape_cast %get3A_192 : vector<1x1x1024xf32> to vector<1x1024xf32>
    %dot_general3A_194 = arith.constant dense<0.000000e+00> : vector<1024x128xf32>
    %dot_general3A_195 = tpu.matmul %get3A_193, %get3A_7, %dot_general3A_194 {dimension_numbers = #tpu.dot_dimension_numbers<[0], [0], [1], [1], [0, 1, 1, 1], [], []>, transpose_lhs_hint = false} : vector<1x1024xf32>, vector<1x128xf32>, vector<1024x128xf32> -> vector<1024x128xf32>
    %add3A_196 = vector.broadcast %broadcast_in_dim3A_15 : vector<1x128xf32> to vector<1024x128xf32>
    %add3A_197 = arith.addf %dot_general3A_195, %add3A_196 : vector<1024x128xf32>
    %add3A_198 = arith.addf %add3A_197, %get3A_168 : vector<1024x128xf32>
    %swap3A_199 = arith.constant 9 : index
    %swap3A_200 = arith.constant 0 : index
    %swap3A_201 = arith.constant 0 : index
    %swap3A_202 = vector.load %arg11[%swap3A_199, %swap3A_200, %swap3A_201] : memref<12x1024x128xf32, #tpu.memory_space<vmem>>, vector<1x1024x128xf32>
    %swap3A_203 = vector.shape_cast %swap3A_202 : vector<1x1024x128xf32> to vector<1024x128xf32>
    %swap3A_204 = vector.shape_cast %add3A_198 : vector<1024x128xf32> to vector<1x1024x128xf32>
    tpu.vector_store %arg11[%swap3A_199, %swap3A_200, %swap3A_201], %swap3A_204 {strides = array<i32>} : memref<12x1024x128xf32, #tpu.memory_space<vmem>>, vector<1x1024x128xf32>,
    %swap3A_205 = arith.constant 10 : index
    %swap3A_206 = arith.constant 0 : index
    %swap3A_207 = arith.constant 0 : index
    %swap3A_208 = vector.load %arg11[%swap3A_205, %swap3A_206, %swap3A_207] : memref<12x1024x128xf32, #tpu.memory_space<vmem>>, vector<1x1024x128xf32>
    %swap3A_209 = vector.shape_cast %swap3A_208 : vector<1x1024x128xf32> to vector<1024x128xf32>
    %swap3A_210 = vector.shape_cast %add3A_178 : vector<1024x128xf32> to vector<1x1024x128xf32>
    tpu.vector_store %arg11[%swap3A_205, %swap3A_206, %swap3A_207], %swap3A_210 {strides = array<i32>} : memref<12x1024x128xf32, #tpu.memory_space<vmem>>, vector<1x1024x128xf32>,
    %swap3A_211 = arith.constant 11 : index
    %swap3A_212 = arith.constant 0 : index
    %swap3A_213 = arith.constant 0 : index
    %swap3A_214 = vector.load %arg11[%swap3A_211, %swap3A_212, %swap3A_213] : memref<12x1024x128xf32, #tpu.memory_space<vmem>>, vector<1x1024x128xf32>
    %swap3A_215 = vector.shape_cast %swap3A_214 : vector<1x1024x128xf32> to vector<1024x128xf32>
    %swap3A_216 = vector.shape_cast %add3A_188 : vector<1024x128xf32> to vector<1x1024x128xf32>
    tpu.vector_store %arg11[%swap3A_211, %swap3A_212, %swap3A_213], %swap3A_216 {strides = array<i32>} : memref<12x1024x128xf32, #tpu.memory_space<vmem>>, vector<1x1024x128xf32>,
    return
  }
  func.func @transform_0(%arg0: i32) -> (i32, i32, i32) {
    %add3A = arith.constant 0 : i32
    %add3A_0 = arith.addi %arg0, %add3A : i32
    %c0_i32 = arith.constant 0 : i32
    %c0_i32_1 = arith.constant 0 : i32
    %c0_i32_2 = arith.constant 0 : i32
    return %add3A_0, %c0_i32, %c0_i32_1 : i32, i32, i32
  }
  func.func @transform_1(%arg0: i32) -> (i32, i32, i32) {
    %add3A = arith.constant 0 : i32
    %add3A_0 = arith.addi %arg0, %add3A : i32
    %c0_i32 = arith.constant 0 : i32
    %c0_i32_1 = arith.constant 0 : i32
    %c0_i32_2 = arith.constant 0 : i32
    return %add3A_0, %c0_i32, %c0_i32_1 : i32, i32, i32
  }
  func.func @transform_2(%arg0: i32) -> (i32, i32, i32) {
    %add3A = arith.constant 0 : i32
    %add3A_0 = arith.addi %arg0, %add3A : i32
    %c0_i32 = arith.constant 0 : i32
    %c0_i32_1 = arith.constant 0 : i32
    %c0_i32_2 = arith.constant 0 : i32
    return %add3A_0, %c0_i32, %c0_i32_1 : i32, i32, i32
  }
  func.func @transform_3(%arg0: i32) -> (i32, i32) {
    %c0_i32 = arith.constant 0 : i32
    %c0_i32_0 = arith.constant 0 : i32
    return %arg0, %c0_i32 : i32, i32
  }
  func.func @transform_4(%arg0: i32) -> (i32, i32) {
    %c0_i32 = arith.constant 0 : i32
    %c0_i32_0 = arith.constant 0 : i32
    %c0_i32_1 = arith.constant 0 : i32
    return %c0_i32, %c0_i32_0 : i32, i32
  }
  func.func @transform_5(%arg0: i32) -> i32 {
    %c0_i32 = arith.constant 0 : i32
    %c0_i32_0 = arith.constant 0 : i32
    return %c0_i32 : i32
  }
  func.func @transform_6(%arg0: i32) -> (i32, i32) {
    %c0_i32 = arith.constant 0 : i32
    %c0_i32_0 = arith.constant 0 : i32
    %c0_i32_1 = arith.constant 0 : i32
    return %c0_i32, %c0_i32_0 : i32, i32
  }
  func.func @transform_7(%arg0: i32) -> i32 {
    %c0_i32 = arith.constant 0 : i32
    %c0_i32_0 = arith.constant 0 : i32
    return %c0_i32 : i32
  }
  func.func @transform_8(%arg0: i32) -> (i32, i32) {
    %c0_i32 = arith.constant 0 : i32
    %c0_i32_0 = arith.constant 0 : i32
    %c0_i32_1 = arith.constant 0 : i32
    return %c0_i32, %c0_i32_0 : i32, i32
  }
  func.func @transform_9(%arg0: i32) -> i32 {
    %c0_i32 = arith.constant 0 : i32
    %c0_i32_0 = arith.constant 0 : i32
    return %c0_i32 : i32
  }
  func.func @transform_10(%arg0: i32) -> (i32, i32, i32) {
    %add3A = arith.constant 0 : i32
    %add3A_0 = arith.addi %arg0, %add3A : i32
    %c0_i32 = arith.constant 0 : i32
    %c0_i32_1 = arith.constant 0 : i32
    %c0_i32_2 = arith.constant 0 : i32
    return %add3A_0, %c0_i32, %c0_i32_1 : i32, i32, i32
  }
}

module attributes {stable_mosaic.version = 14 : i64} {
  func.func @_tc_body(%arg0: i32, %arg1: memref<4x64x1024xf32, #tpu.memory_space<vmem>>, %arg2: memref<4x16x1024xf32, #tpu.memory_space<vmem>>, %arg3: memref<4x1x1024xf32, #tpu.memory_space<vmem>>, %arg4: memref<4096x128xf32, #tpu.memory_space<vmem>>, %arg5: memref<64x128xf32, #tpu.memory_space<vmem>>, %arg6: memref<128xf32, #tpu.memory_space<vmem>>, %arg7: memref<16x128xf32, #tpu.memory_space<vmem>>, %arg8: memref<128xf32, #tpu.memory_space<vmem>>, %arg9: memref<1x128xf32, #tpu.memory_space<vmem>>, %arg10: memref<128xf32, #tpu.memory_space<vmem>>, %arg11: memref<300x1024x128xf32, #tpu.memory_space<hbm>>, %arg12: memref<12x1024x128xf32, #tpu.memory_space<vmem>>) attributes {dimension_semantics = [#tpu.dimension_semantics<arbitrary>], iteration_bounds = array<i64: 9>, scalar_prefetch = 0 : i64, scratch_operands = 0 : i64, tpu.core_type = #tpu.core_type<tc>, window_params = [{transform_indices = @transform_0, window_bounds = array<i64: 4, 64, 1024>}, {transform_indices = @transform_1, window_bounds = array<i64: 4, 16, 1024>}, {transform_indices = @transform_2, window_bounds = array<i64: 4, 1, 1024>}, {transform_indices = @transform_3, window_bounds = array<i64: 4096, 128>}, {pipeline_mode = #tpu.pipeline_mode<synchronous>, transform_indices = @transform_4, window_bounds = array<i64: 64, 128>}, {pipeline_mode = #tpu.pipeline_mode<synchronous>, transform_indices = @transform_5, window_bounds = array<i64: 128>}, {pipeline_mode = #tpu.pipeline_mode<synchronous>, transform_indices = @transform_6, window_bounds = array<i64: 16, 128>}, {pipeline_mode = #tpu.pipeline_mode<synchronous>, transform_indices = @transform_7, window_bounds = array<i64: 128>}, {pipeline_mode = #tpu.pipeline_mode<synchronous>, transform_indices = @transform_8, window_bounds = array<i64: 1, 128>}, {pipeline_mode = #tpu.pipeline_mode<synchronous>, transform_indices = @transform_9, window_bounds = array<i64: 128>}, {}, {transform_indices = @transform_11, window_bounds = array<i64: 12, 1024, 128>}]} {
    %get3A = arith.constant 0 : index
    %get3A_0 = arith.constant 0 : index
    %get3A_1 = vector.load %arg5[%get3A, %get3A_0] : memref<64x128xf32, #tpu.memory_space<vmem>>, vector<64x128xf32>
    %get3A_2 = arith.constant 0 : index
    %get3A_3 = arith.constant 0 : index
    %get3A_4 = vector.load %arg7[%get3A_2, %get3A_3] : memref<16x128xf32, #tpu.memory_space<vmem>>, vector<16x128xf32>
    %get3A_5 = arith.constant 0 : index
    %get3A_6 = arith.constant 0 : index
    %get3A_7 = vector.load %arg9[%get3A_5, %get3A_6] : memref<1x128xf32, #tpu.memory_space<vmem>>, vector<1x128xf32>
    %get3A_8 = arith.constant 0 : index
    %get3A_9 = vector.load %arg6[%get3A_8] : memref<128xf32, #tpu.memory_space<vmem>>, vector<128xf32>
    %broadcast_in_dim3A = vector.shape_cast %get3A_9 : vector<128xf32> to vector<1x128xf32>
    %get3A_10 = arith.constant 0 : index
    %get3A_11 = vector.load %arg8[%get3A_10] : memref<128xf32, #tpu.memory_space<vmem>>, vector<128xf32>
    %broadcast_in_dim3A_12 = vector.shape_cast %get3A_11 : vector<128xf32> to vector<1x128xf32>
    %get3A_13 = arith.constant 0 : index
    %get3A_14 = vector.load %arg10[%get3A_13] : memref<128xf32, #tpu.memory_space<vmem>>, vector<128xf32>
    %broadcast_in_dim3A_15 = vector.shape_cast %get3A_14 : vector<128xf32> to vector<1x128xf32>
    %get3A_16 = arith.constant 0 : index
    %get3A_17 = arith.constant 0 : index
    %get3A_18 = vector.load %arg4[%get3A_16, %get3A_17] : memref<4096x128xf32, #tpu.memory_space<vmem>>, vector<1024x128xf32>
    %get3A_19 = arith.constant 0 : index
    %get3A_20 = arith.constant 0 : index
    %get3A_21 = arith.constant 0 : index
    %get3A_22 = vector.load %arg1[%get3A_19, %get3A_20, %get3A_21] : memref<4x64x1024xf32, #tpu.memory_space<vmem>>, vector<1x64x1024xf32>
    %get3A_23 = vector.shape_cast %get3A_22 : vector<1x64x1024xf32> to vector<64x1024xf32>
    %dot_general3A = arith.constant dense<0.000000e+00> : vector<1024x128xf32>
    %dot_general3A_24 = tpu.matmul %get3A_23, %get3A_1, %dot_general3A {dimension_numbers = #tpu.dot_dimension_numbers<[0], [0], [1], [1], [0, 1, 1, 1], [], []>, transpose_lhs_hint = false} : vector<64x1024xf32>, vector<64x128xf32>, vector<1024x128xf32> -> vector<1024x128xf32>
    %add3A = vector.broadcast %broadcast_in_dim3A : vector<1x128xf32> to vector<1024x128xf32>
    %add3A_25 = arith.addf %dot_general3A_24, %add3A : vector<1024x128xf32>
    %add3A_26 = arith.addf %add3A_25, %get3A_18 : vector<1024x128xf32>
    %get3A_27 = arith.constant 0 : index
    %get3A_28 = arith.constant 0 : index
    %get3A_29 = arith.constant 0 : index
    %get3A_30 = vector.load %arg2[%get3A_27, %get3A_28, %get3A_29] : memref<4x16x1024xf32, #tpu.memory_space<vmem>>, vector<1x16x1024xf32>
    %get3A_31 = vector.shape_cast %get3A_30 : vector<1x16x1024xf32> to vector<16x1024xf32>
    %dot_general3A_32 = arith.constant dense<0.000000e+00> : vector<1024x128xf32>
    %dot_general3A_33 = tpu.matmul %get3A_31, %get3A_4, %dot_general3A_32 {dimension_numbers = #tpu.dot_dimension_numbers<[0], [0], [1], [1], [0, 1, 1, 1], [], []>, transpose_lhs_hint = false} : vector<16x1024xf32>, vector<16x128xf32>, vector<1024x128xf32> -> vector<1024x128xf32>
    %add3A_34 = vector.broadcast %broadcast_in_dim3A_12 : vector<1x128xf32> to vector<1024x128xf32>
    %add3A_35 = arith.addf %dot_general3A_33, %add3A_34 : vector<1024x128xf32>
    %add3A_36 = arith.addf %add3A_35, %get3A_18 : vector<1024x128xf32>
    %get3A_37 = arith.constant 0 : index
    %get3A_38 = arith.constant 0 : index
    %get3A_39 = arith.constant 0 : index
    %get3A_40 = vector.load %arg3[%get3A_37, %get3A_38, %get3A_39] : memref<4x1x1024xf32, #tpu.memory_space<vmem>>, vector<1x1x1024xf32>
    %get3A_41 = vector.shape_cast %get3A_40 : vector<1x1x1024xf32> to vector<1x1024xf32>
    %dot_general3A_42 = arith.constant dense<0.000000e+00> : vector<1024x128xf32>
    %dot_general3A_43 = tpu.matmul %get3A_41, %get3A_7, %dot_general3A_42 {dimension_numbers = #tpu.dot_dimension_numbers<[0], [0], [1], [1], [0, 1, 1, 1], [], []>, transpose_lhs_hint = false} : vector<1x1024xf32>, vector<1x128xf32>, vector<1024x128xf32> -> vector<1024x128xf32>
    %add3A_44 = vector.broadcast %broadcast_in_dim3A_15 : vector<1x128xf32> to vector<1024x128xf32>
    %add3A_45 = arith.addf %dot_general3A_43, %add3A_44 : vector<1024x128xf32>
    %add3A_46 = arith.addf %add3A_45, %get3A_18 : vector<1024x128xf32>
    %swap3A = arith.constant 0 : index
    %swap3A_47 = arith.constant 0 : index
    %swap3A_48 = arith.constant 0 : index
    %swap3A_49 = vector.load %arg12[%swap3A, %swap3A_47, %swap3A_48] : memref<12x1024x128xf32, #tpu.memory_space<vmem>>, vector<1x1024x128xf32>
    %swap3A_50 = vector.shape_cast %swap3A_49 : vector<1x1024x128xf32> to vector<1024x128xf32>
    %swap3A_51 = vector.shape_cast %add3A_46 : vector<1024x128xf32> to vector<1x1024x128xf32>
    tpu.vector_store %arg12[%swap3A, %swap3A_47, %swap3A_48], %swap3A_51 {strides = array<i32>} : memref<12x1024x128xf32, #tpu.memory_space<vmem>>, vector<1x1024x128xf32>,
    %swap3A_52 = arith.constant 1 : index
    %swap3A_53 = arith.constant 0 : index
    %swap3A_54 = arith.constant 0 : index
    %swap3A_55 = vector.load %arg12[%swap3A_52, %swap3A_53, %swap3A_54] : memref<12x1024x128xf32, #tpu.memory_space<vmem>>, vector<1x1024x128xf32>
    %swap3A_56 = vector.shape_cast %swap3A_55 : vector<1x1024x128xf32> to vector<1024x128xf32>
    %swap3A_57 = vector.shape_cast %add3A_26 : vector<1024x128xf32> to vector<1x1024x128xf32>
    tpu.vector_store %arg12[%swap3A_52, %swap3A_53, %swap3A_54], %swap3A_57 {strides = array<i32>} : memref<12x1024x128xf32, #tpu.memory_space<vmem>>, vector<1x1024x128xf32>,
    %swap3A_58 = arith.constant 2 : index
    %swap3A_59 = arith.constant 0 : index
    %swap3A_60 = arith.constant 0 : index
    %swap3A_61 = vector.load %arg12[%swap3A_58, %swap3A_59, %swap3A_60] : memref<12x1024x128xf32, #tpu.memory_space<vmem>>, vector<1x1024x128xf32>
    %swap3A_62 = vector.shape_cast %swap3A_61 : vector<1x1024x128xf32> to vector<1024x128xf32>
    %swap3A_63 = vector.shape_cast %add3A_36 : vector<1024x128xf32> to vector<1x1024x128xf32>
    tpu.vector_store %arg12[%swap3A_58, %swap3A_59, %swap3A_60], %swap3A_63 {strides = array<i32>} : memref<12x1024x128xf32, #tpu.memory_space<vmem>>, vector<1x1024x128xf32>,
    %get3A_64 = arith.constant 1024 : index
    %get3A_65 = arith.constant 0 : index
    %get3A_66 = vector.load %arg4[%get3A_64, %get3A_65] : memref<4096x128xf32, #tpu.memory_space<vmem>>, vector<1024x128xf32>
    %get3A_67 = arith.constant 1 : index
    %get3A_68 = arith.constant 0 : index
    %get3A_69 = arith.constant 0 : index
    %get3A_70 = vector.load %arg1[%get3A_67, %get3A_68, %get3A_69] : memref<4x64x1024xf32, #tpu.memory_space<vmem>>, vector<1x64x1024xf32>
    %get3A_71 = vector.shape_cast %get3A_70 : vector<1x64x1024xf32> to vector<64x1024xf32>
    %dot_general3A_72 = arith.constant dense<0.000000e+00> : vector<1024x128xf32>
    %dot_general3A_73 = tpu.matmul %get3A_71, %get3A_1, %dot_general3A_72 {dimension_numbers = #tpu.dot_dimension_numbers<[0], [0], [1], [1], [0, 1, 1, 1], [], []>, transpose_lhs_hint = false} : vector<64x1024xf32>, vector<64x128xf32>, vector<1024x128xf32> -> vector<1024x128xf32>
    %add3A_74 = vector.broadcast %broadcast_in_dim3A : vector<1x128xf32> to vector<1024x128xf32>
    %add3A_75 = arith.addf %dot_general3A_73, %add3A_74 : vector<1024x128xf32>
    %add3A_76 = arith.addf %add3A_75, %get3A_66 : vector<1024x128xf32>
    %get3A_77 = arith.constant 1 : index
    %get3A_78 = arith.constant 0 : index
    %get3A_79 = arith.constant 0 : index
    %get3A_80 = vector.load %arg2[%get3A_77, %get3A_78, %get3A_79] : memref<4x16x1024xf32, #tpu.memory_space<vmem>>, vector<1x16x1024xf32>
    %get3A_81 = vector.shape_cast %get3A_80 : vector<1x16x1024xf32> to vector<16x1024xf32>
    %dot_general3A_82 = arith.constant dense<0.000000e+00> : vector<1024x128xf32>
    %dot_general3A_83 = tpu.matmul %get3A_81, %get3A_4, %dot_general3A_82 {dimension_numbers = #tpu.dot_dimension_numbers<[0], [0], [1], [1], [0, 1, 1, 1], [], []>, transpose_lhs_hint = false} : vector<16x1024xf32>, vector<16x128xf32>, vector<1024x128xf32> -> vector<1024x128xf32>
    %add3A_84 = vector.broadcast %broadcast_in_dim3A_12 : vector<1x128xf32> to vector<1024x128xf32>
    %add3A_85 = arith.addf %dot_general3A_83, %add3A_84 : vector<1024x128xf32>
    %add3A_86 = arith.addf %add3A_85, %get3A_66 : vector<1024x128xf32>
    %get3A_87 = arith.constant 1 : index
    %get3A_88 = arith.constant 0 : index
    %get3A_89 = arith.constant 0 : index
    %get3A_90 = vector.load %arg3[%get3A_87, %get3A_88, %get3A_89] : memref<4x1x1024xf32, #tpu.memory_space<vmem>>, vector<1x1x1024xf32>
    %get3A_91 = vector.shape_cast %get3A_90 : vector<1x1x1024xf32> to vector<1x1024xf32>
    %dot_general3A_92 = arith.constant dense<0.000000e+00> : vector<1024x128xf32>
    %dot_general3A_93 = tpu.matmul %get3A_91, %get3A_7, %dot_general3A_92 {dimension_numbers = #tpu.dot_dimension_numbers<[0], [0], [1], [1], [0, 1, 1, 1], [], []>, transpose_lhs_hint = false} : vector<1x1024xf32>, vector<1x128xf32>, vector<1024x128xf32> -> vector<1024x128xf32>
    %add3A_94 = vector.broadcast %broadcast_in_dim3A_15 : vector<1x128xf32> to vector<1024x128xf32>
    %add3A_95 = arith.addf %dot_general3A_93, %add3A_94 : vector<1024x128xf32>
    %add3A_96 = arith.addf %add3A_95, %get3A_66 : vector<1024x128xf32>
    %swap3A_97 = arith.constant 3 : index
    %swap3A_98 = arith.constant 0 : index
    %swap3A_99 = arith.constant 0 : index
    %swap3A_100 = vector.load %arg12[%swap3A_97, %swap3A_98, %swap3A_99] : memref<12x1024x128xf32, #tpu.memory_space<vmem>>, vector<1x1024x128xf32>
    %swap3A_101 = vector.shape_cast %swap3A_100 : vector<1x1024x128xf32> to vector<1024x128xf32>
    %swap3A_102 = vector.shape_cast %add3A_96 : vector<1024x128xf32> to vector<1x1024x128xf32>
    tpu.vector_store %arg12[%swap3A_97, %swap3A_98, %swap3A_99], %swap3A_102 {strides = array<i32>} : memref<12x1024x128xf32, #tpu.memory_space<vmem>>, vector<1x1024x128xf32>,
    %swap3A_103 = arith.constant 4 : index
    %swap3A_104 = arith.constant 0 : index
    %swap3A_105 = arith.constant 0 : index
    %swap3A_106 = vector.load %arg12[%swap3A_103, %swap3A_104, %swap3A_105] : memref<12x1024x128xf32, #tpu.memory_space<vmem>>, vector<1x1024x128xf32>
    %swap3A_107 = vector.shape_cast %swap3A_106 : vector<1x1024x128xf32> to vector<1024x128xf32>
    %swap3A_108 = vector.shape_cast %add3A_76 : vector<1024x128xf32> to vector<1x1024x128xf32>
    tpu.vector_store %arg12[%swap3A_103, %swap3A_104, %swap3A_105], %swap3A_108 {strides = array<i32>} : memref<12x1024x128xf32, #tpu.memory_space<vmem>>, vector<1x1024x128xf32>,
    %swap3A_109 = arith.constant 5 : index
    %swap3A_110 = arith.constant 0 : index
    %swap3A_111 = arith.constant 0 : index
    %swap3A_112 = vector.load %arg12[%swap3A_109, %swap3A_110, %swap3A_111] : memref<12x1024x128xf32, #tpu.memory_space<vmem>>, vector<1x1024x128xf32>
    %swap3A_113 = vector.shape_cast %swap3A_112 : vector<1x1024x128xf32> to vector<1024x128xf32>
    %swap3A_114 = vector.shape_cast %add3A_86 : vector<1024x128xf32> to vector<1x1024x128xf32>
    tpu.vector_store %arg12[%swap3A_109, %swap3A_110, %swap3A_111], %swap3A_114 {strides = array<i32>} : memref<12x1024x128xf32, #tpu.memory_space<vmem>>, vector<1x1024x128xf32>,
    %get3A_115 = arith.constant 2048 : index
    %get3A_116 = arith.constant 0 : index
    %get3A_117 = vector.load %arg4[%get3A_115, %get3A_116] : memref<4096x128xf32, #tpu.memory_space<vmem>>, vector<1024x128xf32>
    %get3A_118 = arith.constant 2 : index
    %get3A_119 = arith.constant 0 : index
    %get3A_120 = arith.constant 0 : index
    %get3A_121 = vector.load %arg1[%get3A_118, %get3A_119, %get3A_120] : memref<4x64x1024xf32, #tpu.memory_space<vmem>>, vector<1x64x1024xf32>
    %get3A_122 = vector.shape_cast %get3A_121 : vector<1x64x1024xf32> to vector<64x1024xf32>
    %dot_general3A_123 = arith.constant dense<0.000000e+00> : vector<1024x128xf32>
    %dot_general3A_124 = tpu.matmul %get3A_122, %get3A_1, %dot_general3A_123 {dimension_numbers = #tpu.dot_dimension_numbers<[0], [0], [1], [1], [0, 1, 1, 1], [], []>, transpose_lhs_hint = false} : vector<64x1024xf32>, vector<64x128xf32>, vector<1024x128xf32> -> vector<1024x128xf32>
    %add3A_125 = vector.broadcast %broadcast_in_dim3A : vector<1x128xf32> to vector<1024x128xf32>
    %add3A_126 = arith.addf %dot_general3A_124, %add3A_125 : vector<1024x128xf32>
    %add3A_127 = arith.addf %add3A_126, %get3A_117 : vector<1024x128xf32>
    %get3A_128 = arith.constant 2 : index
    %get3A_129 = arith.constant 0 : index
    %get3A_130 = arith.constant 0 : index
    %get3A_131 = vector.load %arg2[%get3A_128, %get3A_129, %get3A_130] : memref<4x16x1024xf32, #tpu.memory_space<vmem>>, vector<1x16x1024xf32>
    %get3A_132 = vector.shape_cast %get3A_131 : vector<1x16x1024xf32> to vector<16x1024xf32>
    %dot_general3A_133 = arith.constant dense<0.000000e+00> : vector<1024x128xf32>
    %dot_general3A_134 = tpu.matmul %get3A_132, %get3A_4, %dot_general3A_133 {dimension_numbers = #tpu.dot_dimension_numbers<[0], [0], [1], [1], [0, 1, 1, 1], [], []>, transpose_lhs_hint = false} : vector<16x1024xf32>, vector<16x128xf32>, vector<1024x128xf32> -> vector<1024x128xf32>
    %add3A_135 = vector.broadcast %broadcast_in_dim3A_12 : vector<1x128xf32> to vector<1024x128xf32>
    %add3A_136 = arith.addf %dot_general3A_134, %add3A_135 : vector<1024x128xf32>
    %add3A_137 = arith.addf %add3A_136, %get3A_117 : vector<1024x128xf32>
    %get3A_138 = arith.constant 2 : index
    %get3A_139 = arith.constant 0 : index
    %get3A_140 = arith.constant 0 : index
    %get3A_141 = vector.load %arg3[%get3A_138, %get3A_139, %get3A_140] : memref<4x1x1024xf32, #tpu.memory_space<vmem>>, vector<1x1x1024xf32>
    %get3A_142 = vector.shape_cast %get3A_141 : vector<1x1x1024xf32> to vector<1x1024xf32>
    %dot_general3A_143 = arith.constant dense<0.000000e+00> : vector<1024x128xf32>
    %dot_general3A_144 = tpu.matmul %get3A_142, %get3A_7, %dot_general3A_143 {dimension_numbers = #tpu.dot_dimension_numbers<[0], [0], [1], [1], [0, 1, 1, 1], [], []>, transpose_lhs_hint = false} : vector<1x1024xf32>, vector<1x128xf32>, vector<1024x128xf32> -> vector<1024x128xf32>
    %add3A_145 = vector.broadcast %broadcast_in_dim3A_15 : vector<1x128xf32> to vector<1024x128xf32>
    %add3A_146 = arith.addf %dot_general3A_144, %add3A_145 : vector<1024x128xf32>
    %add3A_147 = arith.addf %add3A_146, %get3A_117 : vector<1024x128xf32>
    %swap3A_148 = arith.constant 6 : index
    %swap3A_149 = arith.constant 0 : index
    %swap3A_150 = arith.constant 0 : index
    %swap3A_151 = vector.load %arg12[%swap3A_148, %swap3A_149, %swap3A_150] : memref<12x1024x128xf32, #tpu.memory_space<vmem>>, vector<1x1024x128xf32>
    %swap3A_152 = vector.shape_cast %swap3A_151 : vector<1x1024x128xf32> to vector<1024x128xf32>
    %swap3A_153 = vector.shape_cast %add3A_147 : vector<1024x128xf32> to vector<1x1024x128xf32>
    tpu.vector_store %arg12[%swap3A_148, %swap3A_149, %swap3A_150], %swap3A_153 {strides = array<i32>} : memref<12x1024x128xf32, #tpu.memory_space<vmem>>, vector<1x1024x128xf32>,
    %swap3A_154 = arith.constant 7 : index
    %swap3A_155 = arith.constant 0 : index
    %swap3A_156 = arith.constant 0 : index
    %swap3A_157 = vector.load %arg12[%swap3A_154, %swap3A_155, %swap3A_156] : memref<12x1024x128xf32, #tpu.memory_space<vmem>>, vector<1x1024x128xf32>
    %swap3A_158 = vector.shape_cast %swap3A_157 : vector<1x1024x128xf32> to vector<1024x128xf32>
    %swap3A_159 = vector.shape_cast %add3A_127 : vector<1024x128xf32> to vector<1x1024x128xf32>
    tpu.vector_store %arg12[%swap3A_154, %swap3A_155, %swap3A_156], %swap3A_159 {strides = array<i32>} : memref<12x1024x128xf32, #tpu.memory_space<vmem>>, vector<1x1024x128xf32>,
    %swap3A_160 = arith.constant 8 : index
    %swap3A_161 = arith.constant 0 : index
    %swap3A_162 = arith.constant 0 : index
    %swap3A_163 = vector.load %arg12[%swap3A_160, %swap3A_161, %swap3A_162] : memref<12x1024x128xf32, #tpu.memory_space<vmem>>, vector<1x1024x128xf32>
    %swap3A_164 = vector.shape_cast %swap3A_163 : vector<1x1024x128xf32> to vector<1024x128xf32>
    %swap3A_165 = vector.shape_cast %add3A_137 : vector<1024x128xf32> to vector<1x1024x128xf32>
    tpu.vector_store %arg12[%swap3A_160, %swap3A_161, %swap3A_162], %swap3A_165 {strides = array<i32>} : memref<12x1024x128xf32, #tpu.memory_space<vmem>>, vector<1x1024x128xf32>,
    %get3A_166 = arith.constant 3072 : index
    %get3A_167 = arith.constant 0 : index
    %get3A_168 = vector.load %arg4[%get3A_166, %get3A_167] : memref<4096x128xf32, #tpu.memory_space<vmem>>, vector<1024x128xf32>
    %get3A_169 = arith.constant 3 : index
    %get3A_170 = arith.constant 0 : index
    %get3A_171 = arith.constant 0 : index
    %get3A_172 = vector.load %arg1[%get3A_169, %get3A_170, %get3A_171] : memref<4x64x1024xf32, #tpu.memory_space<vmem>>, vector<1x64x1024xf32>
    %get3A_173 = vector.shape_cast %get3A_172 : vector<1x64x1024xf32> to vector<64x1024xf32>
    %dot_general3A_174 = arith.constant dense<0.000000e+00> : vector<1024x128xf32>
    %dot_general3A_175 = tpu.matmul %get3A_173, %get3A_1, %dot_general3A_174 {dimension_numbers = #tpu.dot_dimension_numbers<[0], [0], [1], [1], [0, 1, 1, 1], [], []>, transpose_lhs_hint = false} : vector<64x1024xf32>, vector<64x128xf32>, vector<1024x128xf32> -> vector<1024x128xf32>
    %add3A_176 = vector.broadcast %broadcast_in_dim3A : vector<1x128xf32> to vector<1024x128xf32>
    %add3A_177 = arith.addf %dot_general3A_175, %add3A_176 : vector<1024x128xf32>
    %add3A_178 = arith.addf %add3A_177, %get3A_168 : vector<1024x128xf32>
    %get3A_179 = arith.constant 3 : index
    %get3A_180 = arith.constant 0 : index
    %get3A_181 = arith.constant 0 : index
    %get3A_182 = vector.load %arg2[%get3A_179, %get3A_180, %get3A_181] : memref<4x16x1024xf32, #tpu.memory_space<vmem>>, vector<1x16x1024xf32>
    %get3A_183 = vector.shape_cast %get3A_182 : vector<1x16x1024xf32> to vector<16x1024xf32>
    %dot_general3A_184 = arith.constant dense<0.000000e+00> : vector<1024x128xf32>
    %dot_general3A_185 = tpu.matmul %get3A_183, %get3A_4, %dot_general3A_184 {dimension_numbers = #tpu.dot_dimension_numbers<[0], [0], [1], [1], [0, 1, 1, 1], [], []>, transpose_lhs_hint = false} : vector<16x1024xf32>, vector<16x128xf32>, vector<1024x128xf32> -> vector<1024x128xf32>
    %add3A_186 = vector.broadcast %broadcast_in_dim3A_12 : vector<1x128xf32> to vector<1024x128xf32>
    %add3A_187 = arith.addf %dot_general3A_185, %add3A_186 : vector<1024x128xf32>
    %add3A_188 = arith.addf %add3A_187, %get3A_168 : vector<1024x128xf32>
    %get3A_189 = arith.constant 3 : index
    %get3A_190 = arith.constant 0 : index
    %get3A_191 = arith.constant 0 : index
    %get3A_192 = vector.load %arg3[%get3A_189, %get3A_190, %get3A_191] : memref<4x1x1024xf32, #tpu.memory_space<vmem>>, vector<1x1x1024xf32>
    %get3A_193 = vector.shape_cast %get3A_192 : vector<1x1x1024xf32> to vector<1x1024xf32>
    %dot_general3A_194 = arith.constant dense<0.000000e+00> : vector<1024x128xf32>
    %dot_general3A_195 = tpu.matmul %get3A_193, %get3A_7, %dot_general3A_194 {dimension_numbers = #tpu.dot_dimension_numbers<[0], [0], [1], [1], [0, 1, 1, 1], [], []>, transpose_lhs_hint = false} : vector<1x1024xf32>, vector<1x128xf32>, vector<1024x128xf32> -> vector<1024x128xf32>
    %add3A_196 = vector.broadcast %broadcast_in_dim3A_15 : vector<1x128xf32> to vector<1024x128xf32>
    %add3A_197 = arith.addf %dot_general3A_195, %add3A_196 : vector<1024x128xf32>
    %add3A_198 = arith.addf %add3A_197, %get3A_168 : vector<1024x128xf32>
    %swap3A_199 = arith.constant 9 : index
    %swap3A_200 = arith.constant 0 : index
    %swap3A_201 = arith.constant 0 : index
    %swap3A_202 = vector.load %arg12[%swap3A_199, %swap3A_200, %swap3A_201] : memref<12x1024x128xf32, #tpu.memory_space<vmem>>, vector<1x1024x128xf32>
    %swap3A_203 = vector.shape_cast %swap3A_202 : vector<1x1024x128xf32> to vector<1024x128xf32>
    %swap3A_204 = vector.shape_cast %add3A_198 : vector<1024x128xf32> to vector<1x1024x128xf32>
    tpu.vector_store %arg12[%swap3A_199, %swap3A_200, %swap3A_201], %swap3A_204 {strides = array<i32>} : memref<12x1024x128xf32, #tpu.memory_space<vmem>>, vector<1x1024x128xf32>,
    %swap3A_205 = arith.constant 10 : index
    %swap3A_206 = arith.constant 0 : index
    %swap3A_207 = arith.constant 0 : index
    %swap3A_208 = vector.load %arg12[%swap3A_205, %swap3A_206, %swap3A_207] : memref<12x1024x128xf32, #tpu.memory_space<vmem>>, vector<1x1024x128xf32>
    %swap3A_209 = vector.shape_cast %swap3A_208 : vector<1x1024x128xf32> to vector<1024x128xf32>
    %swap3A_210 = vector.shape_cast %add3A_178 : vector<1024x128xf32> to vector<1x1024x128xf32>
    tpu.vector_store %arg12[%swap3A_205, %swap3A_206, %swap3A_207], %swap3A_210 {strides = array<i32>} : memref<12x1024x128xf32, #tpu.memory_space<vmem>>, vector<1x1024x128xf32>,
    %swap3A_211 = arith.constant 11 : index
    %swap3A_212 = arith.constant 0 : index
    %swap3A_213 = arith.constant 0 : index
    %swap3A_214 = vector.load %arg12[%swap3A_211, %swap3A_212, %swap3A_213] : memref<12x1024x128xf32, #tpu.memory_space<vmem>>, vector<1x1024x128xf32>
    %swap3A_215 = vector.shape_cast %swap3A_214 : vector<1x1024x128xf32> to vector<1024x128xf32>
    %swap3A_216 = vector.shape_cast %add3A_188 : vector<1024x128xf32> to vector<1x1024x128xf32>
    tpu.vector_store %arg12[%swap3A_211, %swap3A_212, %swap3A_213], %swap3A_216 {strides = array<i32>} : memref<12x1024x128xf32, #tpu.memory_space<vmem>>, vector<1x1024x128xf32>,
    return
  }
  func.func @transform_0(%arg0: i32) -> (i32, i32, i32) {
    %add3A = arith.constant 6 : i32
    %add3A_0 = arith.addi %arg0, %add3A : i32
    %c0_i32 = arith.constant 0 : i32
    %c0_i32_1 = arith.constant 0 : i32
    %c0_i32_2 = arith.constant 0 : i32
    return %add3A_0, %c0_i32, %c0_i32_1 : i32, i32, i32
  }
  func.func @transform_1(%arg0: i32) -> (i32, i32, i32) {
    %add3A = arith.constant 6 : i32
    %add3A_0 = arith.addi %arg0, %add3A : i32
    %c0_i32 = arith.constant 0 : i32
    %c0_i32_1 = arith.constant 0 : i32
    %c0_i32_2 = arith.constant 0 : i32
    return %add3A_0, %c0_i32, %c0_i32_1 : i32, i32, i32
  }
  func.func @transform_2(%arg0: i32) -> (i32, i32, i32) {
    %add3A = arith.constant 6 : i32
    %add3A_0 = arith.addi %arg0, %add3A : i32
    %c0_i32 = arith.constant 0 : i32
    %c0_i32_1 = arith.constant 0 : i32
    %c0_i32_2 = arith.constant 0 : i32
    return %add3A_0, %c0_i32, %c0_i32_1 : i32, i32, i32
  }
  func.func @transform_3(%arg0: i32) -> (i32, i32) {
    %c0_i32 = arith.constant 0 : i32
    %c0_i32_0 = arith.constant 0 : i32
    return %arg0, %c0_i32 : i32, i32
  }
  func.func @transform_4(%arg0: i32) -> (i32, i32) {
    %c0_i32 = arith.constant 0 : i32
    %c0_i32_0 = arith.constant 0 : i32
    %c0_i32_1 = arith.constant 0 : i32
    return %c0_i32, %c0_i32_0 : i32, i32
  }
  func.func @transform_5(%arg0: i32) -> i32 {
    %c0_i32 = arith.constant 0 : i32
    %c0_i32_0 = arith.constant 0 : i32
    return %c0_i32 : i32
  }
  func.func @transform_6(%arg0: i32) -> (i32, i32) {
    %c0_i32 = arith.constant 0 : i32
    %c0_i32_0 = arith.constant 0 : i32
    %c0_i32_1 = arith.constant 0 : i32
    return %c0_i32, %c0_i32_0 : i32, i32
  }
  func.func @transform_7(%arg0: i32) -> i32 {
    %c0_i32 = arith.constant 0 : i32
    %c0_i32_0 = arith.constant 0 : i32
    return %c0_i32 : i32
  }
  func.func @transform_8(%arg0: i32) -> (i32, i32) {
    %c0_i32 = arith.constant 0 : i32
    %c0_i32_0 = arith.constant 0 : i32
    %c0_i32_1 = arith.constant 0 : i32
    return %c0_i32, %c0_i32_0 : i32, i32
  }
  func.func @transform_9(%arg0: i32) -> i32 {
    %c0_i32 = arith.constant 0 : i32
    %c0_i32_0 = arith.constant 0 : i32
    return %c0_i32 : i32
  }
  func.func @transform_11(%arg0: i32) -> (i32, i32, i32) {
    %add3A = arith.constant 6 : i32
    %add3A_0 = arith.addi %arg0, %add3A : i32
    %c0_i32 = arith.constant 0 : i32
    %c0_i32_1 = arith.constant 0 : i32
    %c0_i32_2 = arith.constant 0 : i32
    return %add3A_0, %c0_i32, %c0_i32_1 : i32, i32, i32
  }
}

module attributes {stable_mosaic.version = 14 : i64} {
  func.func @_tc_body(%arg0: i32, %arg1: memref<4x64x1024xf32, #tpu.memory_space<vmem>>, %arg2: memref<4x16x1024xf32, #tpu.memory_space<vmem>>, %arg3: memref<4x1x1024xf32, #tpu.memory_space<vmem>>, %arg4: memref<4096x128xf32, #tpu.memory_space<vmem>>, %arg5: memref<64x128xf32, #tpu.memory_space<vmem>>, %arg6: memref<128xf32, #tpu.memory_space<vmem>>, %arg7: memref<16x128xf32, #tpu.memory_space<vmem>>, %arg8: memref<128xf32, #tpu.memory_space<vmem>>, %arg9: memref<1x128xf32, #tpu.memory_space<vmem>>, %arg10: memref<128xf32, #tpu.memory_space<vmem>>, %arg11: memref<300x1024x128xf32, #tpu.memory_space<hbm>>, %arg12: memref<12x1024x128xf32, #tpu.memory_space<vmem>>) attributes {dimension_semantics = [#tpu.dimension_semantics<arbitrary>], iteration_bounds = array<i64: 10>, scalar_prefetch = 0 : i64, scratch_operands = 0 : i64, tpu.core_type = #tpu.core_type<tc>, window_params = [{transform_indices = @transform_0, window_bounds = array<i64: 4, 64, 1024>}, {transform_indices = @transform_1, window_bounds = array<i64: 4, 16, 1024>}, {transform_indices = @transform_2, window_bounds = array<i64: 4, 1, 1024>}, {transform_indices = @transform_3, window_bounds = array<i64: 4096, 128>}, {pipeline_mode = #tpu.pipeline_mode<synchronous>, transform_indices = @transform_4, window_bounds = array<i64: 64, 128>}, {pipeline_mode = #tpu.pipeline_mode<synchronous>, transform_indices = @transform_5, window_bounds = array<i64: 128>}, {pipeline_mode = #tpu.pipeline_mode<synchronous>, transform_indices = @transform_6, window_bounds = array<i64: 16, 128>}, {pipeline_mode = #tpu.pipeline_mode<synchronous>, transform_indices = @transform_7, window_bounds = array<i64: 128>}, {pipeline_mode = #tpu.pipeline_mode<synchronous>, transform_indices = @transform_8, window_bounds = array<i64: 1, 128>}, {pipeline_mode = #tpu.pipeline_mode<synchronous>, transform_indices = @transform_9, window_bounds = array<i64: 128>}, {}, {transform_indices = @transform_11, window_bounds = array<i64: 12, 1024, 128>}]} {
    %get3A = arith.constant 0 : index
    %get3A_0 = arith.constant 0 : index
    %get3A_1 = vector.load %arg5[%get3A, %get3A_0] : memref<64x128xf32, #tpu.memory_space<vmem>>, vector<64x128xf32>
    %get3A_2 = arith.constant 0 : index
    %get3A_3 = arith.constant 0 : index
    %get3A_4 = vector.load %arg7[%get3A_2, %get3A_3] : memref<16x128xf32, #tpu.memory_space<vmem>>, vector<16x128xf32>
    %get3A_5 = arith.constant 0 : index
    %get3A_6 = arith.constant 0 : index
    %get3A_7 = vector.load %arg9[%get3A_5, %get3A_6] : memref<1x128xf32, #tpu.memory_space<vmem>>, vector<1x128xf32>
    %get3A_8 = arith.constant 0 : index
    %get3A_9 = vector.load %arg6[%get3A_8] : memref<128xf32, #tpu.memory_space<vmem>>, vector<128xf32>
    %broadcast_in_dim3A = vector.shape_cast %get3A_9 : vector<128xf32> to vector<1x128xf32>
    %get3A_10 = arith.constant 0 : index
    %get3A_11 = vector.load %arg8[%get3A_10] : memref<128xf32, #tpu.memory_space<vmem>>, vector<128xf32>
    %broadcast_in_dim3A_12 = vector.shape_cast %get3A_11 : vector<128xf32> to vector<1x128xf32>
    %get3A_13 = arith.constant 0 : index
    %get3A_14 = vector.load %arg10[%get3A_13] : memref<128xf32, #tpu.memory_space<vmem>>, vector<128xf32>
    %broadcast_in_dim3A_15 = vector.shape_cast %get3A_14 : vector<128xf32> to vector<1x128xf32>
    %get3A_16 = arith.constant 0 : index
    %get3A_17 = arith.constant 0 : index
    %get3A_18 = vector.load %arg4[%get3A_16, %get3A_17] : memref<4096x128xf32, #tpu.memory_space<vmem>>, vector<1024x128xf32>
    %get3A_19 = arith.constant 0 : index
    %get3A_20 = arith.constant 0 : index
    %get3A_21 = arith.constant 0 : index
    %get3A_22 = vector.load %arg1[%get3A_19, %get3A_20, %get3A_21] : memref<4x64x1024xf32, #tpu.memory_space<vmem>>, vector<1x64x1024xf32>
    %get3A_23 = vector.shape_cast %get3A_22 : vector<1x64x1024xf32> to vector<64x1024xf32>
    %dot_general3A = arith.constant dense<0.000000e+00> : vector<1024x128xf32>
    %dot_general3A_24 = tpu.matmul %get3A_23, %get3A_1, %dot_general3A {dimension_numbers = #tpu.dot_dimension_numbers<[0], [0], [1], [1], [0, 1, 1, 1], [], []>, transpose_lhs_hint = false} : vector<64x1024xf32>, vector<64x128xf32>, vector<1024x128xf32> -> vector<1024x128xf32>
    %add3A = vector.broadcast %broadcast_in_dim3A : vector<1x128xf32> to vector<1024x128xf32>
    %add3A_25 = arith.addf %dot_general3A_24, %add3A : vector<1024x128xf32>
    %add3A_26 = arith.addf %add3A_25, %get3A_18 : vector<1024x128xf32>
    %get3A_27 = arith.constant 0 : index
    %get3A_28 = arith.constant 0 : index
    %get3A_29 = arith.constant 0 : index
    %get3A_30 = vector.load %arg2[%get3A_27, %get3A_28, %get3A_29] : memref<4x16x1024xf32, #tpu.memory_space<vmem>>, vector<1x16x1024xf32>
    %get3A_31 = vector.shape_cast %get3A_30 : vector<1x16x1024xf32> to vector<16x1024xf32>
    %dot_general3A_32 = arith.constant dense<0.000000e+00> : vector<1024x128xf32>
    %dot_general3A_33 = tpu.matmul %get3A_31, %get3A_4, %dot_general3A_32 {dimension_numbers = #tpu.dot_dimension_numbers<[0], [0], [1], [1], [0, 1, 1, 1], [], []>, transpose_lhs_hint = false} : vector<16x1024xf32>, vector<16x128xf32>, vector<1024x128xf32> -> vector<1024x128xf32>
    %add3A_34 = vector.broadcast %broadcast_in_dim3A_12 : vector<1x128xf32> to vector<1024x128xf32>
    %add3A_35 = arith.addf %dot_general3A_33, %add3A_34 : vector<1024x128xf32>
    %add3A_36 = arith.addf %add3A_35, %get3A_18 : vector<1024x128xf32>
    %get3A_37 = arith.constant 0 : index
    %get3A_38 = arith.constant 0 : index
    %get3A_39 = arith.constant 0 : index
    %get3A_40 = vector.load %arg3[%get3A_37, %get3A_38, %get3A_39] : memref<4x1x1024xf32, #tpu.memory_space<vmem>>, vector<1x1x1024xf32>
    %get3A_41 = vector.shape_cast %get3A_40 : vector<1x1x1024xf32> to vector<1x1024xf32>
    %dot_general3A_42 = arith.constant dense<0.000000e+00> : vector<1024x128xf32>
    %dot_general3A_43 = tpu.matmul %get3A_41, %get3A_7, %dot_general3A_42 {dimension_numbers = #tpu.dot_dimension_numbers<[0], [0], [1], [1], [0, 1, 1, 1], [], []>, transpose_lhs_hint = false} : vector<1x1024xf32>, vector<1x128xf32>, vector<1024x128xf32> -> vector<1024x128xf32>
    %add3A_44 = vector.broadcast %broadcast_in_dim3A_15 : vector<1x128xf32> to vector<1024x128xf32>
    %add3A_45 = arith.addf %dot_general3A_43, %add3A_44 : vector<1024x128xf32>
    %add3A_46 = arith.addf %add3A_45, %get3A_18 : vector<1024x128xf32>
    %swap3A = arith.constant 0 : index
    %swap3A_47 = arith.constant 0 : index
    %swap3A_48 = arith.constant 0 : index
    %swap3A_49 = vector.load %arg12[%swap3A, %swap3A_47, %swap3A_48] : memref<12x1024x128xf32, #tpu.memory_space<vmem>>, vector<1x1024x128xf32>
    %swap3A_50 = vector.shape_cast %swap3A_49 : vector<1x1024x128xf32> to vector<1024x128xf32>
    %swap3A_51 = vector.shape_cast %add3A_46 : vector<1024x128xf32> to vector<1x1024x128xf32>
    tpu.vector_store %arg12[%swap3A, %swap3A_47, %swap3A_48], %swap3A_51 {strides = array<i32>} : memref<12x1024x128xf32, #tpu.memory_space<vmem>>, vector<1x1024x128xf32>,
    %swap3A_52 = arith.constant 1 : index
    %swap3A_53 = arith.constant 0 : index
    %swap3A_54 = arith.constant 0 : index
    %swap3A_55 = vector.load %arg12[%swap3A_52, %swap3A_53, %swap3A_54] : memref<12x1024x128xf32, #tpu.memory_space<vmem>>, vector<1x1024x128xf32>
    %swap3A_56 = vector.shape_cast %swap3A_55 : vector<1x1024x128xf32> to vector<1024x128xf32>
    %swap3A_57 = vector.shape_cast %add3A_26 : vector<1024x128xf32> to vector<1x1024x128xf32>
    tpu.vector_store %arg12[%swap3A_52, %swap3A_53, %swap3A_54], %swap3A_57 {strides = array<i32>} : memref<12x1024x128xf32, #tpu.memory_space<vmem>>, vector<1x1024x128xf32>,
    %swap3A_58 = arith.constant 2 : index
    %swap3A_59 = arith.constant 0 : index
    %swap3A_60 = arith.constant 0 : index
    %swap3A_61 = vector.load %arg12[%swap3A_58, %swap3A_59, %swap3A_60] : memref<12x1024x128xf32, #tpu.memory_space<vmem>>, vector<1x1024x128xf32>
    %swap3A_62 = vector.shape_cast %swap3A_61 : vector<1x1024x128xf32> to vector<1024x128xf32>
    %swap3A_63 = vector.shape_cast %add3A_36 : vector<1024x128xf32> to vector<1x1024x128xf32>
    tpu.vector_store %arg12[%swap3A_58, %swap3A_59, %swap3A_60], %swap3A_63 {strides = array<i32>} : memref<12x1024x128xf32, #tpu.memory_space<vmem>>, vector<1x1024x128xf32>,
    %get3A_64 = arith.constant 1024 : index
    %get3A_65 = arith.constant 0 : index
    %get3A_66 = vector.load %arg4[%get3A_64, %get3A_65] : memref<4096x128xf32, #tpu.memory_space<vmem>>, vector<1024x128xf32>
    %get3A_67 = arith.constant 1 : index
    %get3A_68 = arith.constant 0 : index
    %get3A_69 = arith.constant 0 : index
    %get3A_70 = vector.load %arg1[%get3A_67, %get3A_68, %get3A_69] : memref<4x64x1024xf32, #tpu.memory_space<vmem>>, vector<1x64x1024xf32>
    %get3A_71 = vector.shape_cast %get3A_70 : vector<1x64x1024xf32> to vector<64x1024xf32>
    %dot_general3A_72 = arith.constant dense<0.000000e+00> : vector<1024x128xf32>
    %dot_general3A_73 = tpu.matmul %get3A_71, %get3A_1, %dot_general3A_72 {dimension_numbers = #tpu.dot_dimension_numbers<[0], [0], [1], [1], [0, 1, 1, 1], [], []>, transpose_lhs_hint = false} : vector<64x1024xf32>, vector<64x128xf32>, vector<1024x128xf32> -> vector<1024x128xf32>
    %add3A_74 = vector.broadcast %broadcast_in_dim3A : vector<1x128xf32> to vector<1024x128xf32>
    %add3A_75 = arith.addf %dot_general3A_73, %add3A_74 : vector<1024x128xf32>
    %add3A_76 = arith.addf %add3A_75, %get3A_66 : vector<1024x128xf32>
    %get3A_77 = arith.constant 1 : index
    %get3A_78 = arith.constant 0 : index
    %get3A_79 = arith.constant 0 : index
    %get3A_80 = vector.load %arg2[%get3A_77, %get3A_78, %get3A_79] : memref<4x16x1024xf32, #tpu.memory_space<vmem>>, vector<1x16x1024xf32>
    %get3A_81 = vector.shape_cast %get3A_80 : vector<1x16x1024xf32> to vector<16x1024xf32>
    %dot_general3A_82 = arith.constant dense<0.000000e+00> : vector<1024x128xf32>
    %dot_general3A_83 = tpu.matmul %get3A_81, %get3A_4, %dot_general3A_82 {dimension_numbers = #tpu.dot_dimension_numbers<[0], [0], [1], [1], [0, 1, 1, 1], [], []>, transpose_lhs_hint = false} : vector<16x1024xf32>, vector<16x128xf32>, vector<1024x128xf32> -> vector<1024x128xf32>
    %add3A_84 = vector.broadcast %broadcast_in_dim3A_12 : vector<1x128xf32> to vector<1024x128xf32>
    %add3A_85 = arith.addf %dot_general3A_83, %add3A_84 : vector<1024x128xf32>
    %add3A_86 = arith.addf %add3A_85, %get3A_66 : vector<1024x128xf32>
    %get3A_87 = arith.constant 1 : index
    %get3A_88 = arith.constant 0 : index
    %get3A_89 = arith.constant 0 : index
    %get3A_90 = vector.load %arg3[%get3A_87, %get3A_88, %get3A_89] : memref<4x1x1024xf32, #tpu.memory_space<vmem>>, vector<1x1x1024xf32>
    %get3A_91 = vector.shape_cast %get3A_90 : vector<1x1x1024xf32> to vector<1x1024xf32>
    %dot_general3A_92 = arith.constant dense<0.000000e+00> : vector<1024x128xf32>
    %dot_general3A_93 = tpu.matmul %get3A_91, %get3A_7, %dot_general3A_92 {dimension_numbers = #tpu.dot_dimension_numbers<[0], [0], [1], [1], [0, 1, 1, 1], [], []>, transpose_lhs_hint = false} : vector<1x1024xf32>, vector<1x128xf32>, vector<1024x128xf32> -> vector<1024x128xf32>
    %add3A_94 = vector.broadcast %broadcast_in_dim3A_15 : vector<1x128xf32> to vector<1024x128xf32>
    %add3A_95 = arith.addf %dot_general3A_93, %add3A_94 : vector<1024x128xf32>
    %add3A_96 = arith.addf %add3A_95, %get3A_66 : vector<1024x128xf32>
    %swap3A_97 = arith.constant 3 : index
    %swap3A_98 = arith.constant 0 : index
    %swap3A_99 = arith.constant 0 : index
    %swap3A_100 = vector.load %arg12[%swap3A_97, %swap3A_98, %swap3A_99] : memref<12x1024x128xf32, #tpu.memory_space<vmem>>, vector<1x1024x128xf32>
    %swap3A_101 = vector.shape_cast %swap3A_100 : vector<1x1024x128xf32> to vector<1024x128xf32>
    %swap3A_102 = vector.shape_cast %add3A_96 : vector<1024x128xf32> to vector<1x1024x128xf32>
    tpu.vector_store %arg12[%swap3A_97, %swap3A_98, %swap3A_99], %swap3A_102 {strides = array<i32>} : memref<12x1024x128xf32, #tpu.memory_space<vmem>>, vector<1x1024x128xf32>,
    %swap3A_103 = arith.constant 4 : index
    %swap3A_104 = arith.constant 0 : index
    %swap3A_105 = arith.constant 0 : index
    %swap3A_106 = vector.load %arg12[%swap3A_103, %swap3A_104, %swap3A_105] : memref<12x1024x128xf32, #tpu.memory_space<vmem>>, vector<1x1024x128xf32>
    %swap3A_107 = vector.shape_cast %swap3A_106 : vector<1x1024x128xf32> to vector<1024x128xf32>
    %swap3A_108 = vector.shape_cast %add3A_76 : vector<1024x128xf32> to vector<1x1024x128xf32>
    tpu.vector_store %arg12[%swap3A_103, %swap3A_104, %swap3A_105], %swap3A_108 {strides = array<i32>} : memref<12x1024x128xf32, #tpu.memory_space<vmem>>, vector<1x1024x128xf32>,
    %swap3A_109 = arith.constant 5 : index
    %swap3A_110 = arith.constant 0 : index
    %swap3A_111 = arith.constant 0 : index
    %swap3A_112 = vector.load %arg12[%swap3A_109, %swap3A_110, %swap3A_111] : memref<12x1024x128xf32, #tpu.memory_space<vmem>>, vector<1x1024x128xf32>
    %swap3A_113 = vector.shape_cast %swap3A_112 : vector<1x1024x128xf32> to vector<1024x128xf32>
    %swap3A_114 = vector.shape_cast %add3A_86 : vector<1024x128xf32> to vector<1x1024x128xf32>
    tpu.vector_store %arg12[%swap3A_109, %swap3A_110, %swap3A_111], %swap3A_114 {strides = array<i32>} : memref<12x1024x128xf32, #tpu.memory_space<vmem>>, vector<1x1024x128xf32>,
    %get3A_115 = arith.constant 2048 : index
    %get3A_116 = arith.constant 0 : index
    %get3A_117 = vector.load %arg4[%get3A_115, %get3A_116] : memref<4096x128xf32, #tpu.memory_space<vmem>>, vector<1024x128xf32>
    %get3A_118 = arith.constant 2 : index
    %get3A_119 = arith.constant 0 : index
    %get3A_120 = arith.constant 0 : index
    %get3A_121 = vector.load %arg1[%get3A_118, %get3A_119, %get3A_120] : memref<4x64x1024xf32, #tpu.memory_space<vmem>>, vector<1x64x1024xf32>
    %get3A_122 = vector.shape_cast %get3A_121 : vector<1x64x1024xf32> to vector<64x1024xf32>
    %dot_general3A_123 = arith.constant dense<0.000000e+00> : vector<1024x128xf32>
    %dot_general3A_124 = tpu.matmul %get3A_122, %get3A_1, %dot_general3A_123 {dimension_numbers = #tpu.dot_dimension_numbers<[0], [0], [1], [1], [0, 1, 1, 1], [], []>, transpose_lhs_hint = false} : vector<64x1024xf32>, vector<64x128xf32>, vector<1024x128xf32> -> vector<1024x128xf32>
    %add3A_125 = vector.broadcast %broadcast_in_dim3A : vector<1x128xf32> to vector<1024x128xf32>
    %add3A_126 = arith.addf %dot_general3A_124, %add3A_125 : vector<1024x128xf32>
    %add3A_127 = arith.addf %add3A_126, %get3A_117 : vector<1024x128xf32>
    %get3A_128 = arith.constant 2 : index
    %get3A_129 = arith.constant 0 : index
    %get3A_130 = arith.constant 0 : index
    %get3A_131 = vector.load %arg2[%get3A_128, %get3A_129, %get3A_130] : memref<4x16x1024xf32, #tpu.memory_space<vmem>>, vector<1x16x1024xf32>
    %get3A_132 = vector.shape_cast %get3A_131 : vector<1x16x1024xf32> to vector<16x1024xf32>
    %dot_general3A_133 = arith.constant dense<0.000000e+00> : vector<1024x128xf32>
    %dot_general3A_134 = tpu.matmul %get3A_132, %get3A_4, %dot_general3A_133 {dimension_numbers = #tpu.dot_dimension_numbers<[0], [0], [1], [1], [0, 1, 1, 1], [], []>, transpose_lhs_hint = false} : vector<16x1024xf32>, vector<16x128xf32>, vector<1024x128xf32> -> vector<1024x128xf32>
    %add3A_135 = vector.broadcast %broadcast_in_dim3A_12 : vector<1x128xf32> to vector<1024x128xf32>
    %add3A_136 = arith.addf %dot_general3A_134, %add3A_135 : vector<1024x128xf32>
    %add3A_137 = arith.addf %add3A_136, %get3A_117 : vector<1024x128xf32>
    %get3A_138 = arith.constant 2 : index
    %get3A_139 = arith.constant 0 : index
    %get3A_140 = arith.constant 0 : index
    %get3A_141 = vector.load %arg3[%get3A_138, %get3A_139, %get3A_140] : memref<4x1x1024xf32, #tpu.memory_space<vmem>>, vector<1x1x1024xf32>
    %get3A_142 = vector.shape_cast %get3A_141 : vector<1x1x1024xf32> to vector<1x1024xf32>
    %dot_general3A_143 = arith.constant dense<0.000000e+00> : vector<1024x128xf32>
    %dot_general3A_144 = tpu.matmul %get3A_142, %get3A_7, %dot_general3A_143 {dimension_numbers = #tpu.dot_dimension_numbers<[0], [0], [1], [1], [0, 1, 1, 1], [], []>, transpose_lhs_hint = false} : vector<1x1024xf32>, vector<1x128xf32>, vector<1024x128xf32> -> vector<1024x128xf32>
    %add3A_145 = vector.broadcast %broadcast_in_dim3A_15 : vector<1x128xf32> to vector<1024x128xf32>
    %add3A_146 = arith.addf %dot_general3A_144, %add3A_145 : vector<1024x128xf32>
    %add3A_147 = arith.addf %add3A_146, %get3A_117 : vector<1024x128xf32>
    %swap3A_148 = arith.constant 6 : index
    %swap3A_149 = arith.constant 0 : index
    %swap3A_150 = arith.constant 0 : index
    %swap3A_151 = vector.load %arg12[%swap3A_148, %swap3A_149, %swap3A_150] : memref<12x1024x128xf32, #tpu.memory_space<vmem>>, vector<1x1024x128xf32>
    %swap3A_152 = vector.shape_cast %swap3A_151 : vector<1x1024x128xf32> to vector<1024x128xf32>
    %swap3A_153 = vector.shape_cast %add3A_147 : vector<1024x128xf32> to vector<1x1024x128xf32>
    tpu.vector_store %arg12[%swap3A_148, %swap3A_149, %swap3A_150], %swap3A_153 {strides = array<i32>} : memref<12x1024x128xf32, #tpu.memory_space<vmem>>, vector<1x1024x128xf32>,
    %swap3A_154 = arith.constant 7 : index
    %swap3A_155 = arith.constant 0 : index
    %swap3A_156 = arith.constant 0 : index
    %swap3A_157 = vector.load %arg12[%swap3A_154, %swap3A_155, %swap3A_156] : memref<12x1024x128xf32, #tpu.memory_space<vmem>>, vector<1x1024x128xf32>
    %swap3A_158 = vector.shape_cast %swap3A_157 : vector<1x1024x128xf32> to vector<1024x128xf32>
    %swap3A_159 = vector.shape_cast %add3A_127 : vector<1024x128xf32> to vector<1x1024x128xf32>
    tpu.vector_store %arg12[%swap3A_154, %swap3A_155, %swap3A_156], %swap3A_159 {strides = array<i32>} : memref<12x1024x128xf32, #tpu.memory_space<vmem>>, vector<1x1024x128xf32>,
    %swap3A_160 = arith.constant 8 : index
    %swap3A_161 = arith.constant 0 : index
    %swap3A_162 = arith.constant 0 : index
    %swap3A_163 = vector.load %arg12[%swap3A_160, %swap3A_161, %swap3A_162] : memref<12x1024x128xf32, #tpu.memory_space<vmem>>, vector<1x1024x128xf32>
    %swap3A_164 = vector.shape_cast %swap3A_163 : vector<1x1024x128xf32> to vector<1024x128xf32>
    %swap3A_165 = vector.shape_cast %add3A_137 : vector<1024x128xf32> to vector<1x1024x128xf32>
    tpu.vector_store %arg12[%swap3A_160, %swap3A_161, %swap3A_162], %swap3A_165 {strides = array<i32>} : memref<12x1024x128xf32, #tpu.memory_space<vmem>>, vector<1x1024x128xf32>,
    %get3A_166 = arith.constant 3072 : index
    %get3A_167 = arith.constant 0 : index
    %get3A_168 = vector.load %arg4[%get3A_166, %get3A_167] : memref<4096x128xf32, #tpu.memory_space<vmem>>, vector<1024x128xf32>
    %get3A_169 = arith.constant 3 : index
    %get3A_170 = arith.constant 0 : index
    %get3A_171 = arith.constant 0 : index
    %get3A_172 = vector.load %arg1[%get3A_169, %get3A_170, %get3A_171] : memref<4x64x1024xf32, #tpu.memory_space<vmem>>, vector<1x64x1024xf32>
    %get3A_173 = vector.shape_cast %get3A_172 : vector<1x64x1024xf32> to vector<64x1024xf32>
    %dot_general3A_174 = arith.constant dense<0.000000e+00> : vector<1024x128xf32>
    %dot_general3A_175 = tpu.matmul %get3A_173, %get3A_1, %dot_general3A_174 {dimension_numbers = #tpu.dot_dimension_numbers<[0], [0], [1], [1], [0, 1, 1, 1], [], []>, transpose_lhs_hint = false} : vector<64x1024xf32>, vector<64x128xf32>, vector<1024x128xf32> -> vector<1024x128xf32>
    %add3A_176 = vector.broadcast %broadcast_in_dim3A : vector<1x128xf32> to vector<1024x128xf32>
    %add3A_177 = arith.addf %dot_general3A_175, %add3A_176 : vector<1024x128xf32>
    %add3A_178 = arith.addf %add3A_177, %get3A_168 : vector<1024x128xf32>
    %get3A_179 = arith.constant 3 : index
    %get3A_180 = arith.constant 0 : index
    %get3A_181 = arith.constant 0 : index
    %get3A_182 = vector.load %arg2[%get3A_179, %get3A_180, %get3A_181] : memref<4x16x1024xf32, #tpu.memory_space<vmem>>, vector<1x16x1024xf32>
    %get3A_183 = vector.shape_cast %get3A_182 : vector<1x16x1024xf32> to vector<16x1024xf32>
    %dot_general3A_184 = arith.constant dense<0.000000e+00> : vector<1024x128xf32>
    %dot_general3A_185 = tpu.matmul %get3A_183, %get3A_4, %dot_general3A_184 {dimension_numbers = #tpu.dot_dimension_numbers<[0], [0], [1], [1], [0, 1, 1, 1], [], []>, transpose_lhs_hint = false} : vector<16x1024xf32>, vector<16x128xf32>, vector<1024x128xf32> -> vector<1024x128xf32>
    %add3A_186 = vector.broadcast %broadcast_in_dim3A_12 : vector<1x128xf32> to vector<1024x128xf32>
    %add3A_187 = arith.addf %dot_general3A_185, %add3A_186 : vector<1024x128xf32>
    %add3A_188 = arith.addf %add3A_187, %get3A_168 : vector<1024x128xf32>
    %get3A_189 = arith.constant 3 : index
    %get3A_190 = arith.constant 0 : index
    %get3A_191 = arith.constant 0 : index
    %get3A_192 = vector.load %arg3[%get3A_189, %get3A_190, %get3A_191] : memref<4x1x1024xf32, #tpu.memory_space<vmem>>, vector<1x1x1024xf32>
    %get3A_193 = vector.shape_cast %get3A_192 : vector<1x1x1024xf32> to vector<1x1024xf32>
    %dot_general3A_194 = arith.constant dense<0.000000e+00> : vector<1024x128xf32>
    %dot_general3A_195 = tpu.matmul %get3A_193, %get3A_7, %dot_general3A_194 {dimension_numbers = #tpu.dot_dimension_numbers<[0], [0], [1], [1], [0, 1, 1, 1], [], []>, transpose_lhs_hint = false} : vector<1x1024xf32>, vector<1x128xf32>, vector<1024x128xf32> -> vector<1024x128xf32>
    %add3A_196 = vector.broadcast %broadcast_in_dim3A_15 : vector<1x128xf32> to vector<1024x128xf32>
    %add3A_197 = arith.addf %dot_general3A_195, %add3A_196 : vector<1024x128xf32>
    %add3A_198 = arith.addf %add3A_197, %get3A_168 : vector<1024x128xf32>
    %swap3A_199 = arith.constant 9 : index
    %swap3A_200 = arith.constant 0 : index
    %swap3A_201 = arith.constant 0 : index
    %swap3A_202 = vector.load %arg12[%swap3A_199, %swap3A_200, %swap3A_201] : memref<12x1024x128xf32, #tpu.memory_space<vmem>>, vector<1x1024x128xf32>
    %swap3A_203 = vector.shape_cast %swap3A_202 : vector<1x1024x128xf32> to vector<1024x128xf32>
    %swap3A_204 = vector.shape_cast %add3A_198 : vector<1024x128xf32> to vector<1x1024x128xf32>
    tpu.vector_store %arg12[%swap3A_199, %swap3A_200, %swap3A_201], %swap3A_204 {strides = array<i32>} : memref<12x1024x128xf32, #tpu.memory_space<vmem>>, vector<1x1024x128xf32>,
    %swap3A_205 = arith.constant 10 : index
    %swap3A_206 = arith.constant 0 : index
    %swap3A_207 = arith.constant 0 : index
    %swap3A_208 = vector.load %arg12[%swap3A_205, %swap3A_206, %swap3A_207] : memref<12x1024x128xf32, #tpu.memory_space<vmem>>, vector<1x1024x128xf32>
    %swap3A_209 = vector.shape_cast %swap3A_208 : vector<1x1024x128xf32> to vector<1024x128xf32>
    %swap3A_210 = vector.shape_cast %add3A_178 : vector<1024x128xf32> to vector<1x1024x128xf32>
    tpu.vector_store %arg12[%swap3A_205, %swap3A_206, %swap3A_207], %swap3A_210 {strides = array<i32>} : memref<12x1024x128xf32, #tpu.memory_space<vmem>>, vector<1x1024x128xf32>,
    %swap3A_211 = arith.constant 11 : index
    %swap3A_212 = arith.constant 0 : index
    %swap3A_213 = arith.constant 0 : index
    %swap3A_214 = vector.load %arg12[%swap3A_211, %swap3A_212, %swap3A_213] : memref<12x1024x128xf32, #tpu.memory_space<vmem>>, vector<1x1024x128xf32>
    %swap3A_215 = vector.shape_cast %swap3A_214 : vector<1x1024x128xf32> to vector<1024x128xf32>
    %swap3A_216 = vector.shape_cast %add3A_188 : vector<1024x128xf32> to vector<1x1024x128xf32>
    tpu.vector_store %arg12[%swap3A_211, %swap3A_212, %swap3A_213], %swap3A_216 {strides = array<i32>} : memref<12x1024x128xf32, #tpu.memory_space<vmem>>, vector<1x1024x128xf32>,
    return
  }
  func.func @transform_0(%arg0: i32) -> (i32, i32, i32) {
    %add3A = arith.constant 15 : i32
    %add3A_0 = arith.addi %arg0, %add3A : i32
    %c0_i32 = arith.constant 0 : i32
    %c0_i32_1 = arith.constant 0 : i32
    %c0_i32_2 = arith.constant 0 : i32
    return %add3A_0, %c0_i32, %c0_i32_1 : i32, i32, i32
  }
  func.func @transform_1(%arg0: i32) -> (i32, i32, i32) {
    %add3A = arith.constant 15 : i32
    %add3A_0 = arith.addi %arg0, %add3A : i32
    %c0_i32 = arith.constant 0 : i32
    %c0_i32_1 = arith.constant 0 : i32
    %c0_i32_2 = arith.constant 0 : i32
    return %add3A_0, %c0_i32, %c0_i32_1 : i32, i32, i32
  }
  func.func @transform_2(%arg0: i32) -> (i32, i32, i32) {
    %add3A = arith.constant 15 : i32
    %add3A_0 = arith.addi %arg0, %add3A : i32
    %c0_i32 = arith.constant 0 : i32
    %c0_i32_1 = arith.constant 0 : i32
    %c0_i32_2 = arith.constant 0 : i32
    return %add3A_0, %c0_i32, %c0_i32_1 : i32, i32, i32
  }
  func.func @transform_3(%arg0: i32) -> (i32, i32) {
    %c0_i32 = arith.constant 0 : i32
    %c0_i32_0 = arith.constant 0 : i32
    return %arg0, %c0_i32 : i32, i32
  }
  func.func @transform_4(%arg0: i32) -> (i32, i32) {
    %c0_i32 = arith.constant 0 : i32
    %c0_i32_0 = arith.constant 0 : i32
    %c0_i32_1 = arith.constant 0 : i32
    return %c0_i32, %c0_i32_0 : i32, i32
  }
  func.func @transform_5(%arg0: i32) -> i32 {
    %c0_i32 = arith.constant 0 : i32
    %c0_i32_0 = arith.constant 0 : i32
    return %c0_i32 : i32
  }
  func.func @transform_6(%arg0: i32) -> (i32, i32) {
    %c0_i32 = arith.constant 0 : i32
    %c0_i32_0 = arith.constant 0 : i32
    %c0_i32_1 = arith.constant 0 : i32
    return %c0_i32, %c0_i32_0 : i32, i32
  }
  func.func @transform_7(%arg0: i32) -> i32 {
    %c0_i32 = arith.constant 0 : i32
    %c0_i32_0 = arith.constant 0 : i32
    return %c0_i32 : i32
  }
  func.func @transform_8(%arg0: i32) -> (i32, i32) {
    %c0_i32 = arith.constant 0 : i32
    %c0_i32_0 = arith.constant 0 : i32
    %c0_i32_1 = arith.constant 0 : i32
    return %c0_i32, %c0_i32_0 : i32, i32
  }
  func.func @transform_9(%arg0: i32) -> i32 {
    %c0_i32 = arith.constant 0 : i32
    %c0_i32_0 = arith.constant 0 : i32
    return %c0_i32 : i32
  }
  func.func @transform_11(%arg0: i32) -> (i32, i32, i32) {
    %add3A = arith.constant 15 : i32
    %add3A_0 = arith.addi %arg0, %add3A : i32
    %c0_i32 = arith.constant 0 : i32
    %c0_i32_1 = arith.constant 0 : i32
    %c0_i32_2 = arith.constant 0 : i32
    return %add3A_0, %c0_i32, %c0_i32_1 : i32, i32, i32
  }
}

</mosaic_0001>

<sc_bundles>
// kernel: kernel.11.cloned.1.call-start
scs
__scs_entry_jumppad:
0x0: {  	(pc) =	sbr.rel $0x88, $3  }
0x1: {  	(tag) =	ssettag $0x0;
	lr =	simm.s32 $0x1  }
0x2: {  	[smem:$0x3F96] =	sst lr;
	_ =	strace $0xD0000000  }
0x3: {  	_ = 	snop  }
0x4: {  	_ = 	snop  }
0x5: {  	_ = 	snop  }
0x6: {  	_ = 	snop  }
0x7: {  	_ = 	snop  }
__scs_overlays_trampoline_lowered:
0x8: {  	[smem:$0x3FA5] =	sst s0  }
0x9: {  	[smem:$0x3FA6] =	sst s1  }
0xa: {  	[smem:$0x3FA7] =	sst s2  }
0xb: {  	[smem:$0x3FA8] =	sst s3  }
0xc: {  	[smem:$0x3FA9] =	sst s4  }
0xd: {  	[smem:$0x3FAA] =	sst s5  }
0xe: {  	[smem:$0x3FAB] =	sst s6  }
0xf: {  	[smem:$0x3FAC] =	sst s7  }
0x10: {  	[smem:$0x3FAD] =	sst s8  }
0x11: {  	[smem:$0x3FAE] =	sst s9;
	s0 =	simm.s32 @!p0 $0x0  }
0x12: {  	s1 =	sld [smem:$0x3F94];
	s0 =	simm.s32 @p0 $0x1  }
0x13: {  	[smem:$0x3FAF] =	sst s0;
	s0 =	simm.s32 @!p1 $0x0  }
0x14: {  	s2 =	sld [smem:$0x3F93];
	s0 =	simm.s32 @p1 $0x1  }
0x15: {  	[smem:$0x3FB0] =	sst s0;
	s0 =	simm.s32 @!p2 $0x0  }
0x16: {  	s3 =	sld [smem:$0x3FDB];
	s0 =	simm.s32 @p2 $0x1  }
0x17: {  	s4 =	simm.s32 $0x1BF5;
	[smem:$0x3FB2] =	sst s0  }
0x18: {  	s0 =	sld [smem:$0x3F95];
	_ =	swait.ge [sflag:s4], $0x0  }
0x19: {  	s7 =	sld [smem:$0x3F96]  }
0x1a: {  	s8 =	sadd.s32 $0xFFFFE003, lr  }
0x1b: {  	s9 =	sadd.s32 $0xFFFFFEF7, lr;
	s5 =	simm.s32 $0xFFFFFFFF;
	p2 =	slt.u32 s8, $0xFFFFF086  }
0x1c: {  	p1 =	slt.u32 s9, $0xF7A;
	s5 =	simm.s32 @!p2 $0x0  }
0x1d: {  	s5 =	simm.s32 @p1 $0x1;
	p0 =	seq.s32 s7, s2  }
0x1e: {  	s7 =	smul.u32 @!p0 $0xF7A, s2;
	p2 =	seq.s32 @!p0 s5, $0x0  }
0x1f: {  	s9 =	smul.u32 $0xF7A, s1;
	s8 =	simm.s32 @!p0 $0x1BF5;
	p2 =	por !p2, p0  }
0x20: {  	[sflag:s8] =	ssyncset.s32 @!p0 $0xFFFFF086;
	s6 =	sadd.s32 @!p0 s3, s7;
	s7 =	simm.s32 @!p0 $0x108  }
0x21: {  	s3 =	sadd.s32 s3, s9;
	s6 =	sadd.s32 @!p0 $0x88, s6;
	s7 =	simm.s32 @p2 $0x1082  }
0x22: {  	[simem:s7], [sflag:s8] =	dma.local @!p0 [hbm:s6], $0xF7A  }
0x23: {  	s9 =	sor.u32 $0xD0000000, s2;
	s6 =	simm.s32 $0x108;
	_ =	swait.ge @!p0 [sflag:s8], $0x0  }
0x24: {  	s3 =	sadd.s32 $0x88, s3;
	s6 =	simm.s32 @!p1 $0x1082;
	[sflag:s4] =	ssyncset.s32 $0xFFFFF086  }
0x25: {  	[simem:s6], [sflag:s4] =	dma.local [hbm:s3], $0xF7A  }
0x26: {  	[smem:$0x3F96] =	sst s1;
	(tag) =	ssettag s2;
	_ =	strace s9  }
0x27: {  	s1 =	sld [smem:$0x3FA6]  }
0x28: {  	s2 =	sld [smem:$0x3FA7]  }
0x29: {  	s4 =	sld [smem:$0x3FA9]  }
0x2a: {  	p0 =	seq.s32 s5, $0x0;
	s5 =	sld [smem:$0x3FAA]  }
0x2b: {  	s6 =	sld [smem:$0x3FAB]  }
0x2c: {  	s7 =	sld [smem:$0x3FAC]  }
0x2d: {  	s3 =	simm.s32 $0x108;
	s8 =	sld [smem:$0x3FAD]  }
0x2e: {  	s3 =	simm.s32 @!p0 $0x1082;
	s9 =	sld [smem:$0x3FAE]  }
0x2f: {  	lr =	sadd.s32 s0, s3;
	s0 =	sld [smem:$0x3FA5]  }
0x30: {  	s3 =	sld [smem:$0x3FA8]  }
0x31: {  	[smem:$0x3FB1] =	sst s10  }
0x32: {  	s10 =	sld [smem:$0x3FAF];
	_ =	sdelay $0x3  }
0x33: {  	p0 =	seq.s32 s10, $0x1;
	s10 =	sld [smem:$0x3FB1];
	_ =	sdelay $0x3  }
0x34: {  	[smem:$0x3FB1] =	sst s10  }
0x35: {  	s10 =	sld [smem:$0x3FB0];
	_ =	sdelay $0x3  }
0x36: {  	p1 =	seq.s32 s10, $0x1;
	s10 =	sld [smem:$0x3FB1];
	_ =	sdelay $0x3  }
0x37: {  	[smem:$0x3FB1] =	sst s10  }
0x38: {  	s10 =	sld [smem:$0x3FB2]  }
0x39: {  	_ = 	snop;
	(pc) =	sbr.ind lr, $3  }
0x3a: {  	_ = 	snop  }
0x3b: {  	_ = 	snop  }
0x3c: {  	p2 =	seq.s32 s10, $0x1;
	s10 =	sld [smem:$0x3FB1]  }
0x3d: {  	_ =	shalt  }
0x3e: {  	_ =	shalt  }
0x3f: {  	_ =	shalt  }
0x40: {  	_ =	shalt  }
0x41: {  	_ =	shalt  }
0x42: {  	_ =	shalt  }
0x43: {  	_ =	shalt  }
0x44: {  	_ =	shalt  }
0x45: {  	_ =	shalt  }
0x46: {  	_ =	shalt  }
0x47: {  	_ =	shalt  }
0x48: {  	_ =	shalt  }
0x49: {  	_ =	shalt  }
0x4a: {  	_ =	shalt  }
0x4b: {  	_ =	shalt  }
0x4c: {  	_ =	shalt  }
0x4d: {  	_ =	shalt  }
0x4e: {  	_ =	shalt  }
0x4f: {  	_ =	shalt  }
0x50: {  	_ =	shalt  }
0x51: {  	_ =	shalt  }
0x52: {  	_ =	shalt  }
0x53: {  	_ =	shalt  }
0x54: {  	_ =	shalt  }
0x55: {  	_ =	shalt  }
0x56: {  	_ =	shalt  }
0x57: {  	_ =	shalt  }
0x58: {  	_ =	shalt  }
0x59: {  	_ =	shalt  }
0x5a: {  	_ =	shalt  }
0x5b: {  	_ =	shalt  }
0x5c: {  	_ =	shalt  }
0x5d: {  	_ =	shalt  }
0x5e: {  	_ =	shalt  }
0x5f: {  	_ =	shalt  }
0x60: {  	_ =	shalt  }
0x61: {  	_ =	shalt  }
0x62: {  	_ =	shalt  }
0x63: {  	_ =	shalt  }
0x64: {  	_ =	shalt  }
0x65: {  	_ =	shalt  }
0x66: {  	_ =	shalt  }
0x67: {  	_ =	shalt  }
0x68: {  	_ =	shalt  }
0x69: {  	_ =	shalt  }
0x6a: {  	_ =	shalt  }
0x6b: {  	_ =	shalt  }
0x6c: {  	_ =	shalt  }
0x6d: {  	_ =	shalt  }
0x6e: {  	_ =	shalt  }
0x6f: {  	_ =	shalt  }
0x70: {  	_ =	shalt  }
0x71: {  	_ =	shalt  }
0x72: {  	_ =	shalt  }
0x73: {  	_ =	shalt  }
0x74: {  	_ =	shalt  }
0x75: {  	_ =	shalt  }
0x76: {  	_ =	shalt  }
0x77: {  	_ =	shalt  }
0x78: {  	_ =	shalt  }
0x79: {  	_ =	shalt  }
0x7a: {  	_ =	shalt  }
0x7b: {  	_ =	shalt  }
0x7c: {  	_ =	shalt  }
0x7d: {  	_ =	shalt  }
0x7e: {  	_ =	shalt  }
0x7f: {  	_ =	shalt  }
0x80: {  	_ =	shalt  }
0x81: {  	_ =	shalt  }
0x82: {  	_ =	shalt  }
0x83: {  	_ =	shalt  }
0x84: {  	_ =	shalt  }
0x85: {  	_ =	shalt  }
0x86: {  	_ =	shalt  }
0x87: {  	_ =	shalt  }
.Lfunc_end0:
.L_simem_size_0:
called_computation.1_lowered:
.L_overlay_start_0:
0x88: {  	s2 =	sld [smem:$0x3FD9]  }
0x89: {  	s3 =	sld [smem:$0x3FFE];
	_ =	sdelay $0x1  }
0x8a: {  	s1 =	srdreg.scid  }
0x8b: {  	s0 =	sand.u32 $0x1, s1  }
0x8c: {  	s17 =	sshll.u32 s0, $0xA;
	s2 =	sadd.s32 s3, s2  }
0x8d: {  	s2 =	sadd.s32 s2, s17  }
0x8e: {  	[smem:$0x3FBD] =	sst s2  }
0x8f: {  	_ = 	snop  }
0x90: {  	s18 =	sld [smem:$0x3FC5];
	(tm) =	ssettm $0x1  }
0x91: {  	s19 =	sld [smem:$0x3FFB];
	_ =	sdelay $0x3  }
0x92: {  	_ =	strace s19  }
0x93: {  	s2 =	sld [smem:$0x3FFC];
	_ =	sdelay $0x3  }
0x94: {  	_ =	strace s2  }
0x95: {  	s2 =	sld [smem:$0x3FFD];
	_ =	sdelay $0x3  }
0x96: {  	_ =	strace s2  }
0x97: {  	_ =	strace $0x8FFFFFFF  }
0x98: {  	s20 =	sld [smem:$0x3FDB];
	_ =	sdelay $0x1  }
0x99: {  	s4 =	simm.s32 $_scs_section_size  }
0x9a: {  	s5 =	simm.s32 $_size__tile_overlayer_lowered;
	s6 =	simm.s32 $_tile_overlayer_lowered  }
0x9b: {  	s7 =	simm.s32 $0x1BFF;
	s21 =	sshll.u32 s6, $0x1;
	s4 =	sadd.s32 s4, s20  }
0x9c: {  	s22 =	simm.s32 $0x0;
	s5 =	sshll.u32 s5, $0x1;
	s6 =	sadd.s32 s21, s4  }
0x9d: {  	[timem:s22], [sflag:s7] =	dma.local [hbm:s6], s5  }
0x9e: {  	_ =	swait.ge [sflag:s7], s5  }
0x9f: {  	s5 =	ssub.s32 $0x0, s5;
	[sflag:s7] =	ssyncset.done $0x0  }
0xa0: {  	[sflag:s7] =	ssyncadd.s32 s5;
	_ =	sdelay $0x1  }
0xa1: {  	s23 =	simm.s32 $0x1B8B  }
0xa2: {  	_ =	swait.ge [sflag:s23], $0x1  }
0xa3: {  	[sflag:s23] =	ssyncset.done $0x0  }
0xa4: {  	[sflag:s23] =	ssyncadd.s32 $0xFFFFFFFF  }
0xa5: {  	s5 =	sld [smem:$0x0]  }
0xa6: {  	s6 =	sand.u32 $0xFFFFFFFE, s1  }
0xa7: {  	p0 =	sne.s32 s1, s6  }
0xa8: {  	s6 =	sshll.u32 @p0 s6, $0xE  }
0xa9: {  	s6 =	sadd.s32 @p0 $0x11B8D, s6;
	s7 =	sshll.u32 @p0 s5, $0x11  }
0xaa: {  	s6 =	sor.u32 @p0 s7, s6  }
0xab: {  	[sflag:s6] =	ssyncadd.remote.s32 @p0 $0x1;
	_ =	sdelay $0x1  }
0xac: {  	s6 =	simm.s32 @p0 $0x1B8D  }
0xad: {  	_ =	swait.eq @p0 [sflag:s6], $0x1  }
0xae: {  	[sflag:s6] =	ssyncadd.s32 @p0 $0xFFFFFFFF  }
0xaf: {  	s7 =	sshll.u32 @!p0 s1, $0xE  }
0xb0: {  	s7 =	sor.u32 @!p0 $0x4000, s7;
	s6 =	simm.s32 @!p0 $0x1B8D  }
0xb1: {  	s5 =	sshll.u32 @!p0 s5, $0x11;
	s7 =	sadd.s32 @!p0 $0x11B8D, s7;
	_ =	swait.eq @!p0 [sflag:s6], $0x1  }
0xb2: {  	s5 =	sor.u32 @!p0 s5, s7;
	[sflag:s6] =	ssyncadd.s32 @!p0 $0xFFFFFFFF  }
0xb3: {  	s25 =	simm.s32 $0x1B8E;
	s24 =	sld [smem:$0x3FFE];
	[sflag:s5] =	ssyncadd.remote.s32 @!p0 $0x1  }
0xb4: {  	s26 =	simm.s32 $execute0_lowered;
	[smem:$0x3FD2] =	sst s25  }
0xb5: {  	s6 =	sshll.u32 s26, $0x1;
	_ =	strace $0x80000049;
	[dreg:$0x1] =	wrdreg $0xFFFFFFFF  }
0xb6: {  	s28 =	simm.s32 $_size_execute0_lowered;
	s4 =	sadd.s32 s4, s6;
	[dreg:$0x0] =	wrdreg $0x0  }
0xb7: {  	s6 =	sshll.u32 s28, $0x1;
	[dreg:$0x2] =	wrdreg s4  }
0xb8: {  	[dreg:$0x3] =	wrdreg s6  }
0xb9: {  	[dreg:$0x4] =	wrdreg $0xC0  }
0xba: {  	_ =	task [dreg:s22], $0x5FFFF  }
0xbb: {  	[dreg:$0x1] =	wrdreg $0xFFFFFFFF  }
0xbc: {  	[dreg:$0x0] =	wrdreg $0x60  }
0xbd: {  	[dreg:$0x2] =	wrdreg s24  }
0xbe: {  	[dreg:$0x3] =	wrdreg s18  }
0xbf: {  	[dreg:$0x4] =	wrdreg $0x81000  }
0xc0: {  	[dreg:$0x5] =	wrdreg $0xA  }
0xc1: {  	_ =	task.clear_ibuf [dreg:s22], $0x6FFFF;
	_ =	strace $0x90000049  }
0xc2: {  	s29 =	simm.s32 $0xA;
	_ =	strace $0x8000004B  }
0xc3: {  	_ =	swait.ge [sflag:s29], $0x1  }
0xc4: {  	[sflag:s29] =	ssyncadd.s32 $0xFFFFFFFF  }
0xc5: {  	_ =	strace $0x9000004B  }
0xc6: {  	_ =	sfence  }
0xc7: {  	s30 =	sld [smem:$0x0];
	_ =	sdelay $0x2  }
0xc8: {  	s31 =	sshll.u32 s1, $0xD;
	s1 =	sshrl.u32 s1, $0x2  }
0xc9: {  	s4 =	sand.u32 $0x4000, s31;
	s1 =	sadd.s32 s1, s30  }
0xca: {  	s0 =	sor.u32 s4, s0;
	s1 =	sshll.u32 s1, $0x11  }
0xcb: {  	s0 =	sor.u32 s1, s0  }
0xcc: {  	s0 =	sadd.s32 $0x8F2B, s0  }
0xcd: {  	[sflag:s0] =	ssyncadd.remote.s32 $0x1  }
0xce: {  	_ =	sfence.sel $0xFFFF  }
0xcf: {  	[dreg:$0x0] =	wrdreg $0xFFFFFFFF;
	(pc) =	sbr.abs _section_cstart, $3  }
0xd0: {  	[dreg:$0x1] =	wrdreg $0xFFFFFFFF  }
0xd1: {  	_ =	task.clear_ibuf [dreg:s22], $0x2FFFF;
	_ =	strace $0x9FFFFFFF  }
0xd2: {  	(tm) =	ssettm $0x7FFFFFFF  }
0xd3: {  	_ =	shalt  }
tec
execute0_lowered:
.L_overlay_start_1:
0x0: {  	(tag) =	ssettag $0x1  }
0x1: {  	s0 =	srdreg.scid;
	s3 =	stileid.u32  }
0x2: {  	s30 =	sand.u32 $0x1, s0;
	s25 =	sshll.u32 s3, $0x1  }
0x3: {  	s11 =	rddreg [dreg:$0x0];
	s14 =	sor.u32 s30, s25  }
0x4: {  	s1 =	rddreg [dreg:$0x1];
	s4 =	smul.u32 $0x480, s14  }
0x5: {  	s2 =	simm.s32 $0x0;
	[dreg:$0x4] =	wrdreg s1  }
0x6: {  	[smem:$0x7FF] =	sst s2;
	s4 =	sshrl.u32 s4, $0x3  }
0x7: {  	s1 =	rddreg [dreg:$0x2];
	_ =	strace $0x8000004A;
	s28 =	sadd.s32 s4, s11  }
0x8: {  	p0 =	sne.s32 s3, $0x0;
	s6 =	rddreg [dreg:$0x4];
	s4 =	sadd.s32 $0x3000, s28  }
0x9: {  	s3 =	sshrl.u32 @!p0 s1, $0x3;
	s26 =	sadd.s32 $0x3010, s28;
	[dreg:$0x5] =	wrdreg s4  }
0xa: {  	s5 =	simm.s32 @!p0 $0x5;
	[dreg:$0x6] =	wrdreg s26;
	s4 =	simm.s32 @!p0 $0x1C05  }
0xb: {  	[spmem:s3], [sflag:s4] =	dma.local @!p0 [hbm:s6], $0x10640  }
0xc: {  	_ =	swait.ge @!p0 [sflag:s5], $0x10640  }
0xd: {  	[sflag:s5] =	ssyncset.done @!p0 $0x0  }
0xe: {  	[sflag:s5] =	ssyncadd.s32 @!p0 $0xFFFEF9C0  }
0xf: {  	[bflag:$0x0] =	sbarrier.arrive $0xFFFF  }
0x10: {  	s6 =	simm.s32 $0x5;
	s7 =	rddreg [dreg:$0x5]  }
0x11: {  	[tilespmem:s2], [sflag:$0x5] =	stream.linear.gather [hbm4b:s7+s2], $0x80, $0x38;
	[tilespmem:$0x10420] =	vst v63  }
0x12: {  	_ =	swait.ge [sflag:s6], $0x80  }
0x13: {  	[sflag:s6] =	ssyncset.done $0x0  }
0x14: {  	s8 =	simm.s32 $0x100;
	s7 =	simm.s32 $0x80;
	[sflag:s6] =	ssyncadd.s32 $0xFFFFFF80  }
0x15: {  	[tilespmem:s8], [sflag:$0x1] =	stream.indirect.gather [spmem:s1], $0x80, s2, s7, $0xb8;
	[tilespmem:$0x10420] =	vst v63  }
0x16: {  	s9 =	rddreg [dreg:$0x6]  }
0x17: {  	[tilespmem:s7], [sflag:$0x5] =	stream.linear.gather [hbm4b:s9+s2], $0x80, $0x38;
	[tilespmem:$0x10420] =	vst v63  }
0x18: {  	_ =	swait.ge [sflag:s6], $0x80  }
0x19: {  	[sflag:s6] =	ssyncset.done $0x0  }
0x1a: {  	s10 =	simm.s32 $0x1;
	s9 =	simm.s32 $0x4100;
	[sflag:s6] =	ssyncadd.s32 $0xFFFFFF80  }
0x1b: {  	[tilespmem:s9], [sflag:$0x2] =	stream.indirect.gather [spmem:s1], $0x80, s7, s7, $0xb8;
	[tilespmem:$0x10420] =	vst v63  }
0x1c: {  	s12 =	smul.u32 $0x4800, s14;
	_ =	swait.ge [sflag:s10], $0x4000  }
0x1d: {  	s15 =	sadd.s32 $0x5600, s11;
	[sflag:s10] =	ssyncset.done $0x0  }
0x1e: {  	s12 =	sadd.s32 s15, s12;
	s11 =	simm.s32 $0x3;
	[sflag:s10] =	ssyncadd.s32 $0xFFFFC000  }
0x1f: {  	[hbm4b:s12+s2] =	stream.linear.scatter [tilespmem:s8], [sflag:$0x3], $0x4000, $0x38;
	[tilespmem:$0x10420] =	vst v63  }
0x20: {  	_ =	swait.ge [sflag:s11], $0x4000  }
0x21: {  	[sflag:s11] =	ssyncset.done $0x0  }
0x22: {  	s13 =	sadd.s32 $0x3020, s28;
	[sflag:s11] =	ssyncadd.s32 $0xFFFFC000  }
0x23: {  	[tilespmem:s2], [sflag:$0x5] =	stream.linear.gather [hbm4b:s13+s2], $0x80, $0x38;
	[tilespmem:$0x10420] =	vst v63  }
0x24: {  	_ =	swait.ge [sflag:s6], $0x80  }
0x25: {  	[sflag:s6] =	ssyncset.done $0x0  }
0x26: {  	s16 =	smul.u32 $0x24000, s14;
	s14 =	simm.s32 $0x2;
	[sflag:s6] =	ssyncadd.s32 $0xFFFFFF80  }
0x27: {  	[tilespmem:s8], [sflag:$0x1] =	stream.indirect.gather [spmem:s1], $0x80, s2, s7, $0xb8;
	[tilespmem:$0x10420] =	vst v63  }
0x28: {  	s16 =	sshrl.u32 s16, $0x3;
	_ =	swait.ge [sflag:s14], $0x4000  }
0x29: {  	s31 =	sadd.s32 s15, s16;
	[sflag:s14] =	ssyncset.done $0x0  }
0x2a: {  	s16 =	simm.s32 $0x4;
	s15 =	sadd.s32 $0x800, s31;
	[sflag:s14] =	ssyncadd.s32 $0xFFFFC000  }
0x2b: {  	[hbm4b:s15+s2] =	stream.linear.scatter [tilespmem:s9], [sflag:$0x4], $0x4000, $0x38;
	[tilespmem:$0x10420] =	vst v63  }
0x2c: {  	_ =	swait.ge [sflag:s16], $0x4000  }
0x2d: {  	[sflag:s16] =	ssyncset.done $0x0  }
0x2e: {  	s17 =	sadd.s32 $0x3030, s28;
	[sflag:s16] =	ssyncadd.s32 $0xFFFFC000  }
0x2f: {  	[tilespmem:s7], [sflag:$0x5] =	stream.linear.gather [hbm4b:s17+s2], $0x80, $0x38;
	[tilespmem:$0x10420] =	vst v63  }
0x30: {  	_ =	swait.ge [sflag:s6], $0x80  }
0x31: {  	[sflag:s6] =	ssyncset.done $0x0  }
0x32: {  	[sflag:s6] =	ssyncadd.s32 $0xFFFFFF80  }
0x33: {  	[tilespmem:s9], [sflag:$0x2] =	stream.indirect.gather [spmem:s1], $0x80, s7, s7, $0xb8;
	[tilespmem:$0x10420] =	vst v63  }
0x34: {  	_ =	swait.ge [sflag:s10], $0x4000  }
0x35: {  	[sflag:s10] =	ssyncset.done $0x0  }
0x36: {  	s18 =	sadd.s32 $0x1000, s31;
	[sflag:s10] =	ssyncadd.s32 $0xFFFFC000  }
0x37: {  	[hbm4b:s18+s2] =	stream.linear.scatter [tilespmem:s8], [sflag:$0x3], $0x4000, $0x38;
	[tilespmem:$0x10420] =	vst v63  }
0x38: {  	_ =	swait.ge [sflag:s11], $0x4000  }
0x39: {  	[sflag:s11] =	ssyncset.done $0x0  }
0x3a: {  	s19 =	sadd.s32 $0x3040, s28;
	[sflag:s11] =	ssyncadd.s32 $0xFFFFC000  }
0x3b: {  	[tilespmem:s2], [sflag:$0x5] =	stream.linear.gather [hbm4b:s19+s2], $0x80, $0x38;
	[tilespmem:$0x10420] =	vst v63  }
0x3c: {  	_ =	swait.ge [sflag:s6], $0x80  }
0x3d: {  	[sflag:s6] =	ssyncset.done $0x0  }
0x3e: {  	[sflag:s6] =	ssyncadd.s32 $0xFFFFFF80  }
0x3f: {  	[tilespmem:s8], [sflag:$0x1] =	stream.indirect.gather [spmem:s1], $0x80, s2, s7, $0xb8;
	[tilespmem:$0x10420] =	vst v63  }
0x40: {  	_ =	swait.ge [sflag:s14], $0x4000  }
0x41: {  	[sflag:s14] =	ssyncset.done $0x0  }
0x42: {  	s20 =	sadd.s32 $0x1800, s31;
	[sflag:s14] =	ssyncadd.s32 $0xFFFFC000  }
0x43: {  	[hbm4b:s20+s2] =	stream.linear.scatter [tilespmem:s9], [sflag:$0x4], $0x4000, $0x38;
	[tilespmem:$0x10420] =	vst v63  }
0x44: {  	_ =	swait.ge [sflag:s16], $0x4000  }
0x45: {  	[sflag:s16] =	ssyncset.done $0x0  }
0x46: {  	s21 =	sadd.s32 $0x3050, s28;
	[sflag:s16] =	ssyncadd.s32 $0xFFFFC000  }
0x47: {  	[tilespmem:s7], [sflag:$0x5] =	stream.linear.gather [hbm4b:s21+s2], $0x80, $0x38;
	[tilespmem:$0x10420] =	vst v63  }
0x48: {  	_ =	swait.ge [sflag:s6], $0x80  }
0x49: {  	[sflag:s6] =	ssyncset.done $0x0  }
0x4a: {  	[sflag:s6] =	ssyncadd.s32 $0xFFFFFF80  }
0x4b: {  	[tilespmem:s9], [sflag:$0x2] =	stream.indirect.gather [spmem:s1], $0x80, s7, s7, $0xb8;
	[tilespmem:$0x10420] =	vst v63  }
0x4c: {  	_ =	swait.ge [sflag:s10], $0x4000  }
0x4d: {  	[sflag:s10] =	ssyncset.done $0x0  }
0x4e: {  	s22 =	sadd.s32 $0x2000, s31;
	[sflag:s10] =	ssyncadd.s32 $0xFFFFC000  }
0x4f: {  	[hbm4b:s22+s2] =	stream.linear.scatter [tilespmem:s8], [sflag:$0x3], $0x4000, $0x38;
	[tilespmem:$0x10420] =	vst v63  }
0x50: {  	_ =	swait.ge [sflag:s11], $0x4000  }
0x51: {  	[sflag:s11] =	ssyncset.done $0x0  }
0x52: {  	s23 =	sadd.s32 $0x3060, s28;
	[sflag:s11] =	ssyncadd.s32 $0xFFFFC000  }
0x53: {  	[tilespmem:s2], [sflag:$0x5] =	stream.linear.gather [hbm4b:s23+s2], $0x80, $0x38;
	[tilespmem:$0x10420] =	vst v63  }
0x54: {  	_ =	swait.ge [sflag:s6], $0x80  }
0x55: {  	[sflag:s6] =	ssyncset.done $0x0  }
0x56: {  	[sflag:s6] =	ssyncadd.s32 $0xFFFFFF80  }
0x57: {  	[tilespmem:s8], [sflag:$0x1] =	stream.indirect.gather [spmem:s1], $0x80, s2, s7, $0xb8;
	[tilespmem:$0x10420] =	vst v63  }
0x58: {  	_ =	swait.ge [sflag:s14], $0x4000  }
0x59: {  	[sflag:s14] =	ssyncset.done $0x0  }
0x5a: {  	s24 =	sadd.s32 $0x2800, s31;
	[sflag:s14] =	ssyncadd.s32 $0xFFFFC000  }
0x5b: {  	[hbm4b:s24+s2] =	stream.linear.scatter [tilespmem:s9], [sflag:$0x4], $0x4000, $0x38;
	[tilespmem:$0x10420] =	vst v63  }
0x5c: {  	_ =	swait.ge [sflag:s16], $0x4000  }
0x5d: {  	[sflag:s16] =	ssyncset.done $0x0  }
0x5e: {  	s25 =	sadd.s32 $0x3070, s28;
	[sflag:s16] =	ssyncadd.s32 $0xFFFFC000  }
0x5f: {  	[tilespmem:s7], [sflag:$0x5] =	stream.linear.gather [hbm4b:s25+s2], $0x80, $0x38;
	[tilespmem:$0x10420] =	vst v63  }
0x60: {  	_ =	swait.ge [sflag:s6], $0x80  }
0x61: {  	[sflag:s6] =	ssyncset.done $0x0  }
0x62: {  	[sflag:s6] =	ssyncadd.s32 $0xFFFFFF80  }
0x63: {  	[tilespmem:s9], [sflag:$0x2] =	stream.indirect.gather [spmem:s1], $0x80, s7, s7, $0xb8;
	[tilespmem:$0x10420] =	vst v63  }
0x64: {  	_ =	swait.ge [sflag:s10], $0x4000  }
0x65: {  	[sflag:s10] =	ssyncset.done $0x0  }
0x66: {  	s26 =	sadd.s32 $0x3000, s31;
	[sflag:s10] =	ssyncadd.s32 $0xFFFFC000  }
0x67: {  	[hbm4b:s26+s2] =	stream.linear.scatter [tilespmem:s8], [sflag:$0x3], $0x4000, $0x38;
	[tilespmem:$0x10420] =	vst v63  }
0x68: {  	_ =	swait.ge [sflag:s11], $0x4000  }
0x69: {  	[sflag:s11] =	ssyncset.done $0x0  }
0x6a: {  	s28 =	sadd.s32 $0x3080, s28;
	[sflag:s11] =	ssyncadd.s32 $0xFFFFC000  }
0x6b: {  	[tilespmem:s2], [sflag:$0x5] =	stream.linear.gather [hbm4b:s28+s2], $0x80, $0x38;
	[tilespmem:$0x10420] =	vst v63  }
0x6c: {  	_ =	swait.ge [sflag:s6], $0x80  }
0x6d: {  	[sflag:s6] =	ssyncset.done $0x0  }
0x6e: {  	[sflag:s6] =	ssyncadd.s32 $0xFFFFFF80  }
0x6f: {  	[tilespmem:s8], [sflag:$0x1] =	stream.indirect.gather [spmem:s1], $0x80, s2, s7, $0xb8;
	[tilespmem:$0x10420] =	vst v63  }
0x70: {  	s0 =	ssub.s32 $0x2, s30;
	s29 =	sadd.s32 $0x3800, s31;
	_ =	swait.ge [sflag:s14], $0x4000  }
0x71: {  	s30 =	sadd.s32 $0x4000, s31;
	s31 =	sshrl.u32 s0, $0x1;
	[sflag:s14] =	ssyncset.done $0x0  }
0x72: {  	s0 =	ssub.s32 s0, s31;
	[sflag:s14] =	ssyncadd.s32 $0xFFFFC000  }
0x73: {  	[hbm4b:s29+s2] =	stream.linear.scatter [tilespmem:s9], [sflag:$0x4], $0x4000, $0x38;
	[tilespmem:$0x10420] =	vst v63  }
0x74: {  	s0 =	smax.u32 s0, $0x1;
	_ =	swait.ge [sflag:s10], $0x4000  }
0x75: {  	s31 =	sadd.s32 $0xFFFFFFFF, s0;
	[sflag:s10] =	ssyncset.done $0x0  }
0x76: {  	p1 =	sne.s32 s31, $0x0;
	[sflag:s10] =	ssyncadd.s32 $0xFFFFC000  }
0x77: {  	[hbm4b:s30+s2] =	stream.linear.scatter [tilespmem:s8], [sflag:$0x3], $0x4000, $0x38;
	[tilespmem:$0x10420] =	vst v63  }
.Ltmp0:
0x78: {  	_ =	swait.ge [sflag:s16], $0x4000;
	(pc) =	sbr.rel @!p1 .LBB2_2-.Ltmp0, $4  }
0x79: {  	[sflag:s16] =	ssyncset.done $0x0  }
0x7a: {  	[sflag:s16] =	ssyncadd.s32 $0xFFFFC000  }
0x7b: {  	_ =	swait.ge [sflag:s11], $0x4000  }
0x7c: {  	[sflag:s11] =	ssyncset.done $0x0  }
.LBB2_1:
0x7d: {  	s0 =	rddreg [dreg:$0x4];
	[sflag:s11] =	ssyncadd.s32 $0xFFFFC000  }
0x7e: {  	[spmem:s3], [sflag:s4] =	dma.local @!p0 [hbm:s0], $0x10640  }
0x7f: {  	_ =	swait.ge @!p0 [sflag:s5], $0x10640  }
0x80: {  	[sflag:s5] =	ssyncset.done @!p0 $0x0  }
0x81: {  	[sflag:s5] =	ssyncadd.s32 @!p0 $0xFFFEF9C0  }
0x82: {  	[bflag:$0x0] =	sbarrier.arrive $0xFFFF  }
0x83: {  	s0 =	rddreg [dreg:$0x5]  }
0x84: {  	[tilespmem:s2], [sflag:$0x5] =	stream.linear.gather [hbm4b:s0+s2], $0x80, $0x38;
	[tilespmem:$0x10420] =	vst v63  }
0x85: {  	_ =	swait.ge [sflag:s6], $0x80  }
0x86: {  	[sflag:s6] =	ssyncset.done $0x0  }
0x87: {  	[sflag:s6] =	ssyncadd.s32 $0xFFFFFF80  }
0x88: {  	[tilespmem:s8], [sflag:$0x1] =	stream.indirect.gather [spmem:s1], $0x80, s2, s7, $0xb8;
	[tilespmem:$0x10420] =	vst v63  }
0x89: {  	s0 =	rddreg [dreg:$0x6]  }
0x8a: {  	[tilespmem:s7], [sflag:$0x5] =	stream.linear.gather [hbm4b:s0+s2], $0x80, $0x38;
	[tilespmem:$0x10420] =	vst v63  }
0x8b: {  	_ =	swait.ge [sflag:s6], $0x80  }
0x8c: {  	[sflag:s6] =	ssyncset.done $0x0  }
0x8d: {  	[sflag:s6] =	ssyncadd.s32 $0xFFFFFF80  }
0x8e: {  	[tilespmem:s9], [sflag:$0x2] =	stream.indirect.gather [spmem:s1], $0x80, s7, s7, $0xb8;
	[tilespmem:$0x10420] =	vst v63  }
0x8f: {  	_ =	swait.ge [sflag:s10], $0x4000  }
0x90: {  	[sflag:s10] =	ssyncset.done $0x0  }
0x91: {  	[sflag:s10] =	ssyncadd.s32 $0xFFFFC000  }
0x92: {  	[hbm4b:s12+s2] =	stream.linear.scatter [tilespmem:s8], [sflag:$0x3], $0x4000, $0x38;
	[tilespmem:$0x10420] =	vst v63  }
0x93: {  	_ =	swait.ge [sflag:s11], $0x4000  }
0x94: {  	[sflag:s11] =	ssyncset.done $0x0  }
0x95: {  	[sflag:s11] =	ssyncadd.s32 $0xFFFFC000  }
0x96: {  	[tilespmem:s2], [sflag:$0x5] =	stream.linear.gather [hbm4b:s13+s2], $0x80, $0x38;
	[tilespmem:$0x10420] =	vst v63  }
0x97: {  	_ =	swait.ge [sflag:s6], $0x80  }
0x98: {  	[sflag:s6] =	ssyncset.done $0x0  }
0x99: {  	[sflag:s6] =	ssyncadd.s32 $0xFFFFFF80  }
0x9a: {  	[tilespmem:s8], [sflag:$0x1] =	stream.indirect.gather [spmem:s1], $0x80, s2, s7, $0xb8;
	[tilespmem:$0x10420] =	vst v63  }
0x9b: {  	_ =	swait.ge [sflag:s14], $0x4000  }
0x9c: {  	[sflag:s14] =	ssyncset.done $0x0  }
0x9d: {  	[sflag:s14] =	ssyncadd.s32 $0xFFFFC000  }
0x9e: {  	[hbm4b:s15+s2] =	stream.linear.scatter [tilespmem:s9], [sflag:$0x4], $0x4000, $0x38;
	[tilespmem:$0x10420] =	vst v63  }
0x9f: {  	_ =	swait.ge [sflag:s16], $0x4000  }
0xa0: {  	[sflag:s16] =	ssyncset.done $0x0  }
0xa1: {  	[sflag:s16] =	ssyncadd.s32 $0xFFFFC000  }
0xa2: {  	[tilespmem:s7], [sflag:$0x5] =	stream.linear.gather [hbm4b:s17+s2], $0x80, $0x38;
	[tilespmem:$0x10420] =	vst v63  }
0xa3: {  	_ =	swait.ge [sflag:s6], $0x80  }
0xa4: {  	[sflag:s6] =	ssyncset.done $0x0  }
0xa5: {  	[sflag:s6] =	ssyncadd.s32 $0xFFFFFF80  }
0xa6: {  	[tilespmem:s9], [sflag:$0x2] =	stream.indirect.gather [spmem:s1], $0x80, s7, s7, $0xb8;
	[tilespmem:$0x10420] =	vst v63  }
0xa7: {  	_ =	swait.ge [sflag:s10], $0x4000  }
0xa8: {  	[sflag:s10] =	ssyncset.done $0x0  }
0xa9: {  	[sflag:s10] =	ssyncadd.s32 $0xFFFFC000  }
0xaa: {  	[hbm4b:s18+s2] =	stream.linear.scatter [tilespmem:s8], [sflag:$0x3], $0x4000, $0x38;
	[tilespmem:$0x10420] =	vst v63  }
0xab: {  	_ =	swait.ge [sflag:s11], $0x4000  }
0xac: {  	[sflag:s11] =	ssyncset.done $0x0  }
0xad: {  	[sflag:s11] =	ssyncadd.s32 $0xFFFFC000  }
0xae: {  	[tilespmem:s2], [sflag:$0x5] =	stream.linear.gather [hbm4b:s19+s2], $0x80, $0x38;
	[tilespmem:$0x10420] =	vst v63  }
0xaf: {  	_ =	swait.ge [sflag:s6], $0x80  }
0xb0: {  	[sflag:s6] =	ssyncset.done $0x0  }
0xb1: {  	[sflag:s6] =	ssyncadd.s32 $0xFFFFFF80  }
0xb2: {  	[tilespmem:s8], [sflag:$0x1] =	stream.indirect.gather [spmem:s1], $0x80, s2, s7, $0xb8;
	[tilespmem:$0x10420] =	vst v63  }
0xb3: {  	_ =	swait.ge [sflag:s14], $0x4000  }
0xb4: {  	[sflag:s14] =	ssyncset.done $0x0  }
0xb5: {  	[sflag:s14] =	ssyncadd.s32 $0xFFFFC000  }
0xb6: {  	[hbm4b:s20+s2] =	stream.linear.scatter [tilespmem:s9], [sflag:$0x4], $0x4000, $0x38;
	[tilespmem:$0x10420] =	vst v63  }
0xb7: {  	_ =	swait.ge [sflag:s16], $0x4000  }
0xb8: {  	[sflag:s16] =	ssyncset.done $0x0  }
0xb9: {  	[sflag:s16] =	ssyncadd.s32 $0xFFFFC000  }
0xba: {  	[tilespmem:s7], [sflag:$0x5] =	stream.linear.gather [hbm4b:s21+s2], $0x80, $0x38;
	[tilespmem:$0x10420] =	vst v63  }
0xbb: {  	_ =	swait.ge [sflag:s6], $0x80  }
0xbc: {  	[sflag:s6] =	ssyncset.done $0x0  }
0xbd: {  	[sflag:s6] =	ssyncadd.s32 $0xFFFFFF80  }
0xbe: {  	[tilespmem:s9], [sflag:$0x2] =	stream.indirect.gather [spmem:s1], $0x80, s7, s7, $0xb8;
	[tilespmem:$0x10420] =	vst v63  }
0xbf: {  	_ =	swait.ge [sflag:s10], $0x4000  }
0xc0: {  	[sflag:s10] =	ssyncset.done $0x0  }
0xc1: {  	[sflag:s10] =	ssyncadd.s32 $0xFFFFC000  }
0xc2: {  	[hbm4b:s22+s2] =	stream.linear.scatter [tilespmem:s8], [sflag:$0x3], $0x4000, $0x38;
	[tilespmem:$0x10420] =	vst v63  }
0xc3: {  	_ =	swait.ge [sflag:s11], $0x4000  }
0xc4: {  	[sflag:s11] =	ssyncset.done $0x0  }
0xc5: {  	[sflag:s11] =	ssyncadd.s32 $0xFFFFC000  }
0xc6: {  	[tilespmem:s2], [sflag:$0x5] =	stream.linear.gather [hbm4b:s23+s2], $0x80, $0x38;
	[tilespmem:$0x10420] =	vst v63  }
0xc7: {  	_ =	swait.ge [sflag:s6], $0x80  }
0xc8: {  	[sflag:s6] =	ssyncset.done $0x0  }
0xc9: {  	[sflag:s6] =	ssyncadd.s32 $0xFFFFFF80  }
0xca: {  	[tilespmem:s8], [sflag:$0x1] =	stream.indirect.gather [spmem:s1], $0x80, s2, s7, $0xb8;
	[tilespmem:$0x10420] =	vst v63  }
0xcb: {  	_ =	swait.ge [sflag:s14], $0x4000  }
0xcc: {  	[sflag:s14] =	ssyncset.done $0x0  }
0xcd: {  	[sflag:s14] =	ssyncadd.s32 $0xFFFFC000  }
0xce: {  	[hbm4b:s24+s2] =	stream.linear.scatter [tilespmem:s9], [sflag:$0x4], $0x4000, $0x38;
	[tilespmem:$0x10420] =	vst v63  }
0xcf: {  	_ =	swait.ge [sflag:s16], $0x4000  }
0xd0: {  	[sflag:s16] =	ssyncset.done $0x0  }
0xd1: {  	[sflag:s16] =	ssyncadd.s32 $0xFFFFC000  }
0xd2: {  	[tilespmem:s7], [sflag:$0x5] =	stream.linear.gather [hbm4b:s25+s2], $0x80, $0x38;
	[tilespmem:$0x10420] =	vst v63  }
0xd3: {  	_ =	swait.ge [sflag:s6], $0x80  }
0xd4: {  	[sflag:s6] =	ssyncset.done $0x0  }
0xd5: {  	[sflag:s6] =	ssyncadd.s32 $0xFFFFFF80  }
0xd6: {  	[tilespmem:s9], [sflag:$0x2] =	stream.indirect.gather [spmem:s1], $0x80, s7, s7, $0xb8;
	[tilespmem:$0x10420] =	vst v63  }
0xd7: {  	_ =	swait.ge [sflag:s10], $0x4000  }
0xd8: {  	[sflag:s10] =	ssyncset.done $0x0  }
0xd9: {  	[sflag:s10] =	ssyncadd.s32 $0xFFFFC000  }
0xda: {  	[hbm4b:s26+s2] =	stream.linear.scatter [tilespmem:s8], [sflag:$0x3], $0x4000, $0x38;
	[tilespmem:$0x10420] =	vst v63  }
0xdb: {  	_ =	swait.ge [sflag:s11], $0x4000  }
0xdc: {  	[sflag:s11] =	ssyncset.done $0x0  }
0xdd: {  	[sflag:s11] =	ssyncadd.s32 $0xFFFFC000  }
0xde: {  	[tilespmem:s2], [sflag:$0x5] =	stream.linear.gather [hbm4b:s28+s2], $0x80, $0x38;
	[tilespmem:$0x10420] =	vst v63  }
0xdf: {  	_ =	swait.ge [sflag:s6], $0x80  }
0xe0: {  	[sflag:s6] =	ssyncset.done $0x0  }
0xe1: {  	[sflag:s6] =	ssyncadd.s32 $0xFFFFFF80  }
0xe2: {  	[tilespmem:s8], [sflag:$0x1] =	stream.indirect.gather [spmem:s1], $0x80, s2, s7, $0xb8;
	[tilespmem:$0x10420] =	vst v63  }
0xe3: {  	_ =	swait.ge [sflag:s14], $0x4000  }
0xe4: {  	[sflag:s14] =	ssyncset.done $0x0  }
0xe5: {  	[sflag:s14] =	ssyncadd.s32 $0xFFFFC000  }
0xe6: {  	[hbm4b:s29+s2] =	stream.linear.scatter [tilespmem:s9], [sflag:$0x4], $0x4000, $0x38;
	[tilespmem:$0x10420] =	vst v63  }
0xe7: {  	_ =	swait.ge [sflag:s10], $0x4000  }
0xe8: {  	s31 =	sadd.s32 $0xFFFFFFFF, s31;
	[sflag:s10] =	ssyncset.done $0x0  }
0xe9: {  	p1 =	sne.s32 s31, $0x0;
	[sflag:s10] =	ssyncadd.s32 $0xFFFFC000  }
0xea: {  	[hbm4b:s30+s2] =	stream.linear.scatter [tilespmem:s8], [sflag:$0x3], $0x4000, $0x38;
	[tilespmem:$0x10420] =	vst v63  }
.Ltmp1:
0xeb: {  	_ =	swait.ge [sflag:s16], $0x4000;
	(pc) =	sbr.rel @p1 .LBB2_1-.Ltmp1, $4  }
0xec: {  	[sflag:s16] =	ssyncset.done $0x0  }
0xed: {  	[sflag:s16] =	ssyncadd.s32 $0xFFFFC000  }
0xee: {  	_ =	swait.ge [sflag:s11], $0x4000  }
0xef: {  	[sflag:s11] =	ssyncset.done $0x0  }
.LBB2_2:
0xf0: {  	[sflag:s11] =	ssyncadd.s32 $0xFFFFC000  }
0xf1: {  	_ =	sfence.sel $0x180000  }
0xf2: {  	[bflag:$0x0] =	sbarrier.arrive $0xFFFF  }
0xf3: {  	_ =	strace $0x9000004A  }
0xf4: {  	[bflag:$0x2] =	sbarrier.arrive $0xFFFF  }
0xf5: {  	s0 =	rddreg [dreg:$0x3]  }
0xf6: {  	s0 =	sadd.s32 @!p0 $0x100000, s0  }
0xf7: {  	[sflag:s0] =	ssyncadd.tile.s32 @!p0 $0x1;
	_ =	shalt  }
.Lfunc_end2:
_tile_overlayer_lowered:
.L_overlay_start_2:
0xf8: {  	(tag) =	ssettag $0x2  }
0xf9: {  	s0 =	rddreg [dreg:$0x0];
	s2 =	stileid.u32  }
0xfa: {  	s1 =	rddreg [dreg:$0x1];
	p0 =	sne.s32 s2, $0x0  }
0xfb: {  	s3 =	rddreg [dreg:$0x2];
	[bflag:$0x3] =	sbarrier.arrive $0xFFFF;
	s2 =	simm.s32 @!p0 $0x1C05  }
0xfc: {  	[timem:s3], [sflag:s2] =	dma.local @!p0 [hbm:s0], s1  }
0xfd: {  	s0 =	simm.s32 @!p0 $0x5  }
0xfe: {  	_ =	swait.ge @!p0 [sflag:s0], s1  }
0xff: {  	s1 =	ssub.s32 @!p0 $0x0, s1;
	[sflag:s0] =	ssyncset.done @!p0 $0x0  }
0x100: {  	[sflag:s0] =	ssyncadd.s32 @!p0 s1  }
0x101: {  	[bflag:$0x3] =	sbarrier.arrive $0xFFFF  }
0x102: {  	_ =	shalt  }

// kernel: kernel.14.cloned.1.call-start
scs
__scs_entry_jumppad:
0x0: {  	(pc) =	sbr.rel $0x88, $3  }
0x1: {  	(tag) =	ssettag $0x0;
	lr =	simm.s32 $0x1  }
0x2: {  	[smem:$0x3F96] =	sst lr;
	_ =	strace $0xD0000000  }
0x3: {  	_ = 	snop  }
0x4: {  	_ = 	snop  }
0x5: {  	_ = 	snop  }
0x6: {  	_ = 	snop  }
0x7: {  	_ = 	snop  }
__scs_overlays_trampoline_lowered:
0x8: {  	[smem:$0x3FA5] =	sst s0  }
0x9: {  	[smem:$0x3FA6] =	sst s1  }
0xa: {  	[smem:$0x3FA7] =	sst s2  }
0xb: {  	[smem:$0x3FA8] =	sst s3  }
0xc: {  	[smem:$0x3FA9] =	sst s4  }
0xd: {  	[smem:$0x3FAA] =	sst s5  }
0xe: {  	[smem:$0x3FAB] =	sst s6  }
0xf: {  	[smem:$0x3FAC] =	sst s7  }
0x10: {  	[smem:$0x3FAD] =	sst s8  }
0x11: {  	[smem:$0x3FAE] =	sst s9;
	s0 =	simm.s32 @!p0 $0x0  }
0x12: {  	s1 =	sld [smem:$0x3F94];
	s0 =	simm.s32 @p0 $0x1  }
0x13: {  	[smem:$0x3FAF] =	sst s0;
	s0 =	simm.s32 @!p1 $0x0  }
0x14: {  	s2 =	sld [smem:$0x3F93];
	s0 =	simm.s32 @p1 $0x1  }
0x15: {  	[smem:$0x3FB0] =	sst s0;
	s0 =	simm.s32 @!p2 $0x0  }
0x16: {  	s3 =	sld [smem:$0x3FDB];
	s0 =	simm.s32 @p2 $0x1  }
0x17: {  	s4 =	simm.s32 $0x1BF5;
	[smem:$0x3FB2] =	sst s0  }
0x18: {  	s0 =	sld [smem:$0x3F95];
	_ =	swait.ge [sflag:s4], $0x0  }
0x19: {  	s7 =	sld [smem:$0x3F96]  }
0x1a: {  	s8 =	sadd.s32 $0xFFFFE003, lr  }
0x1b: {  	s9 =	sadd.s32 $0xFFFFFEF7, lr;
	s5 =	simm.s32 $0xFFFFFFFF;
	p2 =	slt.u32 s8, $0xFFFFF086  }
0x1c: {  	p1 =	slt.u32 s9, $0xF7A;
	s5 =	simm.s32 @!p2 $0x0  }
0x1d: {  	s5 =	simm.s32 @p1 $0x1;
	p0 =	seq.s32 s7, s2  }
0x1e: {  	s7 =	smul.u32 @!p0 $0xF7A, s2;
	p2 =	seq.s32 @!p0 s5, $0x0  }
0x1f: {  	s9 =	smul.u32 $0xF7A, s1;
	s8 =	simm.s32 @!p0 $0x1BF5;
	p2 =	por !p2, p0  }
0x20: {  	[sflag:s8] =	ssyncset.s32 @!p0 $0xFFFFF086;
	s6 =	sadd.s32 @!p0 s3, s7;
	s7 =	simm.s32 @!p0 $0x108  }
0x21: {  	s3 =	sadd.s32 s3, s9;
	s6 =	sadd.s32 @!p0 $0x88, s6;
	s7 =	simm.s32 @p2 $0x1082  }
0x22: {  	[simem:s7], [sflag:s8] =	dma.local @!p0 [hbm:s6], $0xF7A  }
0x23: {  	s9 =	sor.u32 $0xD0000000, s2;
	s6 =	simm.s32 $0x108;
	_ =	swait.ge @!p0 [sflag:s8], $0x0  }
0x24: {  	s3 =	sadd.s32 $0x88, s3;
	s6 =	simm.s32 @!p1 $0x1082;
	[sflag:s4] =	ssyncset.s32 $0xFFFFF086  }
0x25: {  	[simem:s6], [sflag:s4] =	dma.local [hbm:s3], $0xF7A  }
0x26: {  	[smem:$0x3F96] =	sst s1;
	(tag) =	ssettag s2;
	_ =	strace s9  }
0x27: {  	s1 =	sld [smem:$0x3FA6]  }
0x28: {  	s2 =	sld [smem:$0x3FA7]  }
0x29: {  	s4 =	sld [smem:$0x3FA9]  }
0x2a: {  	p0 =	seq.s32 s5, $0x0;
	s5 =	sld [smem:$0x3FAA]  }
0x2b: {  	s6 =	sld [smem:$0x3FAB]  }
0x2c: {  	s7 =	sld [smem:$0x3FAC]  }
0x2d: {  	s3 =	simm.s32 $0x108;
	s8 =	sld [smem:$0x3FAD]  }
0x2e: {  	s3 =	simm.s32 @!p0 $0x1082;
	s9 =	sld [smem:$0x3FAE]  }
0x2f: {  	lr =	sadd.s32 s0, s3;
	s0 =	sld [smem:$0x3FA5]  }
0x30: {  	s3 =	sld [smem:$0x3FA8]  }
0x31: {  	[smem:$0x3FB1] =	sst s10  }
0x32: {  	s10 =	sld [smem:$0x3FAF];
	_ =	sdelay $0x3  }
0x33: {  	p0 =	seq.s32 s10, $0x1;
	s10 =	sld [smem:$0x3FB1];
	_ =	sdelay $0x3  }
0x34: {  	[smem:$0x3FB1] =	sst s10  }
0x35: {  	s10 =	sld [smem:$0x3FB0];
	_ =	sdelay $0x3  }
0x36: {  	p1 =	seq.s32 s10, $0x1;
	s10 =	sld [smem:$0x3FB1];
	_ =	sdelay $0x3  }
0x37: {  	[smem:$0x3FB1] =	sst s10  }
0x38: {  	s10 =	sld [smem:$0x3FB2]  }
0x39: {  	_ = 	snop;
	(pc) =	sbr.ind lr, $3  }
0x3a: {  	_ = 	snop  }
0x3b: {  	_ = 	snop  }
0x3c: {  	p2 =	seq.s32 s10, $0x1;
	s10 =	sld [smem:$0x3FB1]  }
0x3d: {  	_ =	shalt  }
0x3e: {  	_ =	shalt  }
0x3f: {  	_ =	shalt  }
0x40: {  	_ =	shalt  }
0x41: {  	_ =	shalt  }
0x42: {  	_ =	shalt  }
0x43: {  	_ =	shalt  }
0x44: {  	_ =	shalt  }
0x45: {  	_ =	shalt  }
0x46: {  	_ =	shalt  }
0x47: {  	_ =	shalt  }
0x48: {  	_ =	shalt  }
0x49: {  	_ =	shalt  }
0x4a: {  	_ =	shalt  }
0x4b: {  	_ =	shalt  }
0x4c: {  	_ =	shalt  }
0x4d: {  	_ =	shalt  }
0x4e: {  	_ =	shalt  }
0x4f: {  	_ =	shalt  }
0x50: {  	_ =	shalt  }
0x51: {  	_ =	shalt  }
0x52: {  	_ =	shalt  }
0x53: {  	_ =	shalt  }
0x54: {  	_ =	shalt  }
0x55: {  	_ =	shalt  }
0x56: {  	_ =	shalt  }
0x57: {  	_ =	shalt  }
0x58: {  	_ =	shalt  }
0x59: {  	_ =	shalt  }
0x5a: {  	_ =	shalt  }
0x5b: {  	_ =	shalt  }
0x5c: {  	_ =	shalt  }
0x5d: {  	_ =	shalt  }
0x5e: {  	_ =	shalt  }
0x5f: {  	_ =	shalt  }
0x60: {  	_ =	shalt  }
0x61: {  	_ =	shalt  }
0x62: {  	_ =	shalt  }
0x63: {  	_ =	shalt  }
0x64: {  	_ =	shalt  }
0x65: {  	_ =	shalt  }
0x66: {  	_ =	shalt  }
0x67: {  	_ =	shalt  }
0x68: {  	_ =	shalt  }
0x69: {  	_ =	shalt  }
0x6a: {  	_ =	shalt  }
0x6b: {  	_ =	shalt  }
0x6c: {  	_ =	shalt  }
0x6d: {  	_ =	shalt  }
0x6e: {  	_ =	shalt  }
0x6f: {  	_ =	shalt  }
0x70: {  	_ =	shalt  }
0x71: {  	_ =	shalt  }
0x72: {  	_ =	shalt  }
0x73: {  	_ =	shalt  }
0x74: {  	_ =	shalt  }
0x75: {  	_ =	shalt  }
0x76: {  	_ =	shalt  }
0x77: {  	_ =	shalt  }
0x78: {  	_ =	shalt  }
0x79: {  	_ =	shalt  }
0x7a: {  	_ =	shalt  }
0x7b: {  	_ =	shalt  }
0x7c: {  	_ =	shalt  }
0x7d: {  	_ =	shalt  }
0x7e: {  	_ =	shalt  }
0x7f: {  	_ =	shalt  }
0x80: {  	_ =	shalt  }
0x81: {  	_ =	shalt  }
0x82: {  	_ =	shalt  }
0x83: {  	_ =	shalt  }
0x84: {  	_ =	shalt  }
0x85: {  	_ =	shalt  }
0x86: {  	_ =	shalt  }
0x87: {  	_ =	shalt  }
.Lfunc_end0:
.L_simem_size_0:
called_computation.2_lowered:
.L_overlay_start_0:
0x88: {  	s2 =	sld [smem:$0x3FD9]  }
0x89: {  	s3 =	sld [smem:$0x3FFE];
	_ =	sdelay $0x1  }
0x8a: {  	s1 =	srdreg.scid  }
0x8b: {  	s0 =	sand.u32 $0x1, s1  }
0x8c: {  	s17 =	sshll.u32 s0, $0xA;
	s2 =	sadd.s32 s3, s2  }
0x8d: {  	s2 =	sadd.s32 s2, s17  }
0x8e: {  	[smem:$0x3FBD] =	sst s2  }
0x8f: {  	_ = 	snop  }
0x90: {  	s18 =	sld [smem:$0x3FC5];
	(tm) =	ssettm $0x1  }
0x91: {  	s19 =	sld [smem:$0x3FFB];
	_ =	sdelay $0x3  }
0x92: {  	_ =	strace s19  }
0x93: {  	s2 =	sld [smem:$0x3FFC];
	_ =	sdelay $0x3  }
0x94: {  	_ =	strace s2  }
0x95: {  	s2 =	sld [smem:$0x3FFD];
	_ =	sdelay $0x3  }
0x96: {  	_ =	strace s2  }
0x97: {  	_ =	strace $0x8FFFFFFF  }
0x98: {  	s20 =	sld [smem:$0x3FDB];
	_ =	sdelay $0x1  }
0x99: {  	s4 =	simm.s32 $_scs_section_size  }
0x9a: {  	s5 =	simm.s32 $_size__tile_overlayer_lowered;
	s6 =	simm.s32 $_tile_overlayer_lowered  }
0x9b: {  	s7 =	simm.s32 $0x1BFF;
	s21 =	sshll.u32 s6, $0x1;
	s4 =	sadd.s32 s4, s20  }
0x9c: {  	s22 =	simm.s32 $0x0;
	s5 =	sshll.u32 s5, $0x1;
	s6 =	sadd.s32 s21, s4  }
0x9d: {  	[timem:s22], [sflag:s7] =	dma.local [hbm:s6], s5  }
0x9e: {  	_ =	swait.ge [sflag:s7], s5  }
0x9f: {  	s5 =	ssub.s32 $0x0, s5;
	[sflag:s7] =	ssyncset.done $0x0  }
0xa0: {  	[sflag:s7] =	ssyncadd.s32 s5;
	_ =	sdelay $0x1  }
0xa1: {  	s23 =	simm.s32 $0x1B8B  }
0xa2: {  	_ =	swait.ge [sflag:s23], $0x1  }
0xa3: {  	[sflag:s23] =	ssyncset.done $0x0  }
0xa4: {  	[sflag:s23] =	ssyncadd.s32 $0xFFFFFFFF  }
0xa5: {  	s5 =	sld [smem:$0x0]  }
0xa6: {  	s6 =	sand.u32 $0xFFFFFFFE, s1  }
0xa7: {  	p0 =	sne.s32 s1, s6  }
0xa8: {  	s6 =	sshll.u32 @p0 s6, $0xE  }
0xa9: {  	s6 =	sadd.s32 @p0 $0x11B8D, s6;
	s7 =	sshll.u32 @p0 s5, $0x11  }
0xaa: {  	s6 =	sor.u32 @p0 s7, s6  }
0xab: {  	[sflag:s6] =	ssyncadd.remote.s32 @p0 $0x1;
	_ =	sdelay $0x1  }
0xac: {  	s6 =	simm.s32 @p0 $0x1B8D  }
0xad: {  	_ =	swait.eq @p0 [sflag:s6], $0x1  }
0xae: {  	[sflag:s6] =	ssyncadd.s32 @p0 $0xFFFFFFFF  }
0xaf: {  	s7 =	sshll.u32 @!p0 s1, $0xE  }
0xb0: {  	s7 =	sor.u32 @!p0 $0x4000, s7;
	s6 =	simm.s32 @!p0 $0x1B8D  }
0xb1: {  	s5 =	sshll.u32 @!p0 s5, $0x11;
	s7 =	sadd.s32 @!p0 $0x11B8D, s7;
	_ =	swait.eq @!p0 [sflag:s6], $0x1  }
0xb2: {  	s5 =	sor.u32 @!p0 s5, s7;
	[sflag:s6] =	ssyncadd.s32 @!p0 $0xFFFFFFFF  }
0xb3: {  	s25 =	simm.s32 $0x1B8E;
	s24 =	sld [smem:$0x3FFE];
	[sflag:s5] =	ssyncadd.remote.s32 @!p0 $0x1  }
0xb4: {  	s26 =	simm.s32 $execute0_lowered;
	[smem:$0x3FD2] =	sst s25  }
0xb5: {  	s6 =	sshll.u32 s26, $0x1;
	_ =	strace $0x8000004C;
	[dreg:$0x1] =	wrdreg $0xFFFFFFFF  }
0xb6: {  	s28 =	simm.s32 $_size_execute0_lowered;
	s4 =	sadd.s32 s4, s6;
	[dreg:$0x0] =	wrdreg $0x0  }
0xb7: {  	s6 =	sshll.u32 s28, $0x1;
	[dreg:$0x2] =	wrdreg s4  }
0xb8: {  	[dreg:$0x3] =	wrdreg s6  }
0xb9: {  	[dreg:$0x4] =	wrdreg $0xC0  }
0xba: {  	_ =	task [dreg:s22], $0x5FFFF  }
0xbb: {  	[dreg:$0x1] =	wrdreg $0xFFFFFFFF  }
0xbc: {  	[dreg:$0x0] =	wrdreg $0x60  }
0xbd: {  	[dreg:$0x2] =	wrdreg s24  }
0xbe: {  	[dreg:$0x3] =	wrdreg s18  }
0xbf: {  	[dreg:$0x4] =	wrdreg $0x81000  }
0xc0: {  	[dreg:$0x5] =	wrdreg $0xB  }
0xc1: {  	_ =	task.clear_ibuf [dreg:s22], $0x6FFFF;
	_ =	strace $0x9000004C  }
0xc2: {  	s29 =	simm.s32 $0xB;
	_ =	strace $0x8000004E  }
0xc3: {  	_ =	swait.ge [sflag:s29], $0x1  }
0xc4: {  	[sflag:s29] =	ssyncadd.s32 $0xFFFFFFFF  }
0xc5: {  	_ =	strace $0x9000004E  }
0xc6: {  	_ =	sfence  }
0xc7: {  	s30 =	sld [smem:$0x0];
	_ =	sdelay $0x2  }
0xc8: {  	s31 =	sshll.u32 s1, $0xD;
	s1 =	sshrl.u32 s1, $0x2  }
0xc9: {  	s4 =	sand.u32 $0x4000, s31;
	s1 =	sadd.s32 s1, s30  }
0xca: {  	s0 =	sor.u32 s4, s0;
	s1 =	sshll.u32 s1, $0x11  }
0xcb: {  	s0 =	sor.u32 s1, s0  }
0xcc: {  	s0 =	sadd.s32 $0x8F2B, s0  }
0xcd: {  	[sflag:s0] =	ssyncadd.remote.s32 $0x1  }
0xce: {  	_ =	sfence.sel $0xFFFF  }
0xcf: {  	[dreg:$0x0] =	wrdreg $0xFFFFFFFF;
	(pc) =	sbr.abs _section_cstart, $3  }
0xd0: {  	[dreg:$0x1] =	wrdreg $0xFFFFFFFF  }
0xd1: {  	_ =	task.clear_ibuf [dreg:s22], $0x2FFFF;
	_ =	strace $0x9FFFFFFF  }
0xd2: {  	(tm) =	ssettm $0x7FFFFFFF  }
0xd3: {  	_ =	shalt  }
tec
execute0_lowered:
.L_overlay_start_1:
0x0: {  	(tag) =	ssettag $0x1  }
0x1: {  	s0 =	srdreg.scid;
	s4 =	stileid.u32  }
0x2: {  	s3 =	rddreg [dreg:$0x0];
	s30 =	sand.u32 $0x1, s0;
	s23 =	sshll.u32 s4, $0x1  }
0x3: {  	s1 =	rddreg [dreg:$0x1];
	s16 =	sor.u32 s30, s23  }
0x4: {  	[dreg:$0x4] =	wrdreg s1;
	s5 =	smul.u32 $0x500, s16  }
0x5: {  	s2 =	simm.s32 $0x0;
	s1 =	rddreg [dreg:$0x2]  }
0x6: {  	[smem:$0x7FF] =	sst s2;
	s5 =	sshrl.u32 s5, $0x3  }
0x7: {  	s17 =	sadd.s32 $0x95600, s3;
	_ =	strace $0x8000004D;
	s28 =	sadd.s32 s5, s3  }
0x8: {  	s6 =	smul.u32 $0x5000, s16;
	s7 =	rddreg [dreg:$0x4];
	s5 =	sadd.s32 $0x4200, s28  }
0x9: {  	p0 =	sne.s32 s4, $0x0;
	s24 =	sadd.s32 $0x4210, s28;
	[dreg:$0x5] =	wrdreg s5  }
0xa: {  	s3 =	sadd.s32 s17, s6;
	s25 =	sadd.s32 $0x4220, s28;
	[dreg:$0x6] =	wrdreg s24  }
0xb: {  	s4 =	sshrl.u32 @!p0 s1, $0x3;
	s26 =	sadd.s32 $0x800, s3;
	[dreg:$0x7] =	wrdreg s25  }
0xc: {  	s6 =	simm.s32 @!p0 $0x5;
	[dreg:$0x8] =	wrdreg s26;
	s5 =	simm.s32 @!p0 $0x1C05  }
0xd: {  	[spmem:s4], [sflag:s5] =	dma.local @!p0 [hbm:s7], $0x10640  }
0xe: {  	_ =	swait.ge @!p0 [sflag:s6], $0x10640  }
0xf: {  	[sflag:s6] =	ssyncset.done @!p0 $0x0  }
0x10: {  	[sflag:s6] =	ssyncadd.s32 @!p0 $0xFFFEF9C0  }
0x11: {  	[bflag:$0x0] =	sbarrier.arrive $0xFFFF  }
0x12: {  	s7 =	simm.s32 $0x5;
	s8 =	rddreg [dreg:$0x5]  }
0x13: {  	[tilespmem:s2], [sflag:$0x5] =	stream.linear.gather [hbm4b:s8+s2], $0x80, $0x38;
	[tilespmem:$0x10420] =	vst v63  }
0x14: {  	_ =	swait.ge [sflag:s7], $0x80  }
0x15: {  	[sflag:s7] =	ssyncset.done $0x0  }
0x16: {  	s9 =	simm.s32 $0x100;
	s8 =	simm.s32 $0x80;
	[sflag:s7] =	ssyncadd.s32 $0xFFFFFF80  }
0x17: {  	[tilespmem:s9], [sflag:$0x1] =	stream.indirect.gather [spmem:s1], $0x80, s2, s8, $0xb8;
	[tilespmem:$0x10420] =	vst v63  }
0x18: {  	s10 =	rddreg [dreg:$0x6]  }
0x19: {  	[tilespmem:s8], [sflag:$0x5] =	stream.linear.gather [hbm4b:s10+s2], $0x80, $0x38;
	[tilespmem:$0x10420] =	vst v63  }
0x1a: {  	_ =	swait.ge [sflag:s7], $0x80  }
0x1b: {  	[sflag:s7] =	ssyncset.done $0x0  }
0x1c: {  	s11 =	simm.s32 $0x1;
	s10 =	simm.s32 $0x4100;
	[sflag:s7] =	ssyncadd.s32 $0xFFFFFF80  }
0x1d: {  	[tilespmem:s10], [sflag:$0x2] =	stream.indirect.gather [spmem:s1], $0x80, s8, s8, $0xb8;
	[tilespmem:$0x10420] =	vst v63  }
0x1e: {  	_ =	swait.ge [sflag:s11], $0x4000  }
0x1f: {  	[sflag:s11] =	ssyncset.done $0x0  }
0x20: {  	s12 =	simm.s32 $0x3;
	[sflag:s11] =	ssyncadd.s32 $0xFFFFC000  }
0x21: {  	[hbm4b:s3+s2] =	stream.linear.scatter [tilespmem:s9], [sflag:$0x3], $0x4000, $0x38;
	[tilespmem:$0x10420] =	vst v63  }
0x22: {  	_ =	swait.ge [sflag:s12], $0x4000  }
0x23: {  	[sflag:s12] =	ssyncset.done $0x0  }
0x24: {  	s13 =	rddreg [dreg:$0x7];
	[sflag:s12] =	ssyncadd.s32 $0xFFFFC000  }
0x25: {  	[tilespmem:s2], [sflag:$0x5] =	stream.linear.gather [hbm4b:s13+s2], $0x80, $0x38;
	[tilespmem:$0x10420] =	vst v63  }
0x26: {  	_ =	swait.ge [sflag:s7], $0x80  }
0x27: {  	[sflag:s7] =	ssyncset.done $0x0  }
0x28: {  	s13 =	simm.s32 $0x2;
	[sflag:s7] =	ssyncadd.s32 $0xFFFFFF80  }
0x29: {  	[tilespmem:s9], [sflag:$0x1] =	stream.indirect.gather [spmem:s1], $0x80, s2, s8, $0xb8;
	[tilespmem:$0x10420] =	vst v63  }
0x2a: {  	_ =	swait.ge [sflag:s13], $0x4000  }
0x2b: {  	[sflag:s13] =	ssyncset.done $0x0  }
0x2c: {  	s14 =	simm.s32 $0x4;
	s15 =	rddreg [dreg:$0x8];
	[sflag:s13] =	ssyncadd.s32 $0xFFFFC000  }
0x2d: {  	[hbm4b:s15+s2] =	stream.linear.scatter [tilespmem:s10], [sflag:$0x4], $0x4000, $0x38;
	[tilespmem:$0x10420] =	vst v63  }
0x2e: {  	_ =	swait.ge [sflag:s14], $0x4000  }
0x2f: {  	[sflag:s14] =	ssyncset.done $0x0  }
0x30: {  	s15 =	sadd.s32 $0x4230, s28;
	[sflag:s14] =	ssyncadd.s32 $0xFFFFC000  }
0x31: {  	[tilespmem:s8], [sflag:$0x5] =	stream.linear.gather [hbm4b:s15+s2], $0x80, $0x38;
	[tilespmem:$0x10420] =	vst v63  }
0x32: {  	_ =	swait.ge [sflag:s7], $0x80  }
0x33: {  	[sflag:s7] =	ssyncset.done $0x0  }
0x34: {  	s16 =	smul.u32 $0x28000, s16;
	[sflag:s7] =	ssyncadd.s32 $0xFFFFFF80  }
0x35: {  	[tilespmem:s10], [sflag:$0x2] =	stream.indirect.gather [spmem:s1], $0x80, s8, s8, $0xb8;
	[tilespmem:$0x10420] =	vst v63  }
0x36: {  	s16 =	sshrl.u32 s16, $0x3;
	_ =	swait.ge [sflag:s11], $0x4000  }
0x37: {  	s31 =	sadd.s32 s17, s16;
	[sflag:s11] =	ssyncset.done $0x0  }
0x38: {  	s16 =	sadd.s32 $0x1000, s31;
	[sflag:s11] =	ssyncadd.s32 $0xFFFFC000  }
0x39: {  	[hbm4b:s16+s2] =	stream.linear.scatter [tilespmem:s9], [sflag:$0x3], $0x4000, $0x38;
	[tilespmem:$0x10420] =	vst v63  }
0x3a: {  	_ =	swait.ge [sflag:s12], $0x4000  }
0x3b: {  	[sflag:s12] =	ssyncset.done $0x0  }
0x3c: {  	s17 =	sadd.s32 $0x4240, s28;
	[sflag:s12] =	ssyncadd.s32 $0xFFFFC000  }
0x3d: {  	[tilespmem:s2], [sflag:$0x5] =	stream.linear.gather [hbm4b:s17+s2], $0x80, $0x38;
	[tilespmem:$0x10420] =	vst v63  }
0x3e: {  	_ =	swait.ge [sflag:s7], $0x80  }
0x3f: {  	[sflag:s7] =	ssyncset.done $0x0  }
0x40: {  	[sflag:s7] =	ssyncadd.s32 $0xFFFFFF80  }
0x41: {  	[tilespmem:s9], [sflag:$0x1] =	stream.indirect.gather [spmem:s1], $0x80, s2, s8, $0xb8;
	[tilespmem:$0x10420] =	vst v63  }
0x42: {  	_ =	swait.ge [sflag:s13], $0x4000  }
0x43: {  	[sflag:s13] =	ssyncset.done $0x0  }
0x44: {  	s18 =	sadd.s32 $0x1800, s31;
	[sflag:s13] =	ssyncadd.s32 $0xFFFFC000  }
0x45: {  	[hbm4b:s18+s2] =	stream.linear.scatter [tilespmem:s10], [sflag:$0x4], $0x4000, $0x38;
	[tilespmem:$0x10420] =	vst v63  }
0x46: {  	_ =	swait.ge [sflag:s14], $0x4000  }
0x47: {  	[sflag:s14] =	ssyncset.done $0x0  }
0x48: {  	s19 =	sadd.s32 $0x4250, s28;
	[sflag:s14] =	ssyncadd.s32 $0xFFFFC000  }
0x49: {  	[tilespmem:s8], [sflag:$0x5] =	stream.linear.gather [hbm4b:s19+s2], $0x80, $0x38;
	[tilespmem:$0x10420] =	vst v63  }
0x4a: {  	_ =	swait.ge [sflag:s7], $0x80  }
0x4b: {  	[sflag:s7] =	ssyncset.done $0x0  }
0x4c: {  	[sflag:s7] =	ssyncadd.s32 $0xFFFFFF80  }
0x4d: {  	[tilespmem:s10], [sflag:$0x2] =	stream.indirect.gather [spmem:s1], $0x80, s8, s8, $0xb8;
	[tilespmem:$0x10420] =	vst v63  }
0x4e: {  	_ =	swait.ge [sflag:s11], $0x4000  }
0x4f: {  	[sflag:s11] =	ssyncset.done $0x0  }
0x50: {  	s20 =	sadd.s32 $0x2000, s31;
	[sflag:s11] =	ssyncadd.s32 $0xFFFFC000  }
0x51: {  	[hbm4b:s20+s2] =	stream.linear.scatter [tilespmem:s9], [sflag:$0x3], $0x4000, $0x38;
	[tilespmem:$0x10420] =	vst v63  }
0x52: {  	_ =	swait.ge [sflag:s12], $0x4000  }
0x53: {  	[sflag:s12] =	ssyncset.done $0x0  }
0x54: {  	s21 =	sadd.s32 $0x4260, s28;
	[sflag:s12] =	ssyncadd.s32 $0xFFFFC000  }
0x55: {  	[tilespmem:s2], [sflag:$0x5] =	stream.linear.gather [hbm4b:s21+s2], $0x80, $0x38;
	[tilespmem:$0x10420] =	vst v63  }
0x56: {  	_ =	swait.ge [sflag:s7], $0x80  }
0x57: {  	[sflag:s7] =	ssyncset.done $0x0  }
0x58: {  	[sflag:s7] =	ssyncadd.s32 $0xFFFFFF80  }
0x59: {  	[tilespmem:s9], [sflag:$0x1] =	stream.indirect.gather [spmem:s1], $0x80, s2, s8, $0xb8;
	[tilespmem:$0x10420] =	vst v63  }
0x5a: {  	_ =	swait.ge [sflag:s13], $0x4000  }
0x5b: {  	[sflag:s13] =	ssyncset.done $0x0  }
0x5c: {  	s22 =	sadd.s32 $0x2800, s31;
	[sflag:s13] =	ssyncadd.s32 $0xFFFFC000  }
0x5d: {  	[hbm4b:s22+s2] =	stream.linear.scatter [tilespmem:s10], [sflag:$0x4], $0x4000, $0x38;
	[tilespmem:$0x10420] =	vst v63  }
0x5e: {  	_ =	swait.ge [sflag:s14], $0x4000  }
0x5f: {  	[sflag:s14] =	ssyncset.done $0x0  }
0x60: {  	s23 =	sadd.s32 $0x4270, s28;
	[sflag:s14] =	ssyncadd.s32 $0xFFFFC000  }
0x61: {  	[tilespmem:s8], [sflag:$0x5] =	stream.linear.gather [hbm4b:s23+s2], $0x80, $0x38;
	[tilespmem:$0x10420] =	vst v63  }
0x62: {  	_ =	swait.ge [sflag:s7], $0x80  }
0x63: {  	[sflag:s7] =	ssyncset.done $0x0  }
0x64: {  	[sflag:s7] =	ssyncadd.s32 $0xFFFFFF80  }
0x65: {  	[tilespmem:s10], [sflag:$0x2] =	stream.indirect.gather [spmem:s1], $0x80, s8, s8, $0xb8;
	[tilespmem:$0x10420] =	vst v63  }
0x66: {  	_ =	swait.ge [sflag:s11], $0x4000  }
0x67: {  	[sflag:s11] =	ssyncset.done $0x0  }
0x68: {  	s24 =	sadd.s32 $0x3000, s31;
	[sflag:s11] =	ssyncadd.s32 $0xFFFFC000  }
0x69: {  	[hbm4b:s24+s2] =	stream.linear.scatter [tilespmem:s9], [sflag:$0x3], $0x4000, $0x38;
	[tilespmem:$0x10420] =	vst v63  }
0x6a: {  	_ =	swait.ge [sflag:s12], $0x4000  }
0x6b: {  	[sflag:s12] =	ssyncset.done $0x0  }
0x6c: {  	s25 =	sadd.s32 $0x4280, s28;
	[sflag:s12] =	ssyncadd.s32 $0xFFFFC000  }
0x6d: {  	[tilespmem:s2], [sflag:$0x5] =	stream.linear.gather [hbm4b:s25+s2], $0x80, $0x38;
	[tilespmem:$0x10420] =	vst v63  }
0x6e: {  	_ =	swait.ge [sflag:s7], $0x80  }
0x6f: {  	[sflag:s7] =	ssyncset.done $0x0  }
0x70: {  	[sflag:s7] =	ssyncadd.s32 $0xFFFFFF80  }
0x71: {  	[tilespmem:s9], [sflag:$0x1] =	stream.indirect.gather [spmem:s1], $0x80, s2, s8, $0xb8;
	[tilespmem:$0x10420] =	vst v63  }
0x72: {  	_ =	swait.ge [sflag:s13], $0x4000  }
0x73: {  	[sflag:s13] =	ssyncset.done $0x0  }
0x74: {  	s26 =	sadd.s32 $0x3800, s31;
	[sflag:s13] =	ssyncadd.s32 $0xFFFFC000  }
0x75: {  	[hbm4b:s26+s2] =	stream.linear.scatter [tilespmem:s10], [sflag:$0x4], $0x4000, $0x38;
	[tilespmem:$0x10420] =	vst v63  }
0x76: {  	_ =	swait.ge [sflag:s14], $0x4000  }
0x77: {  	[sflag:s14] =	ssyncset.done $0x0  }
0x78: {  	s28 =	sadd.s32 $0x4290, s28;
	[sflag:s14] =	ssyncadd.s32 $0xFFFFC000  }
0x79: {  	[tilespmem:s8], [sflag:$0x5] =	stream.linear.gather [hbm4b:s28+s2], $0x80, $0x38;
	[tilespmem:$0x10420] =	vst v63  }
0x7a: {  	_ =	swait.ge [sflag:s7], $0x80  }
0x7b: {  	[sflag:s7] =	ssyncset.done $0x0  }
0x7c: {  	[sflag:s7] =	ssyncadd.s32 $0xFFFFFF80  }
0x7d: {  	[tilespmem:s10], [sflag:$0x2] =	stream.indirect.gather [spmem:s1], $0x80, s8, s8, $0xb8;
	[tilespmem:$0x10420] =	vst v63  }
0x7e: {  	s0 =	ssub.s32 $0x2, s30;
	s29 =	sadd.s32 $0x4000, s31;
	_ =	swait.ge [sflag:s11], $0x4000  }
0x7f: {  	s30 =	sadd.s32 $0x4800, s31;
	s31 =	sshrl.u32 s0, $0x1;
	[sflag:s11] =	ssyncset.done $0x0  }
0x80: {  	s0 =	ssub.s32 s0, s31;
	[sflag:s11] =	ssyncadd.s32 $0xFFFFC000  }
0x81: {  	[hbm4b:s29+s2] =	stream.linear.scatter [tilespmem:s9], [sflag:$0x3], $0x4000, $0x38;
	[tilespmem:$0x10420] =	vst v63  }
0x82: {  	s0 =	smax.u32 s0, $0x1;
	_ =	swait.ge [sflag:s13], $0x4000  }
0x83: {  	s31 =	sadd.s32 $0xFFFFFFFF, s0;
	[sflag:s13] =	ssyncset.done $0x0  }
0x84: {  	p1 =	sne.s32 s31, $0x0;
	[sflag:s13] =	ssyncadd.s32 $0xFFFFC000  }
0x85: {  	[hbm4b:s30+s2] =	stream.linear.scatter [tilespmem:s10], [sflag:$0x4], $0x4000, $0x38;
	[tilespmem:$0x10420] =	vst v63  }
.Ltmp0:
0x86: {  	_ =	swait.ge [sflag:s12], $0x4000;
	(pc) =	sbr.rel @!p1 .LBB2_2-.Ltmp0, $4  }
0x87: {  	[sflag:s12] =	ssyncset.done $0x0  }
0x88: {  	[sflag:s12] =	ssyncadd.s32 $0xFFFFC000  }
0x89: {  	_ =	swait.ge [sflag:s14], $0x4000  }
0x8a: {  	[sflag:s14] =	ssyncset.done $0x0  }
.LBB2_1:
0x8b: {  	s0 =	rddreg [dreg:$0x4];
	[sflag:s14] =	ssyncadd.s32 $0xFFFFC000  }
0x8c: {  	[spmem:s4], [sflag:s5] =	dma.local @!p0 [hbm:s0], $0x10640  }
0x8d: {  	_ =	swait.ge @!p0 [sflag:s6], $0x10640  }
0x8e: {  	[sflag:s6] =	ssyncset.done @!p0 $0x0  }
0x8f: {  	[sflag:s6] =	ssyncadd.s32 @!p0 $0xFFFEF9C0  }
0x90: {  	[bflag:$0x0] =	sbarrier.arrive $0xFFFF  }
0x91: {  	s0 =	rddreg [dreg:$0x5]  }
0x92: {  	[tilespmem:s2], [sflag:$0x5] =	stream.linear.gather [hbm4b:s0+s2], $0x80, $0x38;
	[tilespmem:$0x10420] =	vst v63  }
0x93: {  	_ =	swait.ge [sflag:s7], $0x80  }
0x94: {  	[sflag:s7] =	ssyncset.done $0x0  }
0x95: {  	[sflag:s7] =	ssyncadd.s32 $0xFFFFFF80  }
0x96: {  	[tilespmem:s9], [sflag:$0x1] =	stream.indirect.gather [spmem:s1], $0x80, s2, s8, $0xb8;
	[tilespmem:$0x10420] =	vst v63  }
0x97: {  	s0 =	rddreg [dreg:$0x6]  }
0x98: {  	[tilespmem:s8], [sflag:$0x5] =	stream.linear.gather [hbm4b:s0+s2], $0x80, $0x38;
	[tilespmem:$0x10420] =	vst v63  }
0x99: {  	_ =	swait.ge [sflag:s7], $0x80  }
0x9a: {  	[sflag:s7] =	ssyncset.done $0x0  }
0x9b: {  	[sflag:s7] =	ssyncadd.s32 $0xFFFFFF80  }
0x9c: {  	[tilespmem:s10], [sflag:$0x2] =	stream.indirect.gather [spmem:s1], $0x80, s8, s8, $0xb8;
	[tilespmem:$0x10420] =	vst v63  }
0x9d: {  	_ =	swait.ge [sflag:s11], $0x4000  }
0x9e: {  	[sflag:s11] =	ssyncset.done $0x0  }
0x9f: {  	[sflag:s11] =	ssyncadd.s32 $0xFFFFC000  }
0xa0: {  	[hbm4b:s3+s2] =	stream.linear.scatter [tilespmem:s9], [sflag:$0x3], $0x4000, $0x38;
	[tilespmem:$0x10420] =	vst v63  }
0xa1: {  	_ =	swait.ge [sflag:s12], $0x4000  }
0xa2: {  	[sflag:s12] =	ssyncset.done $0x0  }
0xa3: {  	s0 =	rddreg [dreg:$0x7];
	[sflag:s12] =	ssyncadd.s32 $0xFFFFC000  }
0xa4: {  	[tilespmem:s2], [sflag:$0x5] =	stream.linear.gather [hbm4b:s0+s2], $0x80, $0x38;
	[tilespmem:$0x10420] =	vst v63  }
0xa5: {  	_ =	swait.ge [sflag:s7], $0x80  }
0xa6: {  	[sflag:s7] =	ssyncset.done $0x0  }
0xa7: {  	[sflag:s7] =	ssyncadd.s32 $0xFFFFFF80  }
0xa8: {  	[tilespmem:s9], [sflag:$0x1] =	stream.indirect.gather [spmem:s1], $0x80, s2, s8, $0xb8;
	[tilespmem:$0x10420] =	vst v63  }
0xa9: {  	_ =	swait.ge [sflag:s13], $0x4000  }
0xaa: {  	[sflag:s13] =	ssyncset.done $0x0  }
0xab: {  	s0 =	rddreg [dreg:$0x8];
	[sflag:s13] =	ssyncadd.s32 $0xFFFFC000  }
0xac: {  	[hbm4b:s0+s2] =	stream.linear.scatter [tilespmem:s10], [sflag:$0x4], $0x4000, $0x38;
	[tilespmem:$0x10420] =	vst v63  }
0xad: {  	_ =	swait.ge [sflag:s14], $0x4000  }
0xae: {  	[sflag:s14] =	ssyncset.done $0x0  }
0xaf: {  	[sflag:s14] =	ssyncadd.s32 $0xFFFFC000  }
0xb0: {  	[tilespmem:s8], [sflag:$0x5] =	stream.linear.gather [hbm4b:s15+s2], $0x80, $0x38;
	[tilespmem:$0x10420] =	vst v63  }
0xb1: {  	_ =	swait.ge [sflag:s7], $0x80  }
0xb2: {  	[sflag:s7] =	ssyncset.done $0x0  }
0xb3: {  	[sflag:s7] =	ssyncadd.s32 $0xFFFFFF80  }
0xb4: {  	[tilespmem:s10], [sflag:$0x2] =	stream.indirect.gather [spmem:s1], $0x80, s8, s8, $0xb8;
	[tilespmem:$0x10420] =	vst v63  }
0xb5: {  	_ =	swait.ge [sflag:s11], $0x4000  }
0xb6: {  	[sflag:s11] =	ssyncset.done $0x0  }
0xb7: {  	[sflag:s11] =	ssyncadd.s32 $0xFFFFC000  }
0xb8: {  	[hbm4b:s16+s2] =	stream.linear.scatter [tilespmem:s9], [sflag:$0x3], $0x4000, $0x38;
	[tilespmem:$0x10420] =	vst v63  }
0xb9: {  	_ =	swait.ge [sflag:s12], $0x4000  }
0xba: {  	[sflag:s12] =	ssyncset.done $0x0  }
0xbb: {  	[sflag:s12] =	ssyncadd.s32 $0xFFFFC000  }
0xbc: {  	[tilespmem:s2], [sflag:$0x5] =	stream.linear.gather [hbm4b:s17+s2], $0x80, $0x38;
	[tilespmem:$0x10420] =	vst v63  }
0xbd: {  	_ =	swait.ge [sflag:s7], $0x80  }
0xbe: {  	[sflag:s7] =	ssyncset.done $0x0  }
0xbf: {  	[sflag:s7] =	ssyncadd.s32 $0xFFFFFF80  }
0xc0: {  	[tilespmem:s9], [sflag:$0x1] =	stream.indirect.gather [spmem:s1], $0x80, s2, s8, $0xb8;
	[tilespmem:$0x10420] =	vst v63  }
0xc1: {  	_ =	swait.ge [sflag:s13], $0x4000  }
0xc2: {  	[sflag:s13] =	ssyncset.done $0x0  }
0xc3: {  	[sflag:s13] =	ssyncadd.s32 $0xFFFFC000  }
0xc4: {  	[hbm4b:s18+s2] =	stream.linear.scatter [tilespmem:s10], [sflag:$0x4], $0x4000, $0x38;
	[tilespmem:$0x10420] =	vst v63  }
0xc5: {  	_ =	swait.ge [sflag:s14], $0x4000  }
0xc6: {  	[sflag:s14] =	ssyncset.done $0x0  }
0xc7: {  	[sflag:s14] =	ssyncadd.s32 $0xFFFFC000  }
0xc8: {  	[tilespmem:s8], [sflag:$0x5] =	stream.linear.gather [hbm4b:s19+s2], $0x80, $0x38;
	[tilespmem:$0x10420] =	vst v63  }
0xc9: {  	_ =	swait.ge [sflag:s7], $0x80  }
0xca: {  	[sflag:s7] =	ssyncset.done $0x0  }
0xcb: {  	[sflag:s7] =	ssyncadd.s32 $0xFFFFFF80  }
0xcc: {  	[tilespmem:s10], [sflag:$0x2] =	stream.indirect.gather [spmem:s1], $0x80, s8, s8, $0xb8;
	[tilespmem:$0x10420] =	vst v63  }
0xcd: {  	_ =	swait.ge [sflag:s11], $0x4000  }
0xce: {  	[sflag:s11] =	ssyncset.done $0x0  }
0xcf: {  	[sflag:s11] =	ssyncadd.s32 $0xFFFFC000  }
0xd0: {  	[hbm4b:s20+s2] =	stream.linear.scatter [tilespmem:s9], [sflag:$0x3], $0x4000, $0x38;
	[tilespmem:$0x10420] =	vst v63  }
0xd1: {  	_ =	swait.ge [sflag:s12], $0x4000  }
0xd2: {  	[sflag:s12] =	ssyncset.done $0x0  }
0xd3: {  	[sflag:s12] =	ssyncadd.s32 $0xFFFFC000  }
0xd4: {  	[tilespmem:s2], [sflag:$0x5] =	stream.linear.gather [hbm4b:s21+s2], $0x80, $0x38;
	[tilespmem:$0x10420] =	vst v63  }
0xd5: {  	_ =	swait.ge [sflag:s7], $0x80  }
0xd6: {  	[sflag:s7] =	ssyncset.done $0x0  }
0xd7: {  	[sflag:s7] =	ssyncadd.s32 $0xFFFFFF80  }
0xd8: {  	[tilespmem:s9], [sflag:$0x1] =	stream.indirect.gather [spmem:s1], $0x80, s2, s8, $0xb8;
	[tilespmem:$0x10420] =	vst v63  }
0xd9: {  	_ =	swait.ge [sflag:s13], $0x4000  }
0xda: {  	[sflag:s13] =	ssyncset.done $0x0  }
0xdb: {  	[sflag:s13] =	ssyncadd.s32 $0xFFFFC000  }
0xdc: {  	[hbm4b:s22+s2] =	stream.linear.scatter [tilespmem:s10], [sflag:$0x4], $0x4000, $0x38;
	[tilespmem:$0x10420] =	vst v63  }
0xdd: {  	_ =	swait.ge [sflag:s14], $0x4000  }
0xde: {  	[sflag:s14] =	ssyncset.done $0x0  }
0xdf: {  	[sflag:s14] =	ssyncadd.s32 $0xFFFFC000  }
0xe0: {  	[tilespmem:s8], [sflag:$0x5] =	stream.linear.gather [hbm4b:s23+s2], $0x80, $0x38;
	[tilespmem:$0x10420] =	vst v63  }
0xe1: {  	_ =	swait.ge [sflag:s7], $0x80  }
0xe2: {  	[sflag:s7] =	ssyncset.done $0x0  }
0xe3: {  	[sflag:s7] =	ssyncadd.s32 $0xFFFFFF80  }
0xe4: {  	[tilespmem:s10], [sflag:$0x2] =	stream.indirect.gather [spmem:s1], $0x80, s8, s8, $0xb8;
	[tilespmem:$0x10420] =	vst v63  }
0xe5: {  	_ =	swait.ge [sflag:s11], $0x4000  }
0xe6: {  	[sflag:s11] =	ssyncset.done $0x0  }
0xe7: {  	[sflag:s11] =	ssyncadd.s32 $0xFFFFC000  }
0xe8: {  	[hbm4b:s24+s2] =	stream.linear.scatter [tilespmem:s9], [sflag:$0x3], $0x4000, $0x38;
	[tilespmem:$0x10420] =	vst v63  }
0xe9: {  	_ =	swait.ge [sflag:s12], $0x4000  }
0xea: {  	[sflag:s12] =	ssyncset.done $0x0  }
0xeb: {  	[sflag:s12] =	ssyncadd.s32 $0xFFFFC000  }
0xec: {  	[tilespmem:s2], [sflag:$0x5] =	stream.linear.gather [hbm4b:s25+s2], $0x80, $0x38;
	[tilespmem:$0x10420] =	vst v63  }
0xed: {  	_ =	swait.ge [sflag:s7], $0x80  }
0xee: {  	[sflag:s7] =	ssyncset.done $0x0  }
0xef: {  	[sflag:s7] =	ssyncadd.s32 $0xFFFFFF80  }
0xf0: {  	[tilespmem:s9], [sflag:$0x1] =	stream.indirect.gather [spmem:s1], $0x80, s2, s8, $0xb8;
	[tilespmem:$0x10420] =	vst v63  }
0xf1: {  	_ =	swait.ge [sflag:s13], $0x4000  }
0xf2: {  	[sflag:s13] =	ssyncset.done $0x0  }
0xf3: {  	[sflag:s13] =	ssyncadd.s32 $0xFFFFC000  }
0xf4: {  	[hbm4b:s26+s2] =	stream.linear.scatter [tilespmem:s10], [sflag:$0x4], $0x4000, $0x38;
	[tilespmem:$0x10420] =	vst v63  }
0xf5: {  	_ =	swait.ge [sflag:s14], $0x4000  }
0xf6: {  	[sflag:s14] =	ssyncset.done $0x0  }
0xf7: {  	[sflag:s14] =	ssyncadd.s32 $0xFFFFC000  }
0xf8: {  	[tilespmem:s8], [sflag:$0x5] =	stream.linear.gather [hbm4b:s28+s2], $0x80, $0x38;
	[tilespmem:$0x10420] =	vst v63  }
0xf9: {  	_ =	swait.ge [sflag:s7], $0x80  }
0xfa: {  	[sflag:s7] =	ssyncset.done $0x0  }
0xfb: {  	[sflag:s7] =	ssyncadd.s32 $0xFFFFFF80  }
0xfc: {  	[tilespmem:s10], [sflag:$0x2] =	stream.indirect.gather [spmem:s1], $0x80, s8, s8, $0xb8;
	[tilespmem:$0x10420] =	vst v63  }
0xfd: {  	_ =	swait.ge [sflag:s11], $0x4000  }
0xfe: {  	[sflag:s11] =	ssyncset.done $0x0  }
0xff: {  	[sflag:s11] =	ssyncadd.s32 $0xFFFFC000  }
0x100: {  	[hbm4b:s29+s2] =	stream.linear.scatter [tilespmem:s9], [sflag:$0x3], $0x4000, $0x38;
	[tilespmem:$0x10420] =	vst v63  }
0x101: {  	_ =	swait.ge [sflag:s13], $0x4000  }
0x102: {  	s31 =	sadd.s32 $0xFFFFFFFF, s31;
	[sflag:s13] =	ssyncset.done $0x0  }
0x103: {  	p1 =	sne.s32 s31, $0x0;
	[sflag:s13] =	ssyncadd.s32 $0xFFFFC000  }
0x104: {  	[hbm4b:s30+s2] =	stream.linear.scatter [tilespmem:s10], [sflag:$0x4], $0x4000, $0x38;
	[tilespmem:$0x10420] =	vst v63  }
.Ltmp1:
0x105: {  	_ =	swait.ge [sflag:s12], $0x4000;
	(pc) =	sbr.rel @p1 .LBB2_1-.Ltmp1, $4  }
0x106: {  	[sflag:s12] =	ssyncset.done $0x0  }
0x107: {  	[sflag:s12] =	ssyncadd.s32 $0xFFFFC000  }
0x108: {  	_ =	swait.ge [sflag:s14], $0x4000  }
0x109: {  	[sflag:s14] =	ssyncset.done $0x0  }
.LBB2_2:
0x10a: {  	[sflag:s14] =	ssyncadd.s32 $0xFFFFC000  }
0x10b: {  	_ =	sfence.sel $0x180000  }
0x10c: {  	[bflag:$0x0] =	sbarrier.arrive $0xFFFF  }
0x10d: {  	_ =	strace $0x9000004D  }
0x10e: {  	[bflag:$0x2] =	sbarrier.arrive $0xFFFF  }
0x10f: {  	s0 =	rddreg [dreg:$0x3]  }
0x110: {  	s0 =	sadd.s32 @!p0 $0x100000, s0  }
0x111: {  	[sflag:s0] =	ssyncadd.tile.s32 @!p0 $0x1;
	_ =	shalt  }
.Lfunc_end2:
_tile_overlayer_lowered:
.L_overlay_start_2:
0x112: {  	(tag) =	ssettag $0x2  }
0x113: {  	s0 =	rddreg [dreg:$0x0];
	s2 =	stileid.u32  }
0x114: {  	s1 =	rddreg [dreg:$0x1];
	p0 =	sne.s32 s2, $0x0  }
0x115: {  	s3 =	rddreg [dreg:$0x2];
	[bflag:$0x3] =	sbarrier.arrive $0xFFFF;
	s2 =	simm.s32 @!p0 $0x1C05  }
0x116: {  	[timem:s3], [sflag:s2] =	dma.local @!p0 [hbm:s0], s1  }
0x117: {  	s0 =	simm.s32 @!p0 $0x5  }
0x118: {  	_ =	swait.ge @!p0 [sflag:s0], s1  }
0x119: {  	s1 =	ssub.s32 @!p0 $0x0, s1;
	[sflag:s0] =	ssyncset.done @!p0 $0x0  }
0x11a: {  	[sflag:s0] =	ssyncadd.s32 @!p0 s1  }
0x11b: {  	[bflag:$0x3] =	sbarrier.arrive $0xFFFF  }
0x11c: {  	_ =	shalt  }

// kernel: kernel.8.cloned.1.call-start
scs
__scs_entry_jumppad:
0x0: {  	(pc) =	sbr.rel $0x88, $3  }
0x1: {  	(tag) =	ssettag $0x0;
	lr =	simm.s32 $0x1  }
0x2: {  	[smem:$0x3F96] =	sst lr;
	_ =	strace $0xD0000000  }
0x3: {  	_ = 	snop  }
0x4: {  	_ = 	snop  }
0x5: {  	_ = 	snop  }
0x6: {  	_ = 	snop  }
0x7: {  	_ = 	snop  }
__scs_overlays_trampoline_lowered:
0x8: {  	[smem:$0x3FA5] =	sst s0  }
0x9: {  	[smem:$0x3FA6] =	sst s1  }
0xa: {  	[smem:$0x3FA7] =	sst s2  }
0xb: {  	[smem:$0x3FA8] =	sst s3  }
0xc: {  	[smem:$0x3FA9] =	sst s4  }
0xd: {  	[smem:$0x3FAA] =	sst s5  }
0xe: {  	[smem:$0x3FAB] =	sst s6  }
0xf: {  	[smem:$0x3FAC] =	sst s7  }
0x10: {  	[smem:$0x3FAD] =	sst s8  }
0x11: {  	[smem:$0x3FAE] =	sst s9;
	s0 =	simm.s32 @!p0 $0x0  }
0x12: {  	s1 =	sld [smem:$0x3F94];
	s0 =	simm.s32 @p0 $0x1  }
0x13: {  	[smem:$0x3FAF] =	sst s0;
	s0 =	simm.s32 @!p1 $0x0  }
0x14: {  	s2 =	sld [smem:$0x3F93];
	s0 =	simm.s32 @p1 $0x1  }
0x15: {  	[smem:$0x3FB0] =	sst s0;
	s0 =	simm.s32 @!p2 $0x0  }
0x16: {  	s3 =	sld [smem:$0x3FDB];
	s0 =	simm.s32 @p2 $0x1  }
0x17: {  	s4 =	simm.s32 $0x1BF5;
	[smem:$0x3FB2] =	sst s0  }
0x18: {  	s0 =	sld [smem:$0x3F95];
	_ =	swait.ge [sflag:s4], $0x0  }
0x19: {  	s7 =	sld [smem:$0x3F96]  }
0x1a: {  	s8 =	sadd.s32 $0xFFFFE003, lr  }
0x1b: {  	s9 =	sadd.s32 $0xFFFFFEF7, lr;
	s5 =	simm.s32 $0xFFFFFFFF;
	p2 =	slt.u32 s8, $0xFFFFF086  }
0x1c: {  	p1 =	slt.u32 s9, $0xF7A;
	s5 =	simm.s32 @!p2 $0x0  }
0x1d: {  	s5 =	simm.s32 @p1 $0x1;
	p0 =	seq.s32 s7, s2  }
0x1e: {  	s7 =	smul.u32 @!p0 $0xF7A, s2;
	p2 =	seq.s32 @!p0 s5, $0x0  }
0x1f: {  	s9 =	smul.u32 $0xF7A, s1;
	s8 =	simm.s32 @!p0 $0x1BF5;
	p2 =	por !p2, p0  }
0x20: {  	[sflag:s8] =	ssyncset.s32 @!p0 $0xFFFFF086;
	s6 =	sadd.s32 @!p0 s3, s7;
	s7 =	simm.s32 @!p0 $0x108  }
0x21: {  	s3 =	sadd.s32 s3, s9;
	s6 =	sadd.s32 @!p0 $0x88, s6;
	s7 =	simm.s32 @p2 $0x1082  }
0x22: {  	[simem:s7], [sflag:s8] =	dma.local @!p0 [hbm:s6], $0xF7A  }
0x23: {  	s9 =	sor.u32 $0xD0000000, s2;
	s6 =	simm.s32 $0x108;
	_ =	swait.ge @!p0 [sflag:s8], $0x0  }
0x24: {  	s3 =	sadd.s32 $0x88, s3;
	s6 =	simm.s32 @!p1 $0x1082;
	[sflag:s4] =	ssyncset.s32 $0xFFFFF086  }
0x25: {  	[simem:s6], [sflag:s4] =	dma.local [hbm:s3], $0xF7A  }
0x26: {  	[smem:$0x3F96] =	sst s1;
	(tag) =	ssettag s2;
	_ =	strace s9  }
0x27: {  	s1 =	sld [smem:$0x3FA6]  }
0x28: {  	s2 =	sld [smem:$0x3FA7]  }
0x29: {  	s4 =	sld [smem:$0x3FA9]  }
0x2a: {  	p0 =	seq.s32 s5, $0x0;
	s5 =	sld [smem:$0x3FAA]  }
0x2b: {  	s6 =	sld [smem:$0x3FAB]  }
0x2c: {  	s7 =	sld [smem:$0x3FAC]  }
0x2d: {  	s3 =	simm.s32 $0x108;
	s8 =	sld [smem:$0x3FAD]  }
0x2e: {  	s3 =	simm.s32 @!p0 $0x1082;
	s9 =	sld [smem:$0x3FAE]  }
0x2f: {  	lr =	sadd.s32 s0, s3;
	s0 =	sld [smem:$0x3FA5]  }
0x30: {  	s3 =	sld [smem:$0x3FA8]  }
0x31: {  	[smem:$0x3FB1] =	sst s10  }
0x32: {  	s10 =	sld [smem:$0x3FAF];
	_ =	sdelay $0x3  }
0x33: {  	p0 =	seq.s32 s10, $0x1;
	s10 =	sld [smem:$0x3FB1];
	_ =	sdelay $0x3  }
0x34: {  	[smem:$0x3FB1] =	sst s10  }
0x35: {  	s10 =	sld [smem:$0x3FB0];
	_ =	sdelay $0x3  }
0x36: {  	p1 =	seq.s32 s10, $0x1;
	s10 =	sld [smem:$0x3FB1];
	_ =	sdelay $0x3  }
0x37: {  	[smem:$0x3FB1] =	sst s10  }
0x38: {  	s10 =	sld [smem:$0x3FB2]  }
0x39: {  	_ = 	snop;
	(pc) =	sbr.ind lr, $3  }
0x3a: {  	_ = 	snop  }
0x3b: {  	_ = 	snop  }
0x3c: {  	p2 =	seq.s32 s10, $0x1;
	s10 =	sld [smem:$0x3FB1]  }
0x3d: {  	_ =	shalt  }
0x3e: {  	_ =	shalt  }
0x3f: {  	_ =	shalt  }
0x40: {  	_ =	shalt  }
0x41: {  	_ =	shalt  }
0x42: {  	_ =	shalt  }
0x43: {  	_ =	shalt  }
0x44: {  	_ =	shalt  }
0x45: {  	_ =	shalt  }
0x46: {  	_ =	shalt  }
0x47: {  	_ =	shalt  }
0x48: {  	_ =	shalt  }
0x49: {  	_ =	shalt  }
0x4a: {  	_ =	shalt  }
0x4b: {  	_ =	shalt  }
0x4c: {  	_ =	shalt  }
0x4d: {  	_ =	shalt  }
0x4e: {  	_ =	shalt  }
0x4f: {  	_ =	shalt  }
0x50: {  	_ =	shalt  }
0x51: {  	_ =	shalt  }
0x52: {  	_ =	shalt  }
0x53: {  	_ =	shalt  }
0x54: {  	_ =	shalt  }
0x55: {  	_ =	shalt  }
0x56: {  	_ =	shalt  }
0x57: {  	_ =	shalt  }
0x58: {  	_ =	shalt  }
0x59: {  	_ =	shalt  }
0x5a: {  	_ =	shalt  }
0x5b: {  	_ =	shalt  }
0x5c: {  	_ =	shalt  }
0x5d: {  	_ =	shalt  }
0x5e: {  	_ =	shalt  }
0x5f: {  	_ =	shalt  }
0x60: {  	_ =	shalt  }
0x61: {  	_ =	shalt  }
0x62: {  	_ =	shalt  }
0x63: {  	_ =	shalt  }
0x64: {  	_ =	shalt  }
0x65: {  	_ =	shalt  }
0x66: {  	_ =	shalt  }
0x67: {  	_ =	shalt  }
0x68: {  	_ =	shalt  }
0x69: {  	_ =	shalt  }
0x6a: {  	_ =	shalt  }
0x6b: {  	_ =	shalt  }
0x6c: {  	_ =	shalt  }
0x6d: {  	_ =	shalt  }
0x6e: {  	_ =	shalt  }
0x6f: {  	_ =	shalt  }
0x70: {  	_ =	shalt  }
0x71: {  	_ =	shalt  }
0x72: {  	_ =	shalt  }
0x73: {  	_ =	shalt  }
0x74: {  	_ =	shalt  }
0x75: {  	_ =	shalt  }
0x76: {  	_ =	shalt  }
0x77: {  	_ =	shalt  }
0x78: {  	_ =	shalt  }
0x79: {  	_ =	shalt  }
0x7a: {  	_ =	shalt  }
0x7b: {  	_ =	shalt  }
0x7c: {  	_ =	shalt  }
0x7d: {  	_ =	shalt  }
0x7e: {  	_ =	shalt  }
0x7f: {  	_ =	shalt  }
0x80: {  	_ =	shalt  }
0x81: {  	_ =	shalt  }
0x82: {  	_ =	shalt  }
0x83: {  	_ =	shalt  }
0x84: {  	_ =	shalt  }
0x85: {  	_ =	shalt  }
0x86: {  	_ =	shalt  }
0x87: {  	_ =	shalt  }
.Lfunc_end0:
.L_simem_size_0:
called_computation_lowered:
.L_overlay_start_0:
0x88: {  	s2 =	sld [smem:$0x3FD9]  }
0x89: {  	s3 =	sld [smem:$0x3FFE];
	_ =	sdelay $0x1  }
0x8a: {  	s1 =	srdreg.scid  }
0x8b: {  	s0 =	sand.u32 $0x1, s1  }
0x8c: {  	s17 =	sshll.u32 s0, $0xA;
	s2 =	sadd.s32 s3, s2  }
0x8d: {  	s2 =	sadd.s32 s2, s17  }
0x8e: {  	[smem:$0x3FBD] =	sst s2  }
0x8f: {  	_ = 	snop  }
0x90: {  	s2 =	sld [smem:$0x3FC5]  }
0x91: {  	s18 =	sld [smem:$0x3FD0];
	(tm) =	ssettm $0x1  }
0x92: {  	s4 =	sld [smem:$0x3FFB];
	_ =	sdelay $0x3  }
0x93: {  	_ =	strace s4  }
0x94: {  	s4 =	sld [smem:$0x3FFC];
	_ =	sdelay $0x3  }
0x95: {  	_ =	strace s4  }
0x96: {  	s4 =	sld [smem:$0x3FFD];
	_ =	sdelay $0x3  }
0x97: {  	_ =	strace s4  }
0x98: {  	_ =	strace $0x8FFFFFFF  }
0x99: {  	s19 =	sld [smem:$0x3FDB];
	_ =	sdelay $0x1  }
0x9a: {  	s5 =	simm.s32 $_scs_section_size  }
0x9b: {  	s6 =	simm.s32 $_size__tile_overlayer_lowered;
	s7 =	simm.s32 $_tile_overlayer_lowered  }
0x9c: {  	s22 =	simm.s32 $0x1BFF;
	s21 =	sshll.u32 s7, $0x1;
	s4 =	sadd.s32 s5, s19  }
0x9d: {  	s8 =	simm.s32 $0x0;
	s20 =	sshll.u32 s6, $0x1;
	s6 =	sadd.s32 s21, s4  }
0x9e: {  	[timem:s8], [sflag:s22] =	dma.local [hbm:s6], s20  }
0x9f: {  	_ =	swait.ge [sflag:s22], s20  }
0xa0: {  	s5 =	ssub.s32 $0x0, s20;
	[sflag:s22] =	ssyncset.done $0x0  }
0xa1: {  	[sflag:s22] =	ssyncadd.s32 s5;
	_ =	sdelay $0x1  }
0xa2: {  	s23 =	simm.s32 $0x1B8B  }
0xa3: {  	_ =	swait.ge [sflag:s23], $0x1  }
0xa4: {  	[sflag:s23] =	ssyncset.done $0x0  }
0xa5: {  	s25 =	simm.s32 $0x1B8E;
	s24 =	sld [smem:$0x3FFE];
	[sflag:s23] =	ssyncadd.s32 $0xFFFFFFFF  }
0xa6: {  	s26 =	simm.s32 $execute0_lowered;
	[smem:$0x3FD2] =	sst s25  }
0xa7: {  	s6 =	sshll.u32 s26, $0x1;
	_ =	strace $0x80000046;
	[dreg:$0x1] =	wrdreg $0xFFFFFFFF  }
0xa8: {  	s28 =	simm.s32 $_size_execute0_lowered;
	s4 =	sadd.s32 s4, s6;
	[dreg:$0x0] =	wrdreg $0x0  }
0xa9: {  	s6 =	sshll.u32 s28, $0x1;
	[dreg:$0x2] =	wrdreg s4  }
0xaa: {  	[dreg:$0x3] =	wrdreg s6  }
0xab: {  	[dreg:$0x4] =	wrdreg $0xC0  }
0xac: {  	_ =	task [dreg:s8], $0x5FFFF  }
0xad: {  	[dreg:$0x1] =	wrdreg $0xFFFFFFFF  }
0xae: {  	[dreg:$0x0] =	wrdreg $0x60  }
0xaf: {  	[dreg:$0x2] =	wrdreg s24  }
0xb0: {  	[dreg:$0x3] =	wrdreg s2  }
0xb1: {  	[dreg:$0x4] =	wrdreg s18  }
0xb2: {  	[dreg:$0x5] =	wrdreg $0x81000  }
0xb3: {  	[dreg:$0x6] =	wrdreg $0x9  }
0xb4: {  	_ =	task.clear_ibuf [dreg:s8], $0x7FFFF;
	_ =	strace $0x90000046  }
0xb5: {  	s29 =	simm.s32 $0x9;
	_ =	strace $0x80000048  }
0xb6: {  	_ =	swait.ge [sflag:s29], $0x1  }
0xb7: {  	[sflag:s29] =	ssyncadd.s32 $0xFFFFFFFF  }
0xb8: {  	_ =	strace $0x90000048  }
0xb9: {  	_ =	sfence  }
0xba: {  	s30 =	sld [smem:$0x0];
	_ =	sdelay $0x2  }
0xbb: {  	s31 =	sshll.u32 s1, $0xD;
	s1 =	sshrl.u32 s1, $0x2  }
0xbc: {  	s3 =	sand.u32 $0x4000, s31;
	s1 =	sadd.s32 s1, s30  }
0xbd: {  	s0 =	sor.u32 s3, s0;
	s1 =	sshll.u32 s1, $0x11  }
0xbe: {  	s0 =	sor.u32 s1, s0  }
0xbf: {  	s0 =	sadd.s32 $0x8F2B, s0  }
0xc0: {  	[sflag:s0] =	ssyncadd.remote.s32 $0x1  }
0xc1: {  	_ =	sfence.sel $0xFFFF  }
0xc2: {  	[dreg:$0x0] =	wrdreg $0xFFFFFFFF;
	(pc) =	sbr.abs _section_cstart, $3  }
0xc3: {  	[dreg:$0x1] =	wrdreg $0xFFFFFFFF  }
0xc4: {  	_ =	task.clear_ibuf [dreg:s8], $0x2FFFF;
	_ =	strace $0x9FFFFFFF  }
0xc5: {  	(tm) =	ssettm $0x7FFFFFFF  }
tec
execute0_lowered:
.L_overlay_start_1:
0x0: {  	(tag) =	ssettag $0x1  }
0x1: {  	s3 =	rddreg [dreg:$0x0]  }
0x2: {  	s19 =	rddreg [dreg:$0x1]  }
0x3: {  	s5 =	rddreg [dreg:$0x2]  }
0x4: {  	s0 =	srdreg.scid;
	s6 =	stileid.u32  }
0x5: {  	s2 =	rddreg [dreg:$0x3];
	s1 =	simm.s32 $0x0;
	p1 =	por $0x0, $0x0  }
0x6: {  	s4 =	sand.u32 $0x1, s0;
	s7 =	sshll.u32 s6, $0x1;
	s0 =	rddreg [dreg:$0x4]  }
0x7: {  	[smem:$0x7FF] =	sst s1;
	s3 =	sadd.s32 $0x2400, s3;
	s7 =	sor.u32 s4, s7  }
0x8: {  	p0 =	sne.s32 s6, $0x0;
	s4 =	ssub.s32 $0x2, s4;
	s8 =	smul.u32 $0x300, s7  }
0x9: {  	s6 =	simm.s32 $0x3;
	s9 =	sshrl.u32 s4, $0x1;
	s7 =	smul.u32 $0x3000, s7  }
0xa: {  	_ =	strace $0x80000047;
	s10 =	ssub.s32 s4, s9;
	s30 =	sor.u32 $0x80, s8  }
0xb: {  	s31 =	sshrl.u32 s8, $0x3;
	s12 =	sadd.s32 $0x100, s8;
	s21 =	sadd.s32 s5, s7  }
0xc: {  	s14 =	sadd.s32 $0x180, s8;
	s24 =	sadd.s32 $0x200, s8;
	s26 =	sadd.s32 $0x280, s8  }
0xd: {  	s7 =	simm.s32 $0x4;
	s11 =	sshrl.u32 s30, $0x3;
	s23 =	sadd.s32 s3, s31  }
0xe: {  	s13 =	sshrl.u32 s12, $0x3;
	s4 =	sshll.u32 s30, $0x4;
	s18 =	sshrl.u32 s14, $0x3  }
0xf: {  	s9 =	sshll.u32 s12, $0x4;
	s25 =	sshrl.u32 s24, $0x3;
	s29 =	sshrl.u32 s26, $0x3  }
0x10: {  	s30 =	sshll.u32 s26, $0x4;
	s31 =	smax.u32 s10, $0x1;
	s12 =	simm.s32 $0x80  }
0x11: {  	s10 =	simm.s32 $0x100;
	s22 =	sadd.s32 s3, s11;
	s28 =	sadd.s32 $0xFFFFFFFF, s31  }
0x12: {  	s20 =	sadd.s32 s3, s13;
	s17 =	sadd.s32 s5, s4;
	p2 =	sne.s32 s28, $0x0  }
.Ltmp0:
0x13: {  	s18 =	sadd.s32 s3, s18;
	s16 =	sadd.s32 s5, s9;
	(pc) =	sbr.rel @!p2 .LBB2_3-.Ltmp0, $4  }
0x14: {  	s15 =	sadd.s32 s3, s25;
	s4 =	sshll.u32 s14, $0x4;
	s11 =	sshll.u32 s24, $0x4  }
0x15: {  	s8 =	sadd.s32 s3, s29;
	s3 =	sadd.s32 s5, s30;
	s24 =	sshrl.u32 @!p0 s2, $0x3  }
0x16: {  	s14 =	simm.s32 $0x1;
	s13 =	simm.s32 $0x2;
	s9 =	sadd.s32 s5, s4  }
0x17: {  	s4 =	sadd.s32 s5, s11;
	s11 =	simm.s32 $0x5;
	s5 =	simm.s32 $0x4100  }
0x18: {  	s25 =	simm.s32 @!p0 $0x1C05;
	s26 =	simm.s32 @!p0 $0x5  }
0x19: {  	[spmem:s24], [sflag:s25] =	dma.local @!p0 [hbm:s19], $0x10640  }
0x1a: {  	_ =	swait.ge @!p0 [sflag:s26], $0x10640  }
0x1b: {  	[sflag:s26] =	ssyncset.done @!p0 $0x0  }
0x1c: {  	[sflag:s26] =	ssyncadd.s32 @!p0 $0xFFFEF9C0  }
0x1d: {  	[bflag:$0x0] =	sbarrier.arrive $0xFFFF  }
0x1e: {  	[tilespmem:s1], [sflag:$0x5] =	stream.linear.gather [hbm4b:s23+s1], $0x80, $0x38;
	[tilespmem:$0x10420] =	vst v63  }
0x1f: {  	_ =	swait.ge [sflag:s11], $0x80  }
0x20: {  	[sflag:s11] =	ssyncset.done $0x0  }
0x21: {  	[sflag:s11] =	ssyncadd.s32 $0xFFFFFF80  }
0x22: {  	[tilespmem:s10], [sflag:$0x1] =	stream.indirect.gather [spmem:s2], $0x80, s1, s12, $0xb8;
	[tilespmem:$0x10420] =	vst v63  }
0x23: {  	_ = 	snop  }
0x24: {  	[tilespmem:s12], [sflag:$0x5] =	stream.linear.gather [hbm4b:s22+s1], $0x80, $0x38;
	[tilespmem:$0x10420] =	vst v63  }
0x25: {  	_ =	swait.ge [sflag:s11], $0x80  }
0x26: {  	[sflag:s11] =	ssyncset.done $0x0  }
0x27: {  	[sflag:s11] =	ssyncadd.s32 $0xFFFFFF80  }
0x28: {  	[tilespmem:s5], [sflag:$0x2] =	stream.indirect.gather [spmem:s2], $0x80, s12, s12, $0xb8;
	[tilespmem:$0x10420] =	vst v63  }
0x29: {  	_ =	swait.ge [sflag:s14], $0x4000  }
0x2a: {  	[sflag:s14] =	ssyncset.done $0x0  }
0x2b: {  	[sflag:s14] =	ssyncadd.s32 $0xFFFFC000  }
0x2c: {  	[hbm4b:s21+s1] =	stream.linear.scatter [tilespmem:s10], [sflag:$0x3], $0x4000, $0x38;
	[tilespmem:$0x10420] =	vst v63  }
0x2d: {  	_ =	swait.ge [sflag:s6], $0x4000  }
0x2e: {  	[sflag:s6] =	ssyncset.done $0x0  }
0x2f: {  	[sflag:s6] =	ssyncadd.s32 $0xFFFFC000  }
0x30: {  	[tilespmem:s1], [sflag:$0x5] =	stream.linear.gather [hbm4b:s20+s1], $0x80, $0x38;
	[tilespmem:$0x10420] =	vst v63  }
0x31: {  	_ =	swait.ge [sflag:s11], $0x80  }
0x32: {  	[sflag:s11] =	ssyncset.done $0x0  }
0x33: {  	[sflag:s11] =	ssyncadd.s32 $0xFFFFFF80  }
0x34: {  	[tilespmem:s10], [sflag:$0x1] =	stream.indirect.gather [spmem:s2], $0x80, s1, s12, $0xb8;
	[tilespmem:$0x10420] =	vst v63  }
0x35: {  	_ =	swait.ge [sflag:s13], $0x4000  }
0x36: {  	[sflag:s13] =	ssyncset.done $0x0  }
0x37: {  	[sflag:s13] =	ssyncadd.s32 $0xFFFFC000  }
0x38: {  	[hbm4b:s17+s1] =	stream.linear.scatter [tilespmem:s5], [sflag:$0x4], $0x4000, $0x38;
	[tilespmem:$0x10420] =	vst v63  }
0x39: {  	_ =	swait.ge [sflag:s7], $0x4000  }
0x3a: {  	[sflag:s7] =	ssyncset.done $0x0  }
0x3b: {  	[sflag:s7] =	ssyncadd.s32 $0xFFFFC000  }
0x3c: {  	[tilespmem:s12], [sflag:$0x5] =	stream.linear.gather [hbm4b:s18+s1], $0x80, $0x38;
	[tilespmem:$0x10420] =	vst v63  }
0x3d: {  	_ =	swait.ge [sflag:s11], $0x80  }
0x3e: {  	[sflag:s11] =	ssyncset.done $0x0  }
0x3f: {  	[sflag:s11] =	ssyncadd.s32 $0xFFFFFF80  }
0x40: {  	[tilespmem:s5], [sflag:$0x2] =	stream.indirect.gather [spmem:s2], $0x80, s12, s12, $0xb8;
	[tilespmem:$0x10420] =	vst v63  }
0x41: {  	_ =	swait.ge [sflag:s14], $0x4000  }
0x42: {  	[sflag:s14] =	ssyncset.done $0x0  }
0x43: {  	[sflag:s14] =	ssyncadd.s32 $0xFFFFC000  }
0x44: {  	[hbm4b:s16+s1] =	stream.linear.scatter [tilespmem:s10], [sflag:$0x3], $0x4000, $0x38;
	[tilespmem:$0x10420] =	vst v63  }
0x45: {  	_ =	swait.ge [sflag:s6], $0x4000  }
0x46: {  	[sflag:s6] =	ssyncset.done $0x0  }
0x47: {  	[sflag:s6] =	ssyncadd.s32 $0xFFFFC000  }
0x48: {  	[tilespmem:s1], [sflag:$0x5] =	stream.linear.gather [hbm4b:s15+s1], $0x80, $0x38;
	[tilespmem:$0x10420] =	vst v63  }
0x49: {  	_ =	swait.ge [sflag:s11], $0x80  }
0x4a: {  	[sflag:s11] =	ssyncset.done $0x0  }
0x4b: {  	[sflag:s11] =	ssyncadd.s32 $0xFFFFFF80  }
0x4c: {  	[tilespmem:s10], [sflag:$0x1] =	stream.indirect.gather [spmem:s2], $0x80, s1, s12, $0xb8;
	[tilespmem:$0x10420] =	vst v63  }
0x4d: {  	_ =	swait.ge [sflag:s13], $0x4000  }
0x4e: {  	[sflag:s13] =	ssyncset.done $0x0  }
0x4f: {  	[sflag:s13] =	ssyncadd.s32 $0xFFFFC000  }
0x50: {  	[hbm4b:s9+s1] =	stream.linear.scatter [tilespmem:s5], [sflag:$0x4], $0x4000, $0x38;
	[tilespmem:$0x10420] =	vst v63  }
0x51: {  	_ =	swait.ge [sflag:s7], $0x4000  }
0x52: {  	[sflag:s7] =	ssyncset.done $0x0  }
0x53: {  	[sflag:s7] =	ssyncadd.s32 $0xFFFFC000  }
0x54: {  	[tilespmem:s12], [sflag:$0x5] =	stream.linear.gather [hbm4b:s8+s1], $0x80, $0x38;
	[tilespmem:$0x10420] =	vst v63  }
0x55: {  	_ =	swait.ge [sflag:s11], $0x80  }
0x56: {  	[sflag:s11] =	ssyncset.done $0x0  }
0x57: {  	[sflag:s11] =	ssyncadd.s32 $0xFFFFFF80  }
0x58: {  	[tilespmem:s5], [sflag:$0x2] =	stream.indirect.gather [spmem:s2], $0x80, s12, s12, $0xb8;
	[tilespmem:$0x10420] =	vst v63  }
0x59: {  	_ =	swait.ge [sflag:s14], $0x4000  }
0x5a: {  	[sflag:s14] =	ssyncset.done $0x0  }
0x5b: {  	[sflag:s14] =	ssyncadd.s32 $0xFFFFC000  }
0x5c: {  	[hbm4b:s4+s1] =	stream.linear.scatter [tilespmem:s10], [sflag:$0x3], $0x4000, $0x38;
	[tilespmem:$0x10420] =	vst v63  }
0x5d: {  	_ =	swait.ge [sflag:s13], $0x4000  }
0x5e: {  	s28 =	sadd.s32 $0xFFFFFFFF, s28;
	[sflag:s13] =	ssyncset.done $0x0  }
0x5f: {  	p2 =	sne.s32 s28, $0x0;
	[sflag:s13] =	ssyncadd.s32 $0xFFFFC000  }
0x60: {  	[hbm4b:s3+s1] =	stream.linear.scatter [tilespmem:s5], [sflag:$0x4], $0x4000, $0x38;
	[tilespmem:$0x10420] =	vst v63  }
.Ltmp1:
0x61: {  	_ =	swait.ge [sflag:s6], $0x4000;
	(pc) =	sbr.rel @!p2 .LBB2_3-.Ltmp1, $4  }
0x62: {  	[sflag:s6] =	ssyncset.done $0x0  }
0x63: {  	[sflag:s6] =	ssyncadd.s32 $0xFFFFC000  }
0x64: {  	_ =	swait.ge [sflag:s7], $0x4000  }
0x65: {  	p1 =	por $0x1, $0x1;
	[sflag:s7] =	ssyncset.done $0x0  }
.LBB2_2:
0x66: {  	[sflag:s7] =	ssyncadd.s32 $0xFFFFC000  }
0x67: {  	[spmem:s24], [sflag:s25] =	dma.local @!p0 [hbm:s19], $0x10640  }
0x68: {  	s28 =	sadd.s32 $0xFFFFFFFF, s28;
	_ =	swait.ge @!p0 [sflag:s26], $0x10640  }
0x69: {  	p2 =	sne.s32 s28, $0x0;
	[sflag:s26] =	ssyncset.done @!p0 $0x0  }
0x6a: {  	[sflag:s26] =	ssyncadd.s32 @!p0 $0xFFFEF9C0  }
0x6b: {  	[bflag:$0x0] =	sbarrier.arrive $0xFFFF  }
0x6c: {  	[tilespmem:s1], [sflag:$0x5] =	stream.linear.gather [hbm4b:s23+s1], $0x80, $0x38;
	[tilespmem:$0x10420] =	vst v63  }
0x6d: {  	_ =	swait.ge [sflag:s11], $0x80  }
0x6e: {  	[sflag:s11] =	ssyncset.done $0x0  }
0x6f: {  	[sflag:s11] =	ssyncadd.s32 $0xFFFFFF80  }
0x70: {  	[tilespmem:s10], [sflag:$0x1] =	stream.indirect.gather [spmem:s2], $0x80, s1, s12, $0xb8;
	[tilespmem:$0x10420] =	vst v63  }
0x71: {  	_ = 	snop  }
0x72: {  	[tilespmem:s12], [sflag:$0x5] =	stream.linear.gather [hbm4b:s22+s1], $0x80, $0x38;
	[tilespmem:$0x10420] =	vst v63  }
0x73: {  	_ =	swait.ge [sflag:s11], $0x80  }
0x74: {  	[sflag:s11] =	ssyncset.done $0x0  }
0x75: {  	[sflag:s11] =	ssyncadd.s32 $0xFFFFFF80  }
0x76: {  	[tilespmem:s5], [sflag:$0x2] =	stream.indirect.gather [spmem:s2], $0x80, s12, s12, $0xb8;
	[tilespmem:$0x10420] =	vst v63  }
0x77: {  	_ =	swait.ge [sflag:s14], $0x4000  }
0x78: {  	[sflag:s14] =	ssyncset.done $0x0  }
0x79: {  	[sflag:s14] =	ssyncadd.s32 $0xFFFFC000  }
0x7a: {  	[hbm4b:s21+s1] =	stream.linear.scatter [tilespmem:s10], [sflag:$0x3], $0x4000, $0x38;
	[tilespmem:$0x10420] =	vst v63  }
0x7b: {  	_ =	swait.ge [sflag:s6], $0x4000  }
0x7c: {  	[sflag:s6] =	ssyncset.done $0x0  }
0x7d: {  	[sflag:s6] =	ssyncadd.s32 $0xFFFFC000  }
0x7e: {  	[tilespmem:s1], [sflag:$0x5] =	stream.linear.gather [hbm4b:s20+s1], $0x80, $0x38;
	[tilespmem:$0x10420] =	vst v63  }
0x7f: {  	_ =	swait.ge [sflag:s11], $0x80  }
0x80: {  	[sflag:s11] =	ssyncset.done $0x0  }
0x81: {  	[sflag:s11] =	ssyncadd.s32 $0xFFFFFF80  }
0x82: {  	[tilespmem:s10], [sflag:$0x1] =	stream.indirect.gather [spmem:s2], $0x80, s1, s12, $0xb8;
	[tilespmem:$0x10420] =	vst v63  }
0x83: {  	_ =	swait.ge [sflag:s13], $0x4000  }
0x84: {  	[sflag:s13] =	ssyncset.done $0x0  }
0x85: {  	[sflag:s13] =	ssyncadd.s32 $0xFFFFC000  }
0x86: {  	[hbm4b:s17+s1] =	stream.linear.scatter [tilespmem:s5], [sflag:$0x4], $0x4000, $0x38;
	[tilespmem:$0x10420] =	vst v63  }
0x87: {  	_ =	swait.ge [sflag:s7], $0x4000  }
0x88: {  	[sflag:s7] =	ssyncset.done $0x0  }
0x89: {  	[sflag:s7] =	ssyncadd.s32 $0xFFFFC000  }
0x8a: {  	[tilespmem:s12], [sflag:$0x5] =	stream.linear.gather [hbm4b:s18+s1], $0x80, $0x38;
	[tilespmem:$0x10420] =	vst v63  }
0x8b: {  	_ =	swait.ge [sflag:s11], $0x80  }
0x8c: {  	[sflag:s11] =	ssyncset.done $0x0  }
0x8d: {  	[sflag:s11] =	ssyncadd.s32 $0xFFFFFF80  }
0x8e: {  	[tilespmem:s5], [sflag:$0x2] =	stream.indirect.gather [spmem:s2], $0x80, s12, s12, $0xb8;
	[tilespmem:$0x10420] =	vst v63  }
0x8f: {  	_ =	swait.ge [sflag:s14], $0x4000  }
0x90: {  	[sflag:s14] =	ssyncset.done $0x0  }
0x91: {  	[sflag:s14] =	ssyncadd.s32 $0xFFFFC000  }
0x92: {  	[hbm4b:s16+s1] =	stream.linear.scatter [tilespmem:s10], [sflag:$0x3], $0x4000, $0x38;
	[tilespmem:$0x10420] =	vst v63  }
0x93: {  	_ =	swait.ge [sflag:s6], $0x4000  }
0x94: {  	[sflag:s6] =	ssyncset.done $0x0  }
0x95: {  	[sflag:s6] =	ssyncadd.s32 $0xFFFFC000  }
0x96: {  	[tilespmem:s1], [sflag:$0x5] =	stream.linear.gather [hbm4b:s15+s1], $0x80, $0x38;
	[tilespmem:$0x10420] =	vst v63  }
0x97: {  	_ =	swait.ge [sflag:s11], $0x80  }
0x98: {  	[sflag:s11] =	ssyncset.done $0x0  }
0x99: {  	[sflag:s11] =	ssyncadd.s32 $0xFFFFFF80  }
0x9a: {  	[tilespmem:s10], [sflag:$0x1] =	stream.indirect.gather [spmem:s2], $0x80, s1, s12, $0xb8;
	[tilespmem:$0x10420] =	vst v63  }
0x9b: {  	_ =	swait.ge [sflag:s13], $0x4000  }
0x9c: {  	[sflag:s13] =	ssyncset.done $0x0  }
0x9d: {  	[sflag:s13] =	ssyncadd.s32 $0xFFFFC000  }
0x9e: {  	[hbm4b:s9+s1] =	stream.linear.scatter [tilespmem:s5], [sflag:$0x4], $0x4000, $0x38;
	[tilespmem:$0x10420] =	vst v63  }
0x9f: {  	_ =	swait.ge [sflag:s7], $0x4000  }
0xa0: {  	[sflag:s7] =	ssyncset.done $0x0  }
0xa1: {  	[sflag:s7] =	ssyncadd.s32 $0xFFFFC000  }
0xa2: {  	[tilespmem:s12], [sflag:$0x5] =	stream.linear.gather [hbm4b:s8+s1], $0x80, $0x38;
	[tilespmem:$0x10420] =	vst v63  }
0xa3: {  	_ =	swait.ge [sflag:s11], $0x80  }
0xa4: {  	[sflag:s11] =	ssyncset.done $0x0  }
0xa5: {  	[sflag:s11] =	ssyncadd.s32 $0xFFFFFF80  }
0xa6: {  	[tilespmem:s5], [sflag:$0x2] =	stream.indirect.gather [spmem:s2], $0x80, s12, s12, $0xb8;
	[tilespmem:$0x10420] =	vst v63  }
0xa7: {  	_ =	swait.ge [sflag:s14], $0x4000  }
0xa8: {  	[sflag:s14] =	ssyncset.done $0x0  }
0xa9: {  	[sflag:s14] =	ssyncadd.s32 $0xFFFFC000  }
0xaa: {  	[hbm4b:s4+s1] =	stream.linear.scatter [tilespmem:s10], [sflag:$0x3], $0x4000, $0x38;
	[tilespmem:$0x10420] =	vst v63  }
0xab: {  	_ =	swait.ge [sflag:s13], $0x4000  }
0xac: {  	[sflag:s13] =	ssyncset.done $0x0  }
0xad: {  	[sflag:s13] =	ssyncadd.s32 $0xFFFFC000  }
0xae: {  	[hbm4b:s3+s1] =	stream.linear.scatter [tilespmem:s5], [sflag:$0x4], $0x4000, $0x38;
	[tilespmem:$0x10420] =	vst v63  }
.Ltmp2:
0xaf: {  	_ =	swait.ge [sflag:s6], $0x4000;
	(pc) =	sbr.rel @p2 .LBB2_2-.Ltmp2, $4  }
0xb0: {  	[sflag:s6] =	ssyncset.done $0x0  }
0xb1: {  	[sflag:s6] =	ssyncadd.s32 $0xFFFFC000  }
0xb2: {  	_ =	swait.ge [sflag:s7], $0x4000  }
0xb3: {  	[sflag:s7] =	ssyncset.done $0x0  }
.LBB2_3:
0xb4: {  	s25 =	simm.s32 @!p0 $0x1C05;
	[sflag:s7] =	ssyncadd.s32 @p1 $0xFFFFC000  }
0xb5: {  	[spmem:s24], [sflag:s25] =	dma.local @!p0 [hbm:s19], $0x10640  }
0xb6: {  	s19 =	simm.s32 @!p0 $0x5  }
0xb7: {  	_ =	swait.ge @!p0 [sflag:s19], $0x10640  }
0xb8: {  	[sflag:s19] =	ssyncset.done @!p0 $0x0  }
0xb9: {  	[sflag:s19] =	ssyncadd.s32 @!p0 $0xFFFEF9C0  }
0xba: {  	[bflag:$0x0] =	sbarrier.arrive $0xFFFF  }
0xbb: {  	[tilespmem:s1], [sflag:$0x5] =	stream.linear.gather [hbm4b:s23+s1], $0x80, $0x38;
	[tilespmem:$0x10420] =	vst v63  }
0xbc: {  	_ =	swait.ge [sflag:s11], $0x80  }
0xbd: {  	[sflag:s11] =	ssyncset.done $0x0  }
0xbe: {  	[sflag:s11] =	ssyncadd.s32 $0xFFFFFF80  }
0xbf: {  	[tilespmem:s10], [sflag:$0x1] =	stream.indirect.gather [spmem:s2], $0x80, s1, s12, $0xb8;
	[tilespmem:$0x10420] =	vst v63  }
0xc0: {  	_ = 	snop  }
0xc1: {  	[tilespmem:s12], [sflag:$0x5] =	stream.linear.gather [hbm4b:s22+s1], $0x80, $0x38;
	[tilespmem:$0x10420] =	vst v63  }
0xc2: {  	_ =	swait.ge [sflag:s11], $0x80  }
0xc3: {  	[sflag:s11] =	ssyncset.done $0x0  }
0xc4: {  	[sflag:s11] =	ssyncadd.s32 $0xFFFFFF80  }
0xc5: {  	[tilespmem:s5], [sflag:$0x2] =	stream.indirect.gather [spmem:s2], $0x80, s12, s12, $0xb8;
	[tilespmem:$0x10420] =	vst v63  }
0xc6: {  	_ =	swait.ge [sflag:s14], $0x4000  }
0xc7: {  	[sflag:s14] =	ssyncset.done $0x0  }
0xc8: {  	[sflag:s14] =	ssyncadd.s32 $0xFFFFC000  }
0xc9: {  	[hbm4b:s21+s1] =	stream.linear.scatter [tilespmem:s10], [sflag:$0x3], $0x4000, $0x38;
	[tilespmem:$0x10420] =	vst v63  }
0xca: {  	_ =	swait.ge [sflag:s6], $0x4000  }
0xcb: {  	[sflag:s6] =	ssyncset.done $0x0  }
0xcc: {  	[sflag:s6] =	ssyncadd.s32 $0xFFFFC000  }
0xcd: {  	[tilespmem:s1], [sflag:$0x5] =	stream.linear.gather [hbm4b:s20+s1], $0x80, $0x38;
	[tilespmem:$0x10420] =	vst v63  }
0xce: {  	_ =	swait.ge [sflag:s11], $0x80  }
0xcf: {  	[sflag:s11] =	ssyncset.done $0x0  }
0xd0: {  	[sflag:s11] =	ssyncadd.s32 $0xFFFFFF80  }
0xd1: {  	[tilespmem:s10], [sflag:$0x1] =	stream.indirect.gather [spmem:s2], $0x80, s1, s12, $0xb8;
	[tilespmem:$0x10420] =	vst v63  }
0xd2: {  	_ =	swait.ge [sflag:s13], $0x4000  }
0xd3: {  	[sflag:s13] =	ssyncset.done $0x0  }
0xd4: {  	[sflag:s13] =	ssyncadd.s32 $0xFFFFC000  }
0xd5: {  	[hbm4b:s17+s1] =	stream.linear.scatter [tilespmem:s5], [sflag:$0x4], $0x4000, $0x38;
	[tilespmem:$0x10420] =	vst v63  }
0xd6: {  	_ =	swait.ge [sflag:s7], $0x4000  }
0xd7: {  	[sflag:s7] =	ssyncset.done $0x0  }
0xd8: {  	[sflag:s7] =	ssyncadd.s32 $0xFFFFC000  }
0xd9: {  	[tilespmem:s12], [sflag:$0x5] =	stream.linear.gather [hbm4b:s18+s1], $0x80, $0x38;
	[tilespmem:$0x10420] =	vst v63  }
0xda: {  	_ =	swait.ge [sflag:s11], $0x80  }
0xdb: {  	[sflag:s11] =	ssyncset.done $0x0  }
0xdc: {  	[sflag:s11] =	ssyncadd.s32 $0xFFFFFF80  }
0xdd: {  	[tilespmem:s5], [sflag:$0x2] =	stream.indirect.gather [spmem:s2], $0x80, s12, s12, $0xb8;
	[tilespmem:$0x10420] =	vst v63  }
0xde: {  	_ =	swait.ge [sflag:s14], $0x4000  }
0xdf: {  	[sflag:s14] =	ssyncset.done $0x0  }
0xe0: {  	[sflag:s14] =	ssyncadd.s32 $0xFFFFC000  }
0xe1: {  	[hbm4b:s16+s1] =	stream.linear.scatter [tilespmem:s10], [sflag:$0x3], $0x4000, $0x38;
	[tilespmem:$0x10420] =	vst v63  }
0xe2: {  	_ =	swait.ge [sflag:s6], $0x4000  }
0xe3: {  	[sflag:s6] =	ssyncset.done $0x0  }
0xe4: {  	[sflag:s6] =	ssyncadd.s32 $0xFFFFC000  }
0xe5: {  	[tilespmem:s1], [sflag:$0x5] =	stream.linear.gather [hbm4b:s15+s1], $0x80, $0x38;
	[tilespmem:$0x10420] =	vst v63  }
0xe6: {  	_ =	swait.ge [sflag:s11], $0x80  }
0xe7: {  	[sflag:s11] =	ssyncset.done $0x0  }
0xe8: {  	[sflag:s11] =	ssyncadd.s32 $0xFFFFFF80  }
0xe9: {  	[tilespmem:s10], [sflag:$0x1] =	stream.indirect.gather [spmem:s2], $0x80, s1, s12, $0xb8;
	[tilespmem:$0x10420] =	vst v63  }
0xea: {  	_ =	swait.ge [sflag:s13], $0x4000  }
0xeb: {  	[sflag:s13] =	ssyncset.done $0x0  }
0xec: {  	[sflag:s13] =	ssyncadd.s32 $0xFFFFC000  }
0xed: {  	[hbm4b:s9+s1] =	stream.linear.scatter [tilespmem:s5], [sflag:$0x4], $0x4000, $0x38;
	[tilespmem:$0x10420] =	vst v63  }
0xee: {  	_ =	swait.ge [sflag:s7], $0x4000  }
0xef: {  	[sflag:s7] =	ssyncset.done $0x0  }
0xf0: {  	[sflag:s7] =	ssyncadd.s32 $0xFFFFC000  }
0xf1: {  	[tilespmem:s12], [sflag:$0x5] =	stream.linear.gather [hbm4b:s8+s1], $0x80, $0x38;
	[tilespmem:$0x10420] =	vst v63  }
0xf2: {  	_ =	swait.ge [sflag:s11], $0x80  }
0xf3: {  	[sflag:s11] =	ssyncset.done $0x0  }
0xf4: {  	[sflag:s11] =	ssyncadd.s32 $0xFFFFFF80  }
0xf5: {  	[tilespmem:s5], [sflag:$0x2] =	stream.indirect.gather [spmem:s2], $0x80, s12, s12, $0xb8;
	[tilespmem:$0x10420] =	vst v63  }
0xf6: {  	_ =	swait.ge [sflag:s14], $0x4000  }
0xf7: {  	[sflag:s14] =	ssyncset.done $0x0  }
0xf8: {  	[sflag:s14] =	ssyncadd.s32 $0xFFFFC000  }
0xf9: {  	[hbm4b:s4+s1] =	stream.linear.scatter [tilespmem:s10], [sflag:$0x3], $0x4000, $0x38;
	[tilespmem:$0x10420] =	vst v63  }
0xfa: {  	_ =	swait.ge [sflag:s13], $0x4000  }
0xfb: {  	[sflag:s13] =	ssyncset.done $0x0  }
0xfc: {  	[sflag:s13] =	ssyncadd.s32 $0xFFFFC000  }
0xfd: {  	[hbm4b:s3+s1] =	stream.linear.scatter [tilespmem:s5], [sflag:$0x4], $0x4000, $0x38;
	[tilespmem:$0x10420] =	vst v63  }
0xfe: {  	_ =	swait.ge [sflag:s6], $0x4000  }
0xff: {  	[sflag:s6] =	ssyncset.done $0x0  }
0x100: {  	[sflag:s6] =	ssyncadd.s32 $0xFFFFC000  }
0x101: {  	_ =	swait.ge [sflag:s7], $0x4000  }
0x102: {  	[sflag:s7] =	ssyncset.done $0x0  }
0x103: {  	[sflag:s7] =	ssyncadd.s32 $0xFFFFC000  }
0x104: {  	_ =	sfence.sel $0x180000  }
0x105: {  	[bflag:$0x0] =	sbarrier.arrive $0xFFFF  }
0x106: {  	_ =	strace $0x90000047  }
0x107: {  	s0 =	sadd.s32 @!p0 $0x100000, s0;
	[bflag:$0x2] =	sbarrier.arrive $0xFFFF  }
0x108: {  	[sflag:s0] =	ssyncadd.tile.s32 @!p0 $0x1;
	_ =	shalt  }
.Lfunc_end2:
_tile_overlayer_lowered:
.L_overlay_start_2:
0x109: {  	(tag) =	ssettag $0x2  }
0x10a: {  	s0 =	rddreg [dreg:$0x0];
	s2 =	stileid.u32  }
0x10b: {  	s1 =	rddreg [dreg:$0x1];
	p0 =	sne.s32 s2, $0x0  }
0x10c: {  	s3 =	rddreg [dreg:$0x2];
	[bflag:$0x3] =	sbarrier.arrive $0xFFFF;
	s2 =	simm.s32 @!p0 $0x1C05  }
0x10d: {  	[timem:s3], [sflag:s2] =	dma.local @!p0 [hbm:s0], s1  }
0x10e: {  	s0 =	simm.s32 @!p0 $0x5  }
0x10f: {  	_ =	swait.ge @!p0 [sflag:s0], s1  }
0x110: {  	s1 =	ssub.s32 @!p0 $0x0, s1;
	[sflag:s0] =	ssyncset.done @!p0 $0x0  }
0x111: {  	[sflag:s0] =	ssyncadd.s32 @!p0 s1  }
0x112: {  	[bflag:$0x3] =	sbarrier.arrive $0xFFFF  }
0x113: {  	_ =	shalt  }

</sc_bundles>
